<compile_context>
chip_gen: v7x
topology: tpu7x:2x2x1
jax: 0.10.2.dev20260603
libtpu: 0.0.44.dev20260713+nightly
codegen_flags: <defaults>
</compile_context>

<pallas_src>
import functools

import jax
import jax.numpy as jnp
from jax import lax
from jax.experimental import pallas as pl
from jax.experimental.pallas import tpu as pltpu
from jax.experimental.pallas import tpu_sc as plsc

_NC = 2
_NS = 16
_NW = _NC * _NS

_D = 8
_IV = 128
_SPC = 32
_CH = _IV * _SPC
_H = _SPC // 2

_R = 4096
_RH = _R // 2


def _iota16():
    return lax.broadcasted_iota(jnp.int32, (16,), 0)


def _build_body(n, b, xf_hbm, xt_hbm, y_hbm, tin_v, tbuf_v, sem0, sem1):
    wid = lax.axis_index("s") * _NC + lax.axis_index("c")
    per_w = n // _NW
    base = wid * per_w
    iota = _iota16()

    def interleave_half(h):
        def grp(g, c2):
            vbase = h * _RH + g * 16
            for bb in range(b):
                v = tin_v[bb, pl.ds(vbase, 16)]
                idx = (vbase + iota) * _D + bb
                plsc.store_scatter(tbuf_v, [idx], v)
            return c2

        lax.fori_loop(0, _RH // 16, grp, 0)

    def blk(s, c):
        lo = base + s * _R
        cps0 = [pltpu.async_copy(xf_hbm.at[bb].at[pl.ds(lo, _RH)],
                                 tin_v.at[bb].at[pl.ds(0, _RH)], sem0)
                for bb in range(b)]
        cps1 = [pltpu.async_copy(xf_hbm.at[bb].at[pl.ds(lo + _RH, _RH)],
                                 tin_v.at[bb].at[pl.ds(_RH, _RH)], sem1)
                for bb in range(b)]
        for cp in cps0:
            cp.wait()
        interleave_half(0)
        for cp in cps1:
            cp.wait()
        interleave_half(1)
        pltpu.sync_copy(tbuf_v, xt_hbm.at[pl.ds(lo * _D, _R * _D)])
        for bb in range(b):
            pltpu.sync_copy(tin_v.at[bb], y_hbm.at[bb].at[pl.ds(lo, _R)])
        return c

    lax.fori_loop(0, per_w // _R, blk, 0)


def _gather_body(n, b, xt_hbm, perm_hbm, out_hbm, idx_v, rows_v, obuf_v,
                 sem0, sem1):
    wid = lax.axis_index("s") * _NC + lax.axis_index("c")
    per_w = n // _NW
    base = wid * per_w
    base_r = wid * (per_w // _IV)
    iota = _iota16()
    hlen = _H * _IV

    def deint_half(h):
        def grp(g, c2):
            r0 = h * hlen + g * 16
            rows = r0 + iota
            for bb in range(b):
                col = jnp.full((16,), bb, jnp.int32)
                v = plsc.load_gather(rows_v, [rows, col])
                obuf_v[bb, pl.ds(r0, 16)] = v
            return c2

        lax.fori_loop(0, hlen // 16, grp, 0)

    def chunk(s, c):
        off_r = base_r + s * _SPC
        pltpu.sync_copy(perm_hbm.at[pl.ds(off_r, _SPC)], idx_v)
        cps0 = [pltpu.async_copy(xt_hbm.at[idx_v.at[i]],
                                 rows_v.at[pl.ds(i * _IV, _IV)], sem0)
                for i in range(_H)]
        cps1 = [pltpu.async_copy(xt_hbm.at[idx_v.at[_H + i]],
                                 rows_v.at[pl.ds((_H + i) * _IV, _IV)], sem1)
                for i in range(_H)]
        for cp in cps0:
            cp.wait()
        deint_half(0)
        for cp in cps1:
            cp.wait()
        deint_half(1)
        jlo = base + s * _CH
        for bb in range(b):
            pltpu.sync_copy(obuf_v.at[bb], out_hbm.at[bb].at[pl.ds(jlo, _CH)])
        return c

    lax.fori_loop(0, per_w // _CH, chunk, 0)


@jax.jit
def _interleave(xf, perm2):
    b, n = xf.shape
    mesh = plsc.VectorSubcoreMesh(core_axis_name="c", subcore_axis_name="s")
    build = pl.kernel(
        functools.partial(_build_body, n, b),
        out_type=(
            jax.ShapeDtypeStruct((n * _D,), jnp.float32),
            jax.ShapeDtypeStruct((b, n), jnp.float32),
        ),
        mesh=mesh,
        scratch_types=[
            pltpu.VMEM((b, _R), jnp.float32),
            pltpu.VMEM((_R * _D,), jnp.float32),
            pltpu.SemaphoreType.DMA,
            pltpu.SemaphoreType.DMA,
        ],
        compiler_params=pltpu.CompilerParams(use_tc_tiling_on_sc=False,
                                             needs_layout_passes=False),
    )
    xt_flat, y = build(xf)
    xt = xt_flat.reshape(n, _D)
    gather = pl.kernel(
        functools.partial(_gather_body, n, b),
        out_type=jax.ShapeDtypeStruct((b, n), jnp.float32),
        mesh=mesh,
        scratch_types=[
            pltpu.VMEM((_SPC, _IV), jnp.int32),
            pltpu.VMEM((_CH, _D), jnp.float32),
            pltpu.VMEM((b, _CH), jnp.float32),
            pltpu.SemaphoreType.DMA,
            pltpu.SemaphoreType.DMA,
        ],
        compiler_params=pltpu.CompilerParams(use_tc_tiling_on_sc=False,
                                             needs_layout_passes=False),
    )
    out = gather(xt, perm2)
    return out, y


def kernel(x, perm):
    bsz = x.shape[0]
    n = perm.shape[0]
    out, y = _interleave(x.reshape(bsz, n), perm.reshape(n // _IV, _IV))
    return (out.reshape(x.shape), y.reshape(x.shape))

# --- scband reference (transcript-rebuilt; emitter-appended) ---
"""Pipeline reference for scband-interleaver-30889404792874 (READ-ONLY COPY).

The authoritative reference and input builder live on the scoring server;
editing this copy changes nothing except your own understanding.
"""

import jax, jax.numpy as jnp
import numpy as np


def setup_inputs(seed: int = 0) -> dict:
    key = jax.random.key(seed)
    k1, k2 = jax.random.split(key)
    x = jax.random.normal(k1, (4, 2048, 1024), dtype=jnp.float32)
    x_len = 2048 * 1024
    # perm must be a true permutation (the TF module uses tf.random.shuffle(tf.range(x_len)));
    # jax.random.permutation guarantees unique, in-range indices so the scatter round-trips.
    perm = jax.random.permutation(k2, x_len).astype(jnp.int32)
    return {"x": x, "perm": perm}


def reference(x, perm):
    # interleave(): reshape to [B, -1], gather along axis 1 with perm, reshape back
    x_shape = x.shape
    batch_size = x_shape[0]
    flat = x.reshape(batch_size, -1)
    x_perm_flat = jnp.take(flat, perm, axis=1)
    x_perm = x_perm_flat.reshape(x_shape)

    # de_interleave(): scatter_nd writes y[b, perm[j]] = y_perm[b, j]
    # (tf.scatter_nd accumulates duplicates; perm is a permutation so .add == .set)
    y_flat = jnp.zeros_like(flat).at[:, perm].add(x_perm_flat)
    y = y_flat.reshape(x_shape)

    return (x_perm, y)

if __name__ == "__main__":
    import jax
    _d = setup_inputs()
    print(jax.jit(kernel)(*tuple(_d.values())))

</pallas_src>

<mosaic_0001>
#map = affine_map<(d0, d1) -> (0, 0)>
module attributes {stable_mosaic.version = 14 : i64} {
  func.func @_gather_body(%arg0: i32, %arg1: i32, %arg2: memref<2097152x8xf32, #tpu.memory_space<hbm>>, %arg3: memref<16384x128xi32, #tpu.memory_space<hbm>>, %arg4: memref<4x2097152xf32, #tpu.memory_space<hbm>>, %arg5: memref<32x128xi32, #tpu.memory_space<vmem>>, %arg6: memref<4096x8xf32, #tpu.memory_space<vmem>>, %arg7: memref<4x4096xf32, #tpu.memory_space<vmem>>, %arg8: memref<!tpu.dma_semaphore, #tpu.memory_space<semaphore_mem>>, %arg9: memref<!tpu.dma_semaphore, #tpu.memory_space<semaphore_mem>>) attributes {dimension_semantics = [#tpu.dimension_semantics<core_parallel>, #tpu.dimension_semantics<subcore_parallel>], iteration_bounds = array<i64: 2, 16>, scalar_prefetch = 0 : i64, scratch_operands = 5 : i64, tpu.core_type = #tpu.core_type<sc_vector_subcore>, window_params = [{transform_indices = #map}, {transform_indices = #map}, {transform_indices = #map}]} {
    %mul3A = arith.constant 2 : i32
    %mul3A_0 = arith.muli %arg1, %mul3A : i32
    %add3A = arith.addi %mul3A_0, %arg0 : i32
    %mul3A_1 = arith.constant 65536 : i32
    %mul3A_2 = arith.muli %add3A, %mul3A_1 : i32
    %mul3A_3 = arith.constant 512 : i32
    %mul3A_4 = arith.muli %add3A, %mul3A_3 : i32
    %iota3A = tpu.iota {dimensions = array<i32: 0>} : vector<16xi32>
    %scan3A = arith.constant 0 : i32
    %scan3A_5 = arith.constant 0 : i32
    %scan3A_6 = arith.constant 16 : i32
    %scan3A_7 = arith.addi %scan3A_5, %scan3A_6 : i32
    %scan3A_8 = arith.constant 1 : i32
    scf.for %scan3A_10 = %scan3A_5 to %scan3A_7 step %scan3A_8  : i32 {
      %mul3A_11 = arith.constant 32 : i32
      %mul3A_12 = arith.muli %scan3A_10, %mul3A_11 : i32
      %add3A_13 = arith.addi %mul3A_4, %mul3A_12 : i32
      "tpu.region"() ({
        %run_scoped3A_674 = tpu.sem_alloc : memref<!tpu.dma_semaphore, #tpu.memory_space<semaphore_mem>>
        %dma_start3A_675 = arith.constant 0 : i32
        %dma_start3A_676 = tpu.memref_slice %arg3[%add3A_13, %dma_start3A_675] : memref<16384x128xi32, #tpu.memory_space<hbm>> -> memref<32x128xi32, #tpu.memory_space<hbm>>
        %dma_start3A_677 = arith.constant 0 : i32
        %dma_start3A_678 = tpu.memref_slice %arg3[%add3A_13, %dma_start3A_677] : memref<16384x128xi32, #tpu.memory_space<hbm>> -> memref<32x128xi32, #tpu.memory_space<hbm>>
        tpu.enqueue_dma source(%dma_start3A_678 : memref<32x128xi32, #tpu.memory_space<hbm>>) target(%arg5 : memref<32x128xi32, #tpu.memory_space<vmem>>) target_semaphore(%run_scoped3A_674 : memref<!tpu.dma_semaphore, #tpu.memory_space<semaphore_mem>>)
        %dma_wait3A_679 = arith.constant 0 : i32
        %dma_wait3A_680 = tpu.memref_slice %arg3[%add3A_13, %dma_wait3A_679] : memref<16384x128xi32, #tpu.memory_space<hbm>> -> memref<32x128xi32, #tpu.memory_space<hbm>>
        %dma_wait3A_681 = arith.constant 0 : i32
        %dma_wait3A_682 = tpu.memref_slice %arg3[%add3A_13, %dma_wait3A_681] : memref<16384x128xi32, #tpu.memory_space<hbm>> -> memref<32x128xi32, #tpu.memory_space<hbm>>
        tpu.wait_dma2 semaphore(%run_scoped3A_674 : memref<!tpu.dma_semaphore, #tpu.memory_space<semaphore_mem>>) src(%dma_wait3A_682 : memref<32x128xi32, #tpu.memory_space<hbm>>) dst(%arg5 : memref<32x128xi32, #tpu.memory_space<vmem>>)
        tpu.yield
      }) : () -> ()
      %dma_start3A = arith.constant 0 : i32
      %dma_start3A_14 = arith.constant 0 : i32
      %dma_start3A_15 = arith.constant 0 : i32
      %dma_start3A_16 = tpu.memref_slice %arg6[%dma_start3A_14, %dma_start3A_15] : memref<4096x8xf32, #tpu.memory_space<vmem>> -> memref<128x8xf32, #tpu.memory_space<vmem>>
      %dma_start3A_17 = arith.constant 0 : i32
      %dma_start3A_18 = tpu.memref_slice %arg5[%dma_start3A, %dma_start3A_17] : memref<32x128xi32, #tpu.memory_space<vmem>> -> memref<1x128xi32, #tpu.memory_space<vmem>>
      %dma_start3A_19 = tpu.memref_squeeze %dma_start3A_18 : memref<1x128xi32, #tpu.memory_space<vmem>> -> memref<128xi32, #tpu.memory_space<vmem>>
      %dma_start3A_20 = arith.constant 0 : i32
      %dma_start3A_21 = arith.constant 0 : i32
      %dma_start3A_22 = tpu.memref_slice %arg2[%dma_start3A_20, %dma_start3A_21] : memref<2097152x8xf32, #tpu.memory_space<hbm>> -> memref<2097152x8xf32, #tpu.memory_space<hbm>>
      tpu.enqueue_indirect_dma source(%dma_start3A_22 : memref<2097152x8xf32, #tpu.memory_space<hbm>>) target(%dma_start3A_16 : memref<128x8xf32, #tpu.memory_space<vmem>>) offsets(%dma_start3A_19 : memref<128xi32, #tpu.memory_space<vmem>>) semaphore(%arg8 : memref<!tpu.dma_semaphore, #tpu.memory_space<semaphore_mem>>)
      %dma_start3A_23 = arith.constant 1 : i32
      %dma_start3A_24 = arith.constant 128 : i32
      %dma_start3A_25 = arith.constant 0 : i32
      %dma_start3A_26 = tpu.memref_slice %arg6[%dma_start3A_24, %dma_start3A_25] : memref<4096x8xf32, #tpu.memory_space<vmem>> -> memref<128x8xf32, #tpu.memory_space<vmem>>
      %dma_start3A_27 = arith.constant 0 : i32
      %dma_start3A_28 = tpu.memref_slice %arg5[%dma_start3A_23, %dma_start3A_27] : memref<32x128xi32, #tpu.memory_space<vmem>> -> memref<1x128xi32, #tpu.memory_space<vmem>>
      %dma_start3A_29 = tpu.memref_squeeze %dma_start3A_28 : memref<1x128xi32, #tpu.memory_space<vmem>> -> memref<128xi32, #tpu.memory_space<vmem>>
      %dma_start3A_30 = arith.constant 0 : i32
      %dma_start3A_31 = arith.constant 0 : i32
      %dma_start3A_32 = tpu.memref_slice %arg2[%dma_start3A_30, %dma_start3A_31] : memref<2097152x8xf32, #tpu.memory_space<hbm>> -> memref<2097152x8xf32, #tpu.memory_space<hbm>>
      tpu.enqueue_indirect_dma source(%dma_start3A_32 : memref<2097152x8xf32, #tpu.memory_space<hbm>>) target(%dma_start3A_26 : memref<128x8xf32, #tpu.memory_space<vmem>>) offsets(%dma_start3A_29 : memref<128xi32, #tpu.memory_space<vmem>>) semaphore(%arg8 : memref<!tpu.dma_semaphore, #tpu.memory_space<semaphore_mem>>)
      %dma_start3A_33 = arith.constant 2 : i32
      %dma_start3A_34 = arith.constant 256 : i32
      %dma_start3A_35 = arith.constant 0 : i32
      %dma_start3A_36 = tpu.memref_slice %arg6[%dma_start3A_34, %dma_start3A_35] : memref<4096x8xf32, #tpu.memory_space<vmem>> -> memref<128x8xf32, #tpu.memory_space<vmem>>
      %dma_start3A_37 = arith.constant 0 : i32
      %dma_start3A_38 = tpu.memref_slice %arg5[%dma_start3A_33, %dma_start3A_37] : memref<32x128xi32, #tpu.memory_space<vmem>> -> memref<1x128xi32, #tpu.memory_space<vmem>>
      %dma_start3A_39 = tpu.memref_squeeze %dma_start3A_38 : memref<1x128xi32, #tpu.memory_space<vmem>> -> memref<128xi32, #tpu.memory_space<vmem>>
      %dma_start3A_40 = arith.constant 0 : i32
      %dma_start3A_41 = arith.constant 0 : i32
      %dma_start3A_42 = tpu.memref_slice %arg2[%dma_start3A_40, %dma_start3A_41] : memref<2097152x8xf32, #tpu.memory_space<hbm>> -> memref<2097152x8xf32, #tpu.memory_space<hbm>>
      tpu.enqueue_indirect_dma source(%dma_start3A_42 : memref<2097152x8xf32, #tpu.memory_space<hbm>>) target(%dma_start3A_36 : memref<128x8xf32, #tpu.memory_space<vmem>>) offsets(%dma_start3A_39 : memref<128xi32, #tpu.memory_space<vmem>>) semaphore(%arg8 : memref<!tpu.dma_semaphore, #tpu.memory_space<semaphore_mem>>)
      %dma_start3A_43 = arith.constant 3 : i32
      %dma_start3A_44 = arith.constant 384 : i32
      %dma_start3A_45 = arith.constant 0 : i32
      %dma_start3A_46 = tpu.memref_slice %arg6[%dma_start3A_44, %dma_start3A_45] : memref<4096x8xf32, #tpu.memory_space<vmem>> -> memref<128x8xf32, #tpu.memory_space<vmem>>
      %dma_start3A_47 = arith.constant 0 : i32
      %dma_start3A_48 = tpu.memref_slice %arg5[%dma_start3A_43, %dma_start3A_47] : memref<32x128xi32, #tpu.memory_space<vmem>> -> memref<1x128xi32, #tpu.memory_space<vmem>>
      %dma_start3A_49 = tpu.memref_squeeze %dma_start3A_48 : memref<1x128xi32, #tpu.memory_space<vmem>> -> memref<128xi32, #tpu.memory_space<vmem>>
      %dma_start3A_50 = arith.constant 0 : i32
      %dma_start3A_51 = arith.constant 0 : i32
      %dma_start3A_52 = tpu.memref_slice %arg2[%dma_start3A_50, %dma_start3A_51] : memref<2097152x8xf32, #tpu.memory_space<hbm>> -> memref<2097152x8xf32, #tpu.memory_space<hbm>>
      tpu.enqueue_indirect_dma source(%dma_start3A_52 : memref<2097152x8xf32, #tpu.memory_space<hbm>>) target(%dma_start3A_46 : memref<128x8xf32, #tpu.memory_space<vmem>>) offsets(%dma_start3A_49 : memref<128xi32, #tpu.memory_space<vmem>>) semaphore(%arg8 : memref<!tpu.dma_semaphore, #tpu.memory_space<semaphore_mem>>)
      %dma_start3A_53 = arith.constant 4 : i32
      %dma_start3A_54 = arith.constant 512 : i32
      %dma_start3A_55 = arith.constant 0 : i32
      %dma_start3A_56 = tpu.memref_slice %arg6[%dma_start3A_54, %dma_start3A_55] : memref<4096x8xf32, #tpu.memory_space<vmem>> -> memref<128x8xf32, #tpu.memory_space<vmem>>
      %dma_start3A_57 = arith.constant 0 : i32
      %dma_start3A_58 = tpu.memref_slice %arg5[%dma_start3A_53, %dma_start3A_57] : memref<32x128xi32, #tpu.memory_space<vmem>> -> memref<1x128xi32, #tpu.memory_space<vmem>>
      %dma_start3A_59 = tpu.memref_squeeze %dma_start3A_58 : memref<1x128xi32, #tpu.memory_space<vmem>> -> memref<128xi32, #tpu.memory_space<vmem>>
      %dma_start3A_60 = arith.constant 0 : i32
      %dma_start3A_61 = arith.constant 0 : i32
      %dma_start3A_62 = tpu.memref_slice %arg2[%dma_start3A_60, %dma_start3A_61] : memref<2097152x8xf32, #tpu.memory_space<hbm>> -> memref<2097152x8xf32, #tpu.memory_space<hbm>>
      tpu.enqueue_indirect_dma source(%dma_start3A_62 : memref<2097152x8xf32, #tpu.memory_space<hbm>>) target(%dma_start3A_56 : memref<128x8xf32, #tpu.memory_space<vmem>>) offsets(%dma_start3A_59 : memref<128xi32, #tpu.memory_space<vmem>>) semaphore(%arg8 : memref<!tpu.dma_semaphore, #tpu.memory_space<semaphore_mem>>)
      %dma_start3A_63 = arith.constant 5 : i32
      %dma_start3A_64 = arith.constant 640 : i32
      %dma_start3A_65 = arith.constant 0 : i32
      %dma_start3A_66 = tpu.memref_slice %arg6[%dma_start3A_64, %dma_start3A_65] : memref<4096x8xf32, #tpu.memory_space<vmem>> -> memref<128x8xf32, #tpu.memory_space<vmem>>
      %dma_start3A_67 = arith.constant 0 : i32
      %dma_start3A_68 = tpu.memref_slice %arg5[%dma_start3A_63, %dma_start3A_67] : memref<32x128xi32, #tpu.memory_space<vmem>> -> memref<1x128xi32, #tpu.memory_space<vmem>>
      %dma_start3A_69 = tpu.memref_squeeze %dma_start3A_68 : memref<1x128xi32, #tpu.memory_space<vmem>> -> memref<128xi32, #tpu.memory_space<vmem>>
      %dma_start3A_70 = arith.constant 0 : i32
      %dma_start3A_71 = arith.constant 0 : i32
      %dma_start3A_72 = tpu.memref_slice %arg2[%dma_start3A_70, %dma_start3A_71] : memref<2097152x8xf32, #tpu.memory_space<hbm>> -> memref<2097152x8xf32, #tpu.memory_space<hbm>>
      tpu.enqueue_indirect_dma source(%dma_start3A_72 : memref<2097152x8xf32, #tpu.memory_space<hbm>>) target(%dma_start3A_66 : memref<128x8xf32, #tpu.memory_space<vmem>>) offsets(%dma_start3A_69 : memref<128xi32, #tpu.memory_space<vmem>>) semaphore(%arg8 : memref<!tpu.dma_semaphore, #tpu.memory_space<semaphore_mem>>)
      %dma_start3A_73 = arith.constant 6 : i32
      %dma_start3A_74 = arith.constant 768 : i32
      %dma_start3A_75 = arith.constant 0 : i32
      %dma_start3A_76 = tpu.memref_slice %arg6[%dma_start3A_74, %dma_start3A_75] : memref<4096x8xf32, #tpu.memory_space<vmem>> -> memref<128x8xf32, #tpu.memory_space<vmem>>
      %dma_start3A_77 = arith.constant 0 : i32
      %dma_start3A_78 = tpu.memref_slice %arg5[%dma_start3A_73, %dma_start3A_77] : memref<32x128xi32, #tpu.memory_space<vmem>> -> memref<1x128xi32, #tpu.memory_space<vmem>>
      %dma_start3A_79 = tpu.memref_squeeze %dma_start3A_78 : memref<1x128xi32, #tpu.memory_space<vmem>> -> memref<128xi32, #tpu.memory_space<vmem>>
      %dma_start3A_80 = arith.constant 0 : i32
      %dma_start3A_81 = arith.constant 0 : i32
      %dma_start3A_82 = tpu.memref_slice %arg2[%dma_start3A_80, %dma_start3A_81] : memref<2097152x8xf32, #tpu.memory_space<hbm>> -> memref<2097152x8xf32, #tpu.memory_space<hbm>>
      tpu.enqueue_indirect_dma source(%dma_start3A_82 : memref<2097152x8xf32, #tpu.memory_space<hbm>>) target(%dma_start3A_76 : memref<128x8xf32, #tpu.memory_space<vmem>>) offsets(%dma_start3A_79 : memref<128xi32, #tpu.memory_space<vmem>>) semaphore(%arg8 : memref<!tpu.dma_semaphore, #tpu.memory_space<semaphore_mem>>)
      %dma_start3A_83 = arith.constant 7 : i32
      %dma_start3A_84 = arith.constant 896 : i32
      %dma_start3A_85 = arith.constant 0 : i32
      %dma_start3A_86 = tpu.memref_slice %arg6[%dma_start3A_84, %dma_start3A_85] : memref<4096x8xf32, #tpu.memory_space<vmem>> -> memref<128x8xf32, #tpu.memory_space<vmem>>
      %dma_start3A_87 = arith.constant 0 : i32
      %dma_start3A_88 = tpu.memref_slice %arg5[%dma_start3A_83, %dma_start3A_87] : memref<32x128xi32, #tpu.memory_space<vmem>> -> memref<1x128xi32, #tpu.memory_space<vmem>>
      %dma_start3A_89 = tpu.memref_squeeze %dma_start3A_88 : memref<1x128xi32, #tpu.memory_space<vmem>> -> memref<128xi32, #tpu.memory_space<vmem>>
      %dma_start3A_90 = arith.constant 0 : i32
      %dma_start3A_91 = arith.constant 0 : i32
      %dma_start3A_92 = tpu.memref_slice %arg2[%dma_start3A_90, %dma_start3A_91] : memref<2097152x8xf32, #tpu.memory_space<hbm>> -> memref<2097152x8xf32, #tpu.memory_space<hbm>>
      tpu.enqueue_indirect_dma source(%dma_start3A_92 : memref<2097152x8xf32, #tpu.memory_space<hbm>>) target(%dma_start3A_86 : memref<128x8xf32, #tpu.memory_space<vmem>>) offsets(%dma_start3A_89 : memref<128xi32, #tpu.memory_space<vmem>>) semaphore(%arg8 : memref<!tpu.dma_semaphore, #tpu.memory_space<semaphore_mem>>)
      %dma_start3A_93 = arith.constant 8 : i32
      %dma_start3A_94 = arith.constant 1024 : i32
      %dma_start3A_95 = arith.constant 0 : i32
      %dma_start3A_96 = tpu.memref_slice %arg6[%dma_start3A_94, %dma_start3A_95] : memref<4096x8xf32, #tpu.memory_space<vmem>> -> memref<128x8xf32, #tpu.memory_space<vmem>>
      %dma_start3A_97 = arith.constant 0 : i32
      %dma_start3A_98 = tpu.memref_slice %arg5[%dma_start3A_93, %dma_start3A_97] : memref<32x128xi32, #tpu.memory_space<vmem>> -> memref<1x128xi32, #tpu.memory_space<vmem>>
      %dma_start3A_99 = tpu.memref_squeeze %dma_start3A_98 : memref<1x128xi32, #tpu.memory_space<vmem>> -> memref<128xi32, #tpu.memory_space<vmem>>
      %dma_start3A_100 = arith.constant 0 : i32
      %dma_start3A_101 = arith.constant 0 : i32
      %dma_start3A_102 = tpu.memref_slice %arg2[%dma_start3A_100, %dma_start3A_101] : memref<2097152x8xf32, #tpu.memory_space<hbm>> -> memref<2097152x8xf32, #tpu.memory_space<hbm>>
      tpu.enqueue_indirect_dma source(%dma_start3A_102 : memref<2097152x8xf32, #tpu.memory_space<hbm>>) target(%dma_start3A_96 : memref<128x8xf32, #tpu.memory_space<vmem>>) offsets(%dma_start3A_99 : memref<128xi32, #tpu.memory_space<vmem>>) semaphore(%arg8 : memref<!tpu.dma_semaphore, #tpu.memory_space<semaphore_mem>>)
      %dma_start3A_103 = arith.constant 9 : i32
      %dma_start3A_104 = arith.constant 1152 : i32
      %dma_start3A_105 = arith.constant 0 : i32
      %dma_start3A_106 = tpu.memref_slice %arg6[%dma_start3A_104, %dma_start3A_105] : memref<4096x8xf32, #tpu.memory_space<vmem>> -> memref<128x8xf32, #tpu.memory_space<vmem>>
      %dma_start3A_107 = arith.constant 0 : i32
      %dma_start3A_108 = tpu.memref_slice %arg5[%dma_start3A_103, %dma_start3A_107] : memref<32x128xi32, #tpu.memory_space<vmem>> -> memref<1x128xi32, #tpu.memory_space<vmem>>
      %dma_start3A_109 = tpu.memref_squeeze %dma_start3A_108 : memref<1x128xi32, #tpu.memory_space<vmem>> -> memref<128xi32, #tpu.memory_space<vmem>>
      %dma_start3A_110 = arith.constant 0 : i32
      %dma_start3A_111 = arith.constant 0 : i32
      %dma_start3A_112 = tpu.memref_slice %arg2[%dma_start3A_110, %dma_start3A_111] : memref<2097152x8xf32, #tpu.memory_space<hbm>> -> memref<2097152x8xf32, #tpu.memory_space<hbm>>
      tpu.enqueue_indirect_dma source(%dma_start3A_112 : memref<2097152x8xf32, #tpu.memory_space<hbm>>) target(%dma_start3A_106 : memref<128x8xf32, #tpu.memory_space<vmem>>) offsets(%dma_start3A_109 : memref<128xi32, #tpu.memory_space<vmem>>) semaphore(%arg8 : memref<!tpu.dma_semaphore, #tpu.memory_space<semaphore_mem>>)
      %dma_start3A_113 = arith.constant 10 : i32
      %dma_start3A_114 = arith.constant 1280 : i32
      %dma_start3A_115 = arith.constant 0 : i32
      %dma_start3A_116 = tpu.memref_slice %arg6[%dma_start3A_114, %dma_start3A_115] : memref<4096x8xf32, #tpu.memory_space<vmem>> -> memref<128x8xf32, #tpu.memory_space<vmem>>
      %dma_start3A_117 = arith.constant 0 : i32
      %dma_start3A_118 = tpu.memref_slice %arg5[%dma_start3A_113, %dma_start3A_117] : memref<32x128xi32, #tpu.memory_space<vmem>> -> memref<1x128xi32, #tpu.memory_space<vmem>>
      %dma_start3A_119 = tpu.memref_squeeze %dma_start3A_118 : memref<1x128xi32, #tpu.memory_space<vmem>> -> memref<128xi32, #tpu.memory_space<vmem>>
      %dma_start3A_120 = arith.constant 0 : i32
      %dma_start3A_121 = arith.constant 0 : i32
      %dma_start3A_122 = tpu.memref_slice %arg2[%dma_start3A_120, %dma_start3A_121] : memref<2097152x8xf32, #tpu.memory_space<hbm>> -> memref<2097152x8xf32, #tpu.memory_space<hbm>>
      tpu.enqueue_indirect_dma source(%dma_start3A_122 : memref<2097152x8xf32, #tpu.memory_space<hbm>>) target(%dma_start3A_116 : memref<128x8xf32, #tpu.memory_space<vmem>>) offsets(%dma_start3A_119 : memref<128xi32, #tpu.memory_space<vmem>>) semaphore(%arg8 : memref<!tpu.dma_semaphore, #tpu.memory_space<semaphore_mem>>)
      %dma_start3A_123 = arith.constant 11 : i32
      %dma_start3A_124 = arith.constant 1408 : i32
      %dma_start3A_125 = arith.constant 0 : i32
      %dma_start3A_126 = tpu.memref_slice %arg6[%dma_start3A_124, %dma_start3A_125] : memref<4096x8xf32, #tpu.memory_space<vmem>> -> memref<128x8xf32, #tpu.memory_space<vmem>>
      %dma_start3A_127 = arith.constant 0 : i32
      %dma_start3A_128 = tpu.memref_slice %arg5[%dma_start3A_123, %dma_start3A_127] : memref<32x128xi32, #tpu.memory_space<vmem>> -> memref<1x128xi32, #tpu.memory_space<vmem>>
      %dma_start3A_129 = tpu.memref_squeeze %dma_start3A_128 : memref<1x128xi32, #tpu.memory_space<vmem>> -> memref<128xi32, #tpu.memory_space<vmem>>
      %dma_start3A_130 = arith.constant 0 : i32
      %dma_start3A_131 = arith.constant 0 : i32
      %dma_start3A_132 = tpu.memref_slice %arg2[%dma_start3A_130, %dma_start3A_131] : memref<2097152x8xf32, #tpu.memory_space<hbm>> -> memref<2097152x8xf32, #tpu.memory_space<hbm>>
      tpu.enqueue_indirect_dma source(%dma_start3A_132 : memref<2097152x8xf32, #tpu.memory_space<hbm>>) target(%dma_start3A_126 : memref<128x8xf32, #tpu.memory_space<vmem>>) offsets(%dma_start3A_129 : memref<128xi32, #tpu.memory_space<vmem>>) semaphore(%arg8 : memref<!tpu.dma_semaphore, #tpu.memory_space<semaphore_mem>>)
      %dma_start3A_133 = arith.constant 12 : i32
      %dma_start3A_134 = arith.constant 1536 : i32
      %dma_start3A_135 = arith.constant 0 : i32
      %dma_start3A_136 = tpu.memref_slice %arg6[%dma_start3A_134, %dma_start3A_135] : memref<4096x8xf32, #tpu.memory_space<vmem>> -> memref<128x8xf32, #tpu.memory_space<vmem>>
      %dma_start3A_137 = arith.constant 0 : i32
      %dma_start3A_138 = tpu.memref_slice %arg5[%dma_start3A_133, %dma_start3A_137] : memref<32x128xi32, #tpu.memory_space<vmem>> -> memref<1x128xi32, #tpu.memory_space<vmem>>
      %dma_start3A_139 = tpu.memref_squeeze %dma_start3A_138 : memref<1x128xi32, #tpu.memory_space<vmem>> -> memref<128xi32, #tpu.memory_space<vmem>>
      %dma_start3A_140 = arith.constant 0 : i32
      %dma_start3A_141 = arith.constant 0 : i32
      %dma_start3A_142 = tpu.memref_slice %arg2[%dma_start3A_140, %dma_start3A_141] : memref<2097152x8xf32, #tpu.memory_space<hbm>> -> memref<2097152x8xf32, #tpu.memory_space<hbm>>
      tpu.enqueue_indirect_dma source(%dma_start3A_142 : memref<2097152x8xf32, #tpu.memory_space<hbm>>) target(%dma_start3A_136 : memref<128x8xf32, #tpu.memory_space<vmem>>) offsets(%dma_start3A_139 : memref<128xi32, #tpu.memory_space<vmem>>) semaphore(%arg8 : memref<!tpu.dma_semaphore, #tpu.memory_space<semaphore_mem>>)
      %dma_start3A_143 = arith.constant 13 : i32
      %dma_start3A_144 = arith.constant 1664 : i32
      %dma_start3A_145 = arith.constant 0 : i32
      %dma_start3A_146 = tpu.memref_slice %arg6[%dma_start3A_144, %dma_start3A_145] : memref<4096x8xf32, #tpu.memory_space<vmem>> -> memref<128x8xf32, #tpu.memory_space<vmem>>
      %dma_start3A_147 = arith.constant 0 : i32
      %dma_start3A_148 = tpu.memref_slice %arg5[%dma_start3A_143, %dma_start3A_147] : memref<32x128xi32, #tpu.memory_space<vmem>> -> memref<1x128xi32, #tpu.memory_space<vmem>>
      %dma_start3A_149 = tpu.memref_squeeze %dma_start3A_148 : memref<1x128xi32, #tpu.memory_space<vmem>> -> memref<128xi32, #tpu.memory_space<vmem>>
      %dma_start3A_150 = arith.constant 0 : i32
      %dma_start3A_151 = arith.constant 0 : i32
      %dma_start3A_152 = tpu.memref_slice %arg2[%dma_start3A_150, %dma_start3A_151] : memref<2097152x8xf32, #tpu.memory_space<hbm>> -> memref<2097152x8xf32, #tpu.memory_space<hbm>>
      tpu.enqueue_indirect_dma source(%dma_start3A_152 : memref<2097152x8xf32, #tpu.memory_space<hbm>>) target(%dma_start3A_146 : memref<128x8xf32, #tpu.memory_space<vmem>>) offsets(%dma_start3A_149 : memref<128xi32, #tpu.memory_space<vmem>>) semaphore(%arg8 : memref<!tpu.dma_semaphore, #tpu.memory_space<semaphore_mem>>)
      %dma_start3A_153 = arith.constant 14 : i32
      %dma_start3A_154 = arith.constant 1792 : i32
      %dma_start3A_155 = arith.constant 0 : i32
      %dma_start3A_156 = tpu.memref_slice %arg6[%dma_start3A_154, %dma_start3A_155] : memref<4096x8xf32, #tpu.memory_space<vmem>> -> memref<128x8xf32, #tpu.memory_space<vmem>>
      %dma_start3A_157 = arith.constant 0 : i32
      %dma_start3A_158 = tpu.memref_slice %arg5[%dma_start3A_153, %dma_start3A_157] : memref<32x128xi32, #tpu.memory_space<vmem>> -> memref<1x128xi32, #tpu.memory_space<vmem>>
      %dma_start3A_159 = tpu.memref_squeeze %dma_start3A_158 : memref<1x128xi32, #tpu.memory_space<vmem>> -> memref<128xi32, #tpu.memory_space<vmem>>
      %dma_start3A_160 = arith.constant 0 : i32
      %dma_start3A_161 = arith.constant 0 : i32
      %dma_start3A_162 = tpu.memref_slice %arg2[%dma_start3A_160, %dma_start3A_161] : memref<2097152x8xf32, #tpu.memory_space<hbm>> -> memref<2097152x8xf32, #tpu.memory_space<hbm>>
      tpu.enqueue_indirect_dma source(%dma_start3A_162 : memref<2097152x8xf32, #tpu.memory_space<hbm>>) target(%dma_start3A_156 : memref<128x8xf32, #tpu.memory_space<vmem>>) offsets(%dma_start3A_159 : memref<128xi32, #tpu.memory_space<vmem>>) semaphore(%arg8 : memref<!tpu.dma_semaphore, #tpu.memory_space<semaphore_mem>>)
      %dma_start3A_163 = arith.constant 15 : i32
      %dma_start3A_164 = arith.constant 1920 : i32
      %dma_start3A_165 = arith.constant 0 : i32
      %dma_start3A_166 = tpu.memref_slice %arg6[%dma_start3A_164, %dma_start3A_165] : memref<4096x8xf32, #tpu.memory_space<vmem>> -> memref<128x8xf32, #tpu.memory_space<vmem>>
      %dma_start3A_167 = arith.constant 0 : i32
      %dma_start3A_168 = tpu.memref_slice %arg5[%dma_start3A_163, %dma_start3A_167] : memref<32x128xi32, #tpu.memory_space<vmem>> -> memref<1x128xi32, #tpu.memory_space<vmem>>
      %dma_start3A_169 = tpu.memref_squeeze %dma_start3A_168 : memref<1x128xi32, #tpu.memory_space<vmem>> -> memref<128xi32, #tpu.memory_space<vmem>>
      %dma_start3A_170 = arith.constant 0 : i32
      %dma_start3A_171 = arith.constant 0 : i32
      %dma_start3A_172 = tpu.memref_slice %arg2[%dma_start3A_170, %dma_start3A_171] : memref<2097152x8xf32, #tpu.memory_space<hbm>> -> memref<2097152x8xf32, #tpu.memory_space<hbm>>
      tpu.enqueue_indirect_dma source(%dma_start3A_172 : memref<2097152x8xf32, #tpu.memory_space<hbm>>) target(%dma_start3A_166 : memref<128x8xf32, #tpu.memory_space<vmem>>) offsets(%dma_start3A_169 : memref<128xi32, #tpu.memory_space<vmem>>) semaphore(%arg8 : memref<!tpu.dma_semaphore, #tpu.memory_space<semaphore_mem>>)
      %dma_start3A_173 = arith.constant 16 : i32
      %dma_start3A_174 = arith.constant 2048 : i32
      %dma_start3A_175 = arith.constant 0 : i32
      %dma_start3A_176 = tpu.memref_slice %arg6[%dma_start3A_174, %dma_start3A_175] : memref<4096x8xf32, #tpu.memory_space<vmem>> -> memref<128x8xf32, #tpu.memory_space<vmem>>
      %dma_start3A_177 = arith.constant 0 : i32
      %dma_start3A_178 = tpu.memref_slice %arg5[%dma_start3A_173, %dma_start3A_177] : memref<32x128xi32, #tpu.memory_space<vmem>> -> memref<1x128xi32, #tpu.memory_space<vmem>>
      %dma_start3A_179 = tpu.memref_squeeze %dma_start3A_178 : memref<1x128xi32, #tpu.memory_space<vmem>> -> memref<128xi32, #tpu.memory_space<vmem>>
      %dma_start3A_180 = arith.constant 0 : i32
      %dma_start3A_181 = arith.constant 0 : i32
      %dma_start3A_182 = tpu.memref_slice %arg2[%dma_start3A_180, %dma_start3A_181] : memref<2097152x8xf32, #tpu.memory_space<hbm>> -> memref<2097152x8xf32, #tpu.memory_space<hbm>>
      tpu.enqueue_indirect_dma source(%dma_start3A_182 : memref<2097152x8xf32, #tpu.memory_space<hbm>>) target(%dma_start3A_176 : memref<128x8xf32, #tpu.memory_space<vmem>>) offsets(%dma_start3A_179 : memref<128xi32, #tpu.memory_space<vmem>>) semaphore(%arg9 : memref<!tpu.dma_semaphore, #tpu.memory_space<semaphore_mem>>)
      %dma_start3A_183 = arith.constant 17 : i32
      %dma_start3A_184 = arith.constant 2176 : i32
      %dma_start3A_185 = arith.constant 0 : i32
      %dma_start3A_186 = tpu.memref_slice %arg6[%dma_start3A_184, %dma_start3A_185] : memref<4096x8xf32, #tpu.memory_space<vmem>> -> memref<128x8xf32, #tpu.memory_space<vmem>>
      %dma_start3A_187 = arith.constant 0 : i32
      %dma_start3A_188 = tpu.memref_slice %arg5[%dma_start3A_183, %dma_start3A_187] : memref<32x128xi32, #tpu.memory_space<vmem>> -> memref<1x128xi32, #tpu.memory_space<vmem>>
      %dma_start3A_189 = tpu.memref_squeeze %dma_start3A_188 : memref<1x128xi32, #tpu.memory_space<vmem>> -> memref<128xi32, #tpu.memory_space<vmem>>
      %dma_start3A_190 = arith.constant 0 : i32
      %dma_start3A_191 = arith.constant 0 : i32
      %dma_start3A_192 = tpu.memref_slice %arg2[%dma_start3A_190, %dma_start3A_191] : memref<2097152x8xf32, #tpu.memory_space<hbm>> -> memref<2097152x8xf32, #tpu.memory_space<hbm>>
      tpu.enqueue_indirect_dma source(%dma_start3A_192 : memref<2097152x8xf32, #tpu.memory_space<hbm>>) target(%dma_start3A_186 : memref<128x8xf32, #tpu.memory_space<vmem>>) offsets(%dma_start3A_189 : memref<128xi32, #tpu.memory_space<vmem>>) semaphore(%arg9 : memref<!tpu.dma_semaphore, #tpu.memory_space<semaphore_mem>>)
      %dma_start3A_193 = arith.constant 18 : i32
      %dma_start3A_194 = arith.constant 2304 : i32
      %dma_start3A_195 = arith.constant 0 : i32
      %dma_start3A_196 = tpu.memref_slice %arg6[%dma_start3A_194, %dma_start3A_195] : memref<4096x8xf32, #tpu.memory_space<vmem>> -> memref<128x8xf32, #tpu.memory_space<vmem>>
      %dma_start3A_197 = arith.constant 0 : i32
      %dma_start3A_198 = tpu.memref_slice %arg5[%dma_start3A_193, %dma_start3A_197] : memref<32x128xi32, #tpu.memory_space<vmem>> -> memref<1x128xi32, #tpu.memory_space<vmem>>
      %dma_start3A_199 = tpu.memref_squeeze %dma_start3A_198 : memref<1x128xi32, #tpu.memory_space<vmem>> -> memref<128xi32, #tpu.memory_space<vmem>>
      %dma_start3A_200 = arith.constant 0 : i32
      %dma_start3A_201 = arith.constant 0 : i32
      %dma_start3A_202 = tpu.memref_slice %arg2[%dma_start3A_200, %dma_start3A_201] : memref<2097152x8xf32, #tpu.memory_space<hbm>> -> memref<2097152x8xf32, #tpu.memory_space<hbm>>
      tpu.enqueue_indirect_dma source(%dma_start3A_202 : memref<2097152x8xf32, #tpu.memory_space<hbm>>) target(%dma_start3A_196 : memref<128x8xf32, #tpu.memory_space<vmem>>) offsets(%dma_start3A_199 : memref<128xi32, #tpu.memory_space<vmem>>) semaphore(%arg9 : memref<!tpu.dma_semaphore, #tpu.memory_space<semaphore_mem>>)
      %dma_start3A_203 = arith.constant 19 : i32
      %dma_start3A_204 = arith.constant 2432 : i32
      %dma_start3A_205 = arith.constant 0 : i32
      %dma_start3A_206 = tpu.memref_slice %arg6[%dma_start3A_204, %dma_start3A_205] : memref<4096x8xf32, #tpu.memory_space<vmem>> -> memref<128x8xf32, #tpu.memory_space<vmem>>
      %dma_start3A_207 = arith.constant 0 : i32
      %dma_start3A_208 = tpu.memref_slice %arg5[%dma_start3A_203, %dma_start3A_207] : memref<32x128xi32, #tpu.memory_space<vmem>> -> memref<1x128xi32, #tpu.memory_space<vmem>>
      %dma_start3A_209 = tpu.memref_squeeze %dma_start3A_208 : memref<1x128xi32, #tpu.memory_space<vmem>> -> memref<128xi32, #tpu.memory_space<vmem>>
      %dma_start3A_210 = arith.constant 0 : i32
      %dma_start3A_211 = arith.constant 0 : i32
      %dma_start3A_212 = tpu.memref_slice %arg2[%dma_start3A_210, %dma_start3A_211] : memref<2097152x8xf32, #tpu.memory_space<hbm>> -> memref<2097152x8xf32, #tpu.memory_space<hbm>>
      tpu.enqueue_indirect_dma source(%dma_start3A_212 : memref<2097152x8xf32, #tpu.memory_space<hbm>>) target(%dma_start3A_206 : memref<128x8xf32, #tpu.memory_space<vmem>>) offsets(%dma_start3A_209 : memref<128xi32, #tpu.memory_space<vmem>>) semaphore(%arg9 : memref<!tpu.dma_semaphore, #tpu.memory_space<semaphore_mem>>)
      %dma_start3A_213 = arith.constant 20 : i32
      %dma_start3A_214 = arith.constant 2560 : i32
      %dma_start3A_215 = arith.constant 0 : i32
      %dma_start3A_216 = tpu.memref_slice %arg6[%dma_start3A_214, %dma_start3A_215] : memref<4096x8xf32, #tpu.memory_space<vmem>> -> memref<128x8xf32, #tpu.memory_space<vmem>>
      %dma_start3A_217 = arith.constant 0 : i32
      %dma_start3A_218 = tpu.memref_slice %arg5[%dma_start3A_213, %dma_start3A_217] : memref<32x128xi32, #tpu.memory_space<vmem>> -> memref<1x128xi32, #tpu.memory_space<vmem>>
      %dma_start3A_219 = tpu.memref_squeeze %dma_start3A_218 : memref<1x128xi32, #tpu.memory_space<vmem>> -> memref<128xi32, #tpu.memory_space<vmem>>
      %dma_start3A_220 = arith.constant 0 : i32
      %dma_start3A_221 = arith.constant 0 : i32
      %dma_start3A_222 = tpu.memref_slice %arg2[%dma_start3A_220, %dma_start3A_221] : memref<2097152x8xf32, #tpu.memory_space<hbm>> -> memref<2097152x8xf32, #tpu.memory_space<hbm>>
      tpu.enqueue_indirect_dma source(%dma_start3A_222 : memref<2097152x8xf32, #tpu.memory_space<hbm>>) target(%dma_start3A_216 : memref<128x8xf32, #tpu.memory_space<vmem>>) offsets(%dma_start3A_219 : memref<128xi32, #tpu.memory_space<vmem>>) semaphore(%arg9 : memref<!tpu.dma_semaphore, #tpu.memory_space<semaphore_mem>>)
      %dma_start3A_223 = arith.constant 21 : i32
      %dma_start3A_224 = arith.constant 2688 : i32
      %dma_start3A_225 = arith.constant 0 : i32
      %dma_start3A_226 = tpu.memref_slice %arg6[%dma_start3A_224, %dma_start3A_225] : memref<4096x8xf32, #tpu.memory_space<vmem>> -> memref<128x8xf32, #tpu.memory_space<vmem>>
      %dma_start3A_227 = arith.constant 0 : i32
      %dma_start3A_228 = tpu.memref_slice %arg5[%dma_start3A_223, %dma_start3A_227] : memref<32x128xi32, #tpu.memory_space<vmem>> -> memref<1x128xi32, #tpu.memory_space<vmem>>
      %dma_start3A_229 = tpu.memref_squeeze %dma_start3A_228 : memref<1x128xi32, #tpu.memory_space<vmem>> -> memref<128xi32, #tpu.memory_space<vmem>>
      %dma_start3A_230 = arith.constant 0 : i32
      %dma_start3A_231 = arith.constant 0 : i32
      %dma_start3A_232 = tpu.memref_slice %arg2[%dma_start3A_230, %dma_start3A_231] : memref<2097152x8xf32, #tpu.memory_space<hbm>> -> memref<2097152x8xf32, #tpu.memory_space<hbm>>
      tpu.enqueue_indirect_dma source(%dma_start3A_232 : memref<2097152x8xf32, #tpu.memory_space<hbm>>) target(%dma_start3A_226 : memref<128x8xf32, #tpu.memory_space<vmem>>) offsets(%dma_start3A_229 : memref<128xi32, #tpu.memory_space<vmem>>) semaphore(%arg9 : memref<!tpu.dma_semaphore, #tpu.memory_space<semaphore_mem>>)
      %dma_start3A_233 = arith.constant 22 : i32
      %dma_start3A_234 = arith.constant 2816 : i32
      %dma_start3A_235 = arith.constant 0 : i32
      %dma_start3A_236 = tpu.memref_slice %arg6[%dma_start3A_234, %dma_start3A_235] : memref<4096x8xf32, #tpu.memory_space<vmem>> -> memref<128x8xf32, #tpu.memory_space<vmem>>
      %dma_start3A_237 = arith.constant 0 : i32
      %dma_start3A_238 = tpu.memref_slice %arg5[%dma_start3A_233, %dma_start3A_237] : memref<32x128xi32, #tpu.memory_space<vmem>> -> memref<1x128xi32, #tpu.memory_space<vmem>>
      %dma_start3A_239 = tpu.memref_squeeze %dma_start3A_238 : memref<1x128xi32, #tpu.memory_space<vmem>> -> memref<128xi32, #tpu.memory_space<vmem>>
      %dma_start3A_240 = arith.constant 0 : i32
      %dma_start3A_241 = arith.constant 0 : i32
      %dma_start3A_242 = tpu.memref_slice %arg2[%dma_start3A_240, %dma_start3A_241] : memref<2097152x8xf32, #tpu.memory_space<hbm>> -> memref<2097152x8xf32, #tpu.memory_space<hbm>>
      tpu.enqueue_indirect_dma source(%dma_start3A_242 : memref<2097152x8xf32, #tpu.memory_space<hbm>>) target(%dma_start3A_236 : memref<128x8xf32, #tpu.memory_space<vmem>>) offsets(%dma_start3A_239 : memref<128xi32, #tpu.memory_space<vmem>>) semaphore(%arg9 : memref<!tpu.dma_semaphore, #tpu.memory_space<semaphore_mem>>)
      %dma_start3A_243 = arith.constant 23 : i32
      %dma_start3A_244 = arith.constant 2944 : i32
      %dma_start3A_245 = arith.constant 0 : i32
      %dma_start3A_246 = tpu.memref_slice %arg6[%dma_start3A_244, %dma_start3A_245] : memref<4096x8xf32, #tpu.memory_space<vmem>> -> memref<128x8xf32, #tpu.memory_space<vmem>>
      %dma_start3A_247 = arith.constant 0 : i32
      %dma_start3A_248 = tpu.memref_slice %arg5[%dma_start3A_243, %dma_start3A_247] : memref<32x128xi32, #tpu.memory_space<vmem>> -> memref<1x128xi32, #tpu.memory_space<vmem>>
      %dma_start3A_249 = tpu.memref_squeeze %dma_start3A_248 : memref<1x128xi32, #tpu.memory_space<vmem>> -> memref<128xi32, #tpu.memory_space<vmem>>
      %dma_start3A_250 = arith.constant 0 : i32
      %dma_start3A_251 = arith.constant 0 : i32
      %dma_start3A_252 = tpu.memref_slice %arg2[%dma_start3A_250, %dma_start3A_251] : memref<2097152x8xf32, #tpu.memory_space<hbm>> -> memref<2097152x8xf32, #tpu.memory_space<hbm>>
      tpu.enqueue_indirect_dma source(%dma_start3A_252 : memref<2097152x8xf32, #tpu.memory_space<hbm>>) target(%dma_start3A_246 : memref<128x8xf32, #tpu.memory_space<vmem>>) offsets(%dma_start3A_249 : memref<128xi32, #tpu.memory_space<vmem>>) semaphore(%arg9 : memref<!tpu.dma_semaphore, #tpu.memory_space<semaphore_mem>>)
      %dma_start3A_253 = arith.constant 24 : i32
      %dma_start3A_254 = arith.constant 3072 : i32
      %dma_start3A_255 = arith.constant 0 : i32
      %dma_start3A_256 = tpu.memref_slice %arg6[%dma_start3A_254, %dma_start3A_255] : memref<4096x8xf32, #tpu.memory_space<vmem>> -> memref<128x8xf32, #tpu.memory_space<vmem>>
      %dma_start3A_257 = arith.constant 0 : i32
      %dma_start3A_258 = tpu.memref_slice %arg5[%dma_start3A_253, %dma_start3A_257] : memref<32x128xi32, #tpu.memory_space<vmem>> -> memref<1x128xi32, #tpu.memory_space<vmem>>
      %dma_start3A_259 = tpu.memref_squeeze %dma_start3A_258 : memref<1x128xi32, #tpu.memory_space<vmem>> -> memref<128xi32, #tpu.memory_space<vmem>>
      %dma_start3A_260 = arith.constant 0 : i32
      %dma_start3A_261 = arith.constant 0 : i32
      %dma_start3A_262 = tpu.memref_slice %arg2[%dma_start3A_260, %dma_start3A_261] : memref<2097152x8xf32, #tpu.memory_space<hbm>> -> memref<2097152x8xf32, #tpu.memory_space<hbm>>
      tpu.enqueue_indirect_dma source(%dma_start3A_262 : memref<2097152x8xf32, #tpu.memory_space<hbm>>) target(%dma_start3A_256 : memref<128x8xf32, #tpu.memory_space<vmem>>) offsets(%dma_start3A_259 : memref<128xi32, #tpu.memory_space<vmem>>) semaphore(%arg9 : memref<!tpu.dma_semaphore, #tpu.memory_space<semaphore_mem>>)
      %dma_start3A_263 = arith.constant 25 : i32
      %dma_start3A_264 = arith.constant 3200 : i32
      %dma_start3A_265 = arith.constant 0 : i32
      %dma_start3A_266 = tpu.memref_slice %arg6[%dma_start3A_264, %dma_start3A_265] : memref<4096x8xf32, #tpu.memory_space<vmem>> -> memref<128x8xf32, #tpu.memory_space<vmem>>
      %dma_start3A_267 = arith.constant 0 : i32
      %dma_start3A_268 = tpu.memref_slice %arg5[%dma_start3A_263, %dma_start3A_267] : memref<32x128xi32, #tpu.memory_space<vmem>> -> memref<1x128xi32, #tpu.memory_space<vmem>>
      %dma_start3A_269 = tpu.memref_squeeze %dma_start3A_268 : memref<1x128xi32, #tpu.memory_space<vmem>> -> memref<128xi32, #tpu.memory_space<vmem>>
      %dma_start3A_270 = arith.constant 0 : i32
      %dma_start3A_271 = arith.constant 0 : i32
      %dma_start3A_272 = tpu.memref_slice %arg2[%dma_start3A_270, %dma_start3A_271] : memref<2097152x8xf32, #tpu.memory_space<hbm>> -> memref<2097152x8xf32, #tpu.memory_space<hbm>>
      tpu.enqueue_indirect_dma source(%dma_start3A_272 : memref<2097152x8xf32, #tpu.memory_space<hbm>>) target(%dma_start3A_266 : memref<128x8xf32, #tpu.memory_space<vmem>>) offsets(%dma_start3A_269 : memref<128xi32, #tpu.memory_space<vmem>>) semaphore(%arg9 : memref<!tpu.dma_semaphore, #tpu.memory_space<semaphore_mem>>)
      %dma_start3A_273 = arith.constant 26 : i32
      %dma_start3A_274 = arith.constant 3328 : i32
      %dma_start3A_275 = arith.constant 0 : i32
      %dma_start3A_276 = tpu.memref_slice %arg6[%dma_start3A_274, %dma_start3A_275] : memref<4096x8xf32, #tpu.memory_space<vmem>> -> memref<128x8xf32, #tpu.memory_space<vmem>>
      %dma_start3A_277 = arith.constant 0 : i32
      %dma_start3A_278 = tpu.memref_slice %arg5[%dma_start3A_273, %dma_start3A_277] : memref<32x128xi32, #tpu.memory_space<vmem>> -> memref<1x128xi32, #tpu.memory_space<vmem>>
      %dma_start3A_279 = tpu.memref_squeeze %dma_start3A_278 : memref<1x128xi32, #tpu.memory_space<vmem>> -> memref<128xi32, #tpu.memory_space<vmem>>
      %dma_start3A_280 = arith.constant 0 : i32
      %dma_start3A_281 = arith.constant 0 : i32
      %dma_start3A_282 = tpu.memref_slice %arg2[%dma_start3A_280, %dma_start3A_281] : memref<2097152x8xf32, #tpu.memory_space<hbm>> -> memref<2097152x8xf32, #tpu.memory_space<hbm>>
      tpu.enqueue_indirect_dma source(%dma_start3A_282 : memref<2097152x8xf32, #tpu.memory_space<hbm>>) target(%dma_start3A_276 : memref<128x8xf32, #tpu.memory_space<vmem>>) offsets(%dma_start3A_279 : memref<128xi32, #tpu.memory_space<vmem>>) semaphore(%arg9 : memref<!tpu.dma_semaphore, #tpu.memory_space<semaphore_mem>>)
      %dma_start3A_283 = arith.constant 27 : i32
      %dma_start3A_284 = arith.constant 3456 : i32
      %dma_start3A_285 = arith.constant 0 : i32
      %dma_start3A_286 = tpu.memref_slice %arg6[%dma_start3A_284, %dma_start3A_285] : memref<4096x8xf32, #tpu.memory_space<vmem>> -> memref<128x8xf32, #tpu.memory_space<vmem>>
      %dma_start3A_287 = arith.constant 0 : i32
      %dma_start3A_288 = tpu.memref_slice %arg5[%dma_start3A_283, %dma_start3A_287] : memref<32x128xi32, #tpu.memory_space<vmem>> -> memref<1x128xi32, #tpu.memory_space<vmem>>
      %dma_start3A_289 = tpu.memref_squeeze %dma_start3A_288 : memref<1x128xi32, #tpu.memory_space<vmem>> -> memref<128xi32, #tpu.memory_space<vmem>>
      %dma_start3A_290 = arith.constant 0 : i32
      %dma_start3A_291 = arith.constant 0 : i32
      %dma_start3A_292 = tpu.memref_slice %arg2[%dma_start3A_290, %dma_start3A_291] : memref<2097152x8xf32, #tpu.memory_space<hbm>> -> memref<2097152x8xf32, #tpu.memory_space<hbm>>
      tpu.enqueue_indirect_dma source(%dma_start3A_292 : memref<2097152x8xf32, #tpu.memory_space<hbm>>) target(%dma_start3A_286 : memref<128x8xf32, #tpu.memory_space<vmem>>) offsets(%dma_start3A_289 : memref<128xi32, #tpu.memory_space<vmem>>) semaphore(%arg9 : memref<!tpu.dma_semaphore, #tpu.memory_space<semaphore_mem>>)
      %dma_start3A_293 = arith.constant 28 : i32
      %dma_start3A_294 = arith.constant 3584 : i32
      %dma_start3A_295 = arith.constant 0 : i32
      %dma_start3A_296 = tpu.memref_slice %arg6[%dma_start3A_294, %dma_start3A_295] : memref<4096x8xf32, #tpu.memory_space<vmem>> -> memref<128x8xf32, #tpu.memory_space<vmem>>
      %dma_start3A_297 = arith.constant 0 : i32
      %dma_start3A_298 = tpu.memref_slice %arg5[%dma_start3A_293, %dma_start3A_297] : memref<32x128xi32, #tpu.memory_space<vmem>> -> memref<1x128xi32, #tpu.memory_space<vmem>>
      %dma_start3A_299 = tpu.memref_squeeze %dma_start3A_298 : memref<1x128xi32, #tpu.memory_space<vmem>> -> memref<128xi32, #tpu.memory_space<vmem>>
      %dma_start3A_300 = arith.constant 0 : i32
      %dma_start3A_301 = arith.constant 0 : i32
      %dma_start3A_302 = tpu.memref_slice %arg2[%dma_start3A_300, %dma_start3A_301] : memref<2097152x8xf32, #tpu.memory_space<hbm>> -> memref<2097152x8xf32, #tpu.memory_space<hbm>>
      tpu.enqueue_indirect_dma source(%dma_start3A_302 : memref<2097152x8xf32, #tpu.memory_space<hbm>>) target(%dma_start3A_296 : memref<128x8xf32, #tpu.memory_space<vmem>>) offsets(%dma_start3A_299 : memref<128xi32, #tpu.memory_space<vmem>>) semaphore(%arg9 : memref<!tpu.dma_semaphore, #tpu.memory_space<semaphore_mem>>)
      %dma_start3A_303 = arith.constant 29 : i32
      %dma_start3A_304 = arith.constant 3712 : i32
      %dma_start3A_305 = arith.constant 0 : i32
      %dma_start3A_306 = tpu.memref_slice %arg6[%dma_start3A_304, %dma_start3A_305] : memref<4096x8xf32, #tpu.memory_space<vmem>> -> memref<128x8xf32, #tpu.memory_space<vmem>>
      %dma_start3A_307 = arith.constant 0 : i32
      %dma_start3A_308 = tpu.memref_slice %arg5[%dma_start3A_303, %dma_start3A_307] : memref<32x128xi32, #tpu.memory_space<vmem>> -> memref<1x128xi32, #tpu.memory_space<vmem>>
      %dma_start3A_309 = tpu.memref_squeeze %dma_start3A_308 : memref<1x128xi32, #tpu.memory_space<vmem>> -> memref<128xi32, #tpu.memory_space<vmem>>
      %dma_start3A_310 = arith.constant 0 : i32
      %dma_start3A_311 = arith.constant 0 : i32
      %dma_start3A_312 = tpu.memref_slice %arg2[%dma_start3A_310, %dma_start3A_311] : memref<2097152x8xf32, #tpu.memory_space<hbm>> -> memref<2097152x8xf32, #tpu.memory_space<hbm>>
      tpu.enqueue_indirect_dma source(%dma_start3A_312 : memref<2097152x8xf32, #tpu.memory_space<hbm>>) target(%dma_start3A_306 : memref<128x8xf32, #tpu.memory_space<vmem>>) offsets(%dma_start3A_309 : memref<128xi32, #tpu.memory_space<vmem>>) semaphore(%arg9 : memref<!tpu.dma_semaphore, #tpu.memory_space<semaphore_mem>>)
      %dma_start3A_313 = arith.constant 30 : i32
      %dma_start3A_314 = arith.constant 3840 : i32
      %dma_start3A_315 = arith.constant 0 : i32
      %dma_start3A_316 = tpu.memref_slice %arg6[%dma_start3A_314, %dma_start3A_315] : memref<4096x8xf32, #tpu.memory_space<vmem>> -> memref<128x8xf32, #tpu.memory_space<vmem>>
      %dma_start3A_317 = arith.constant 0 : i32
      %dma_start3A_318 = tpu.memref_slice %arg5[%dma_start3A_313, %dma_start3A_317] : memref<32x128xi32, #tpu.memory_space<vmem>> -> memref<1x128xi32, #tpu.memory_space<vmem>>
      %dma_start3A_319 = tpu.memref_squeeze %dma_start3A_318 : memref<1x128xi32, #tpu.memory_space<vmem>> -> memref<128xi32, #tpu.memory_space<vmem>>
      %dma_start3A_320 = arith.constant 0 : i32
      %dma_start3A_321 = arith.constant 0 : i32
      %dma_start3A_322 = tpu.memref_slice %arg2[%dma_start3A_320, %dma_start3A_321] : memref<2097152x8xf32, #tpu.memory_space<hbm>> -> memref<2097152x8xf32, #tpu.memory_space<hbm>>
      tpu.enqueue_indirect_dma source(%dma_start3A_322 : memref<2097152x8xf32, #tpu.memory_space<hbm>>) target(%dma_start3A_316 : memref<128x8xf32, #tpu.memory_space<vmem>>) offsets(%dma_start3A_319 : memref<128xi32, #tpu.memory_space<vmem>>) semaphore(%arg9 : memref<!tpu.dma_semaphore, #tpu.memory_space<semaphore_mem>>)
      %dma_start3A_323 = arith.constant 31 : i32
      %dma_start3A_324 = arith.constant 3968 : i32
      %dma_start3A_325 = arith.constant 0 : i32
      %dma_start3A_326 = tpu.memref_slice %arg6[%dma_start3A_324, %dma_start3A_325] : memref<4096x8xf32, #tpu.memory_space<vmem>> -> memref<128x8xf32, #tpu.memory_space<vmem>>
      %dma_start3A_327 = arith.constant 0 : i32
      %dma_start3A_328 = tpu.memref_slice %arg5[%dma_start3A_323, %dma_start3A_327] : memref<32x128xi32, #tpu.memory_space<vmem>> -> memref<1x128xi32, #tpu.memory_space<vmem>>
      %dma_start3A_329 = tpu.memref_squeeze %dma_start3A_328 : memref<1x128xi32, #tpu.memory_space<vmem>> -> memref<128xi32, #tpu.memory_space<vmem>>
      %dma_start3A_330 = arith.constant 0 : i32
      %dma_start3A_331 = arith.constant 0 : i32
      %dma_start3A_332 = tpu.memref_slice %arg2[%dma_start3A_330, %dma_start3A_331] : memref<2097152x8xf32, #tpu.memory_space<hbm>> -> memref<2097152x8xf32, #tpu.memory_space<hbm>>
      tpu.enqueue_indirect_dma source(%dma_start3A_332 : memref<2097152x8xf32, #tpu.memory_space<hbm>>) target(%dma_start3A_326 : memref<128x8xf32, #tpu.memory_space<vmem>>) offsets(%dma_start3A_329 : memref<128xi32, #tpu.memory_space<vmem>>) semaphore(%arg9 : memref<!tpu.dma_semaphore, #tpu.memory_space<semaphore_mem>>)
      %dma_wait3A = arith.constant 0 : i32
      %dma_wait3A_333 = arith.constant 0 : i32
      %dma_wait3A_334 = arith.constant 0 : i32
      %dma_wait3A_335 = tpu.memref_slice %arg6[%dma_wait3A_333, %dma_wait3A_334] : memref<4096x8xf32, #tpu.memory_space<vmem>> -> memref<128x8xf32, #tpu.memory_space<vmem>>
      %dma_wait3A_336 = arith.constant 0 : i32
      %dma_wait3A_337 = tpu.memref_slice %arg5[%dma_wait3A, %dma_wait3A_336] : memref<32x128xi32, #tpu.memory_space<vmem>> -> memref<1x128xi32, #tpu.memory_space<vmem>>
      %dma_wait3A_338 = tpu.memref_squeeze %dma_wait3A_337 : memref<1x128xi32, #tpu.memory_space<vmem>> -> memref<128xi32, #tpu.memory_space<vmem>>
      %dma_wait3A_339 = arith.constant 0 : i32
      %dma_wait3A_340 = arith.constant 0 : i32
      %dma_wait3A_341 = tpu.memref_slice %arg2[%dma_wait3A_339, %dma_wait3A_340] : memref<2097152x8xf32, #tpu.memory_space<hbm>> -> memref<2097152x8xf32, #tpu.memory_space<hbm>>
      tpu.wait_indirect_dma semaphore(%arg8 : memref<!tpu.dma_semaphore, #tpu.memory_space<semaphore_mem>>) src(%dma_wait3A_341 : memref<2097152x8xf32, #tpu.memory_space<hbm>>) dst(%dma_wait3A_335 : memref<128x8xf32, #tpu.memory_space<vmem>>)
      %dma_wait3A_342 = arith.constant 1 : i32
      %dma_wait3A_343 = arith.constant 128 : i32
      %dma_wait3A_344 = arith.constant 0 : i32
      %dma_wait3A_345 = tpu.memref_slice %arg6[%dma_wait3A_343, %dma_wait3A_344] : memref<4096x8xf32, #tpu.memory_space<vmem>> -> memref<128x8xf32, #tpu.memory_space<vmem>>
      %dma_wait3A_346 = arith.constant 0 : i32
      %dma_wait3A_347 = tpu.memref_slice %arg5[%dma_wait3A_342, %dma_wait3A_346] : memref<32x128xi32, #tpu.memory_space<vmem>> -> memref<1x128xi32, #tpu.memory_space<vmem>>
      %dma_wait3A_348 = tpu.memref_squeeze %dma_wait3A_347 : memref<1x128xi32, #tpu.memory_space<vmem>> -> memref<128xi32, #tpu.memory_space<vmem>>
      %dma_wait3A_349 = arith.constant 0 : i32
      %dma_wait3A_350 = arith.constant 0 : i32
      %dma_wait3A_351 = tpu.memref_slice %arg2[%dma_wait3A_349, %dma_wait3A_350] : memref<2097152x8xf32, #tpu.memory_space<hbm>> -> memref<2097152x8xf32, #tpu.memory_space<hbm>>
      tpu.wait_indirect_dma semaphore(%arg8 : memref<!tpu.dma_semaphore, #tpu.memory_space<semaphore_mem>>) src(%dma_wait3A_351 : memref<2097152x8xf32, #tpu.memory_space<hbm>>) dst(%dma_wait3A_345 : memref<128x8xf32, #tpu.memory_space<vmem>>)
      %dma_wait3A_352 = arith.constant 2 : i32
      %dma_wait3A_353 = arith.constant 256 : i32
      %dma_wait3A_354 = arith.constant 0 : i32
      %dma_wait3A_355 = tpu.memref_slice %arg6[%dma_wait3A_353, %dma_wait3A_354] : memref<4096x8xf32, #tpu.memory_space<vmem>> -> memref<128x8xf32, #tpu.memory_space<vmem>>
      %dma_wait3A_356 = arith.constant 0 : i32
      %dma_wait3A_357 = tpu.memref_slice %arg5[%dma_wait3A_352, %dma_wait3A_356] : memref<32x128xi32, #tpu.memory_space<vmem>> -> memref<1x128xi32, #tpu.memory_space<vmem>>
      %dma_wait3A_358 = tpu.memref_squeeze %dma_wait3A_357 : memref<1x128xi32, #tpu.memory_space<vmem>> -> memref<128xi32, #tpu.memory_space<vmem>>
      %dma_wait3A_359 = arith.constant 0 : i32
      %dma_wait3A_360 = arith.constant 0 : i32
      %dma_wait3A_361 = tpu.memref_slice %arg2[%dma_wait3A_359, %dma_wait3A_360] : memref<2097152x8xf32, #tpu.memory_space<hbm>> -> memref<2097152x8xf32, #tpu.memory_space<hbm>>
      tpu.wait_indirect_dma semaphore(%arg8 : memref<!tpu.dma_semaphore, #tpu.memory_space<semaphore_mem>>) src(%dma_wait3A_361 : memref<2097152x8xf32, #tpu.memory_space<hbm>>) dst(%dma_wait3A_355 : memref<128x8xf32, #tpu.memory_space<vmem>>)
      %dma_wait3A_362 = arith.constant 3 : i32
      %dma_wait3A_363 = arith.constant 384 : i32
      %dma_wait3A_364 = arith.constant 0 : i32
      %dma_wait3A_365 = tpu.memref_slice %arg6[%dma_wait3A_363, %dma_wait3A_364] : memref<4096x8xf32, #tpu.memory_space<vmem>> -> memref<128x8xf32, #tpu.memory_space<vmem>>
      %dma_wait3A_366 = arith.constant 0 : i32
      %dma_wait3A_367 = tpu.memref_slice %arg5[%dma_wait3A_362, %dma_wait3A_366] : memref<32x128xi32, #tpu.memory_space<vmem>> -> memref<1x128xi32, #tpu.memory_space<vmem>>
      %dma_wait3A_368 = tpu.memref_squeeze %dma_wait3A_367 : memref<1x128xi32, #tpu.memory_space<vmem>> -> memref<128xi32, #tpu.memory_space<vmem>>
      %dma_wait3A_369 = arith.constant 0 : i32
      %dma_wait3A_370 = arith.constant 0 : i32
      %dma_wait3A_371 = tpu.memref_slice %arg2[%dma_wait3A_369, %dma_wait3A_370] : memref<2097152x8xf32, #tpu.memory_space<hbm>> -> memref<2097152x8xf32, #tpu.memory_space<hbm>>
      tpu.wait_indirect_dma semaphore(%arg8 : memref<!tpu.dma_semaphore, #tpu.memory_space<semaphore_mem>>) src(%dma_wait3A_371 : memref<2097152x8xf32, #tpu.memory_space<hbm>>) dst(%dma_wait3A_365 : memref<128x8xf32, #tpu.memory_space<vmem>>)
      %dma_wait3A_372 = arith.constant 4 : i32
      %dma_wait3A_373 = arith.constant 512 : i32
      %dma_wait3A_374 = arith.constant 0 : i32
      %dma_wait3A_375 = tpu.memref_slice %arg6[%dma_wait3A_373, %dma_wait3A_374] : memref<4096x8xf32, #tpu.memory_space<vmem>> -> memref<128x8xf32, #tpu.memory_space<vmem>>
      %dma_wait3A_376 = arith.constant 0 : i32
      %dma_wait3A_377 = tpu.memref_slice %arg5[%dma_wait3A_372, %dma_wait3A_376] : memref<32x128xi32, #tpu.memory_space<vmem>> -> memref<1x128xi32, #tpu.memory_space<vmem>>
      %dma_wait3A_378 = tpu.memref_squeeze %dma_wait3A_377 : memref<1x128xi32, #tpu.memory_space<vmem>> -> memref<128xi32, #tpu.memory_space<vmem>>
      %dma_wait3A_379 = arith.constant 0 : i32
      %dma_wait3A_380 = arith.constant 0 : i32
      %dma_wait3A_381 = tpu.memref_slice %arg2[%dma_wait3A_379, %dma_wait3A_380] : memref<2097152x8xf32, #tpu.memory_space<hbm>> -> memref<2097152x8xf32, #tpu.memory_space<hbm>>
      tpu.wait_indirect_dma semaphore(%arg8 : memref<!tpu.dma_semaphore, #tpu.memory_space<semaphore_mem>>) src(%dma_wait3A_381 : memref<2097152x8xf32, #tpu.memory_space<hbm>>) dst(%dma_wait3A_375 : memref<128x8xf32, #tpu.memory_space<vmem>>)
      %dma_wait3A_382 = arith.constant 5 : i32
      %dma_wait3A_383 = arith.constant 640 : i32
      %dma_wait3A_384 = arith.constant 0 : i32
      %dma_wait3A_385 = tpu.memref_slice %arg6[%dma_wait3A_383, %dma_wait3A_384] : memref<4096x8xf32, #tpu.memory_space<vmem>> -> memref<128x8xf32, #tpu.memory_space<vmem>>
      %dma_wait3A_386 = arith.constant 0 : i32
      %dma_wait3A_387 = tpu.memref_slice %arg5[%dma_wait3A_382, %dma_wait3A_386] : memref<32x128xi32, #tpu.memory_space<vmem>> -> memref<1x128xi32, #tpu.memory_space<vmem>>
      %dma_wait3A_388 = tpu.memref_squeeze %dma_wait3A_387 : memref<1x128xi32, #tpu.memory_space<vmem>> -> memref<128xi32, #tpu.memory_space<vmem>>
      %dma_wait3A_389 = arith.constant 0 : i32
      %dma_wait3A_390 = arith.constant 0 : i32
      %dma_wait3A_391 = tpu.memref_slice %arg2[%dma_wait3A_389, %dma_wait3A_390] : memref<2097152x8xf32, #tpu.memory_space<hbm>> -> memref<2097152x8xf32, #tpu.memory_space<hbm>>
      tpu.wait_indirect_dma semaphore(%arg8 : memref<!tpu.dma_semaphore, #tpu.memory_space<semaphore_mem>>) src(%dma_wait3A_391 : memref<2097152x8xf32, #tpu.memory_space<hbm>>) dst(%dma_wait3A_385 : memref<128x8xf32, #tpu.memory_space<vmem>>)
      %dma_wait3A_392 = arith.constant 6 : i32
      %dma_wait3A_393 = arith.constant 768 : i32
      %dma_wait3A_394 = arith.constant 0 : i32
      %dma_wait3A_395 = tpu.memref_slice %arg6[%dma_wait3A_393, %dma_wait3A_394] : memref<4096x8xf32, #tpu.memory_space<vmem>> -> memref<128x8xf32, #tpu.memory_space<vmem>>
      %dma_wait3A_396 = arith.constant 0 : i32
      %dma_wait3A_397 = tpu.memref_slice %arg5[%dma_wait3A_392, %dma_wait3A_396] : memref<32x128xi32, #tpu.memory_space<vmem>> -> memref<1x128xi32, #tpu.memory_space<vmem>>
      %dma_wait3A_398 = tpu.memref_squeeze %dma_wait3A_397 : memref<1x128xi32, #tpu.memory_space<vmem>> -> memref<128xi32, #tpu.memory_space<vmem>>
      %dma_wait3A_399 = arith.constant 0 : i32
      %dma_wait3A_400 = arith.constant 0 : i32
      %dma_wait3A_401 = tpu.memref_slice %arg2[%dma_wait3A_399, %dma_wait3A_400] : memref<2097152x8xf32, #tpu.memory_space<hbm>> -> memref<2097152x8xf32, #tpu.memory_space<hbm>>
      tpu.wait_indirect_dma semaphore(%arg8 : memref<!tpu.dma_semaphore, #tpu.memory_space<semaphore_mem>>) src(%dma_wait3A_401 : memref<2097152x8xf32, #tpu.memory_space<hbm>>) dst(%dma_wait3A_395 : memref<128x8xf32, #tpu.memory_space<vmem>>)
      %dma_wait3A_402 = arith.constant 7 : i32
      %dma_wait3A_403 = arith.constant 896 : i32
      %dma_wait3A_404 = arith.constant 0 : i32
      %dma_wait3A_405 = tpu.memref_slice %arg6[%dma_wait3A_403, %dma_wait3A_404] : memref<4096x8xf32, #tpu.memory_space<vmem>> -> memref<128x8xf32, #tpu.memory_space<vmem>>
      %dma_wait3A_406 = arith.constant 0 : i32
      %dma_wait3A_407 = tpu.memref_slice %arg5[%dma_wait3A_402, %dma_wait3A_406] : memref<32x128xi32, #tpu.memory_space<vmem>> -> memref<1x128xi32, #tpu.memory_space<vmem>>
      %dma_wait3A_408 = tpu.memref_squeeze %dma_wait3A_407 : memref<1x128xi32, #tpu.memory_space<vmem>> -> memref<128xi32, #tpu.memory_space<vmem>>
      %dma_wait3A_409 = arith.constant 0 : i32
      %dma_wait3A_410 = arith.constant 0 : i32
      %dma_wait3A_411 = tpu.memref_slice %arg2[%dma_wait3A_409, %dma_wait3A_410] : memref<2097152x8xf32, #tpu.memory_space<hbm>> -> memref<2097152x8xf32, #tpu.memory_space<hbm>>
      tpu.wait_indirect_dma semaphore(%arg8 : memref<!tpu.dma_semaphore, #tpu.memory_space<semaphore_mem>>) src(%dma_wait3A_411 : memref<2097152x8xf32, #tpu.memory_space<hbm>>) dst(%dma_wait3A_405 : memref<128x8xf32, #tpu.memory_space<vmem>>)
      %dma_wait3A_412 = arith.constant 8 : i32
      %dma_wait3A_413 = arith.constant 1024 : i32
      %dma_wait3A_414 = arith.constant 0 : i32
      %dma_wait3A_415 = tpu.memref_slice %arg6[%dma_wait3A_413, %dma_wait3A_414] : memref<4096x8xf32, #tpu.memory_space<vmem>> -> memref<128x8xf32, #tpu.memory_space<vmem>>
      %dma_wait3A_416 = arith.constant 0 : i32
      %dma_wait3A_417 = tpu.memref_slice %arg5[%dma_wait3A_412, %dma_wait3A_416] : memref<32x128xi32, #tpu.memory_space<vmem>> -> memref<1x128xi32, #tpu.memory_space<vmem>>
      %dma_wait3A_418 = tpu.memref_squeeze %dma_wait3A_417 : memref<1x128xi32, #tpu.memory_space<vmem>> -> memref<128xi32, #tpu.memory_space<vmem>>
      %dma_wait3A_419 = arith.constant 0 : i32
      %dma_wait3A_420 = arith.constant 0 : i32
      %dma_wait3A_421 = tpu.memref_slice %arg2[%dma_wait3A_419, %dma_wait3A_420] : memref<2097152x8xf32, #tpu.memory_space<hbm>> -> memref<2097152x8xf32, #tpu.memory_space<hbm>>
      tpu.wait_indirect_dma semaphore(%arg8 : memref<!tpu.dma_semaphore, #tpu.memory_space<semaphore_mem>>) src(%dma_wait3A_421 : memref<2097152x8xf32, #tpu.memory_space<hbm>>) dst(%dma_wait3A_415 : memref<128x8xf32, #tpu.memory_space<vmem>>)
      %dma_wait3A_422 = arith.constant 9 : i32
      %dma_wait3A_423 = arith.constant 1152 : i32
      %dma_wait3A_424 = arith.constant 0 : i32
      %dma_wait3A_425 = tpu.memref_slice %arg6[%dma_wait3A_423, %dma_wait3A_424] : memref<4096x8xf32, #tpu.memory_space<vmem>> -> memref<128x8xf32, #tpu.memory_space<vmem>>
      %dma_wait3A_426 = arith.constant 0 : i32
      %dma_wait3A_427 = tpu.memref_slice %arg5[%dma_wait3A_422, %dma_wait3A_426] : memref<32x128xi32, #tpu.memory_space<vmem>> -> memref<1x128xi32, #tpu.memory_space<vmem>>
      %dma_wait3A_428 = tpu.memref_squeeze %dma_wait3A_427 : memref<1x128xi32, #tpu.memory_space<vmem>> -> memref<128xi32, #tpu.memory_space<vmem>>
      %dma_wait3A_429 = arith.constant 0 : i32
      %dma_wait3A_430 = arith.constant 0 : i32
      %dma_wait3A_431 = tpu.memref_slice %arg2[%dma_wait3A_429, %dma_wait3A_430] : memref<2097152x8xf32, #tpu.memory_space<hbm>> -> memref<2097152x8xf32, #tpu.memory_space<hbm>>
      tpu.wait_indirect_dma semaphore(%arg8 : memref<!tpu.dma_semaphore, #tpu.memory_space<semaphore_mem>>) src(%dma_wait3A_431 : memref<2097152x8xf32, #tpu.memory_space<hbm>>) dst(%dma_wait3A_425 : memref<128x8xf32, #tpu.memory_space<vmem>>)
      %dma_wait3A_432 = arith.constant 10 : i32
      %dma_wait3A_433 = arith.constant 1280 : i32
      %dma_wait3A_434 = arith.constant 0 : i32
      %dma_wait3A_435 = tpu.memref_slice %arg6[%dma_wait3A_433, %dma_wait3A_434] : memref<4096x8xf32, #tpu.memory_space<vmem>> -> memref<128x8xf32, #tpu.memory_space<vmem>>
      %dma_wait3A_436 = arith.constant 0 : i32
      %dma_wait3A_437 = tpu.memref_slice %arg5[%dma_wait3A_432, %dma_wait3A_436] : memref<32x128xi32, #tpu.memory_space<vmem>> -> memref<1x128xi32, #tpu.memory_space<vmem>>
      %dma_wait3A_438 = tpu.memref_squeeze %dma_wait3A_437 : memref<1x128xi32, #tpu.memory_space<vmem>> -> memref<128xi32, #tpu.memory_space<vmem>>
      %dma_wait3A_439 = arith.constant 0 : i32
      %dma_wait3A_440 = arith.constant 0 : i32
      %dma_wait3A_441 = tpu.memref_slice %arg2[%dma_wait3A_439, %dma_wait3A_440] : memref<2097152x8xf32, #tpu.memory_space<hbm>> -> memref<2097152x8xf32, #tpu.memory_space<hbm>>
      tpu.wait_indirect_dma semaphore(%arg8 : memref<!tpu.dma_semaphore, #tpu.memory_space<semaphore_mem>>) src(%dma_wait3A_441 : memref<2097152x8xf32, #tpu.memory_space<hbm>>) dst(%dma_wait3A_435 : memref<128x8xf32, #tpu.memory_space<vmem>>)
      %dma_wait3A_442 = arith.constant 11 : i32
      %dma_wait3A_443 = arith.constant 1408 : i32
      %dma_wait3A_444 = arith.constant 0 : i32
      %dma_wait3A_445 = tpu.memref_slice %arg6[%dma_wait3A_443, %dma_wait3A_444] : memref<4096x8xf32, #tpu.memory_space<vmem>> -> memref<128x8xf32, #tpu.memory_space<vmem>>
      %dma_wait3A_446 = arith.constant 0 : i32
      %dma_wait3A_447 = tpu.memref_slice %arg5[%dma_wait3A_442, %dma_wait3A_446] : memref<32x128xi32, #tpu.memory_space<vmem>> -> memref<1x128xi32, #tpu.memory_space<vmem>>
      %dma_wait3A_448 = tpu.memref_squeeze %dma_wait3A_447 : memref<1x128xi32, #tpu.memory_space<vmem>> -> memref<128xi32, #tpu.memory_space<vmem>>
      %dma_wait3A_449 = arith.constant 0 : i32
      %dma_wait3A_450 = arith.constant 0 : i32
      %dma_wait3A_451 = tpu.memref_slice %arg2[%dma_wait3A_449, %dma_wait3A_450] : memref<2097152x8xf32, #tpu.memory_space<hbm>> -> memref<2097152x8xf32, #tpu.memory_space<hbm>>
      tpu.wait_indirect_dma semaphore(%arg8 : memref<!tpu.dma_semaphore, #tpu.memory_space<semaphore_mem>>) src(%dma_wait3A_451 : memref<2097152x8xf32, #tpu.memory_space<hbm>>) dst(%dma_wait3A_445 : memref<128x8xf32, #tpu.memory_space<vmem>>)
      %dma_wait3A_452 = arith.constant 12 : i32
      %dma_wait3A_453 = arith.constant 1536 : i32
      %dma_wait3A_454 = arith.constant 0 : i32
      %dma_wait3A_455 = tpu.memref_slice %arg6[%dma_wait3A_453, %dma_wait3A_454] : memref<4096x8xf32, #tpu.memory_space<vmem>> -> memref<128x8xf32, #tpu.memory_space<vmem>>
      %dma_wait3A_456 = arith.constant 0 : i32
      %dma_wait3A_457 = tpu.memref_slice %arg5[%dma_wait3A_452, %dma_wait3A_456] : memref<32x128xi32, #tpu.memory_space<vmem>> -> memref<1x128xi32, #tpu.memory_space<vmem>>
      %dma_wait3A_458 = tpu.memref_squeeze %dma_wait3A_457 : memref<1x128xi32, #tpu.memory_space<vmem>> -> memref<128xi32, #tpu.memory_space<vmem>>
      %dma_wait3A_459 = arith.constant 0 : i32
      %dma_wait3A_460 = arith.constant 0 : i32
      %dma_wait3A_461 = tpu.memref_slice %arg2[%dma_wait3A_459, %dma_wait3A_460] : memref<2097152x8xf32, #tpu.memory_space<hbm>> -> memref<2097152x8xf32, #tpu.memory_space<hbm>>
      tpu.wait_indirect_dma semaphore(%arg8 : memref<!tpu.dma_semaphore, #tpu.memory_space<semaphore_mem>>) src(%dma_wait3A_461 : memref<2097152x8xf32, #tpu.memory_space<hbm>>) dst(%dma_wait3A_455 : memref<128x8xf32, #tpu.memory_space<vmem>>)
      %dma_wait3A_462 = arith.constant 13 : i32
      %dma_wait3A_463 = arith.constant 1664 : i32
      %dma_wait3A_464 = arith.constant 0 : i32
      %dma_wait3A_465 = tpu.memref_slice %arg6[%dma_wait3A_463, %dma_wait3A_464] : memref<4096x8xf32, #tpu.memory_space<vmem>> -> memref<128x8xf32, #tpu.memory_space<vmem>>
      %dma_wait3A_466 = arith.constant 0 : i32
      %dma_wait3A_467 = tpu.memref_slice %arg5[%dma_wait3A_462, %dma_wait3A_466] : memref<32x128xi32, #tpu.memory_space<vmem>> -> memref<1x128xi32, #tpu.memory_space<vmem>>
      %dma_wait3A_468 = tpu.memref_squeeze %dma_wait3A_467 : memref<1x128xi32, #tpu.memory_space<vmem>> -> memref<128xi32, #tpu.memory_space<vmem>>
      %dma_wait3A_469 = arith.constant 0 : i32
      %dma_wait3A_470 = arith.constant 0 : i32
      %dma_wait3A_471 = tpu.memref_slice %arg2[%dma_wait3A_469, %dma_wait3A_470] : memref<2097152x8xf32, #tpu.memory_space<hbm>> -> memref<2097152x8xf32, #tpu.memory_space<hbm>>
      tpu.wait_indirect_dma semaphore(%arg8 : memref<!tpu.dma_semaphore, #tpu.memory_space<semaphore_mem>>) src(%dma_wait3A_471 : memref<2097152x8xf32, #tpu.memory_space<hbm>>) dst(%dma_wait3A_465 : memref<128x8xf32, #tpu.memory_space<vmem>>)
      %dma_wait3A_472 = arith.constant 14 : i32
      %dma_wait3A_473 = arith.constant 1792 : i32
      %dma_wait3A_474 = arith.constant 0 : i32
      %dma_wait3A_475 = tpu.memref_slice %arg6[%dma_wait3A_473, %dma_wait3A_474] : memref<4096x8xf32, #tpu.memory_space<vmem>> -> memref<128x8xf32, #tpu.memory_space<vmem>>
      %dma_wait3A_476 = arith.constant 0 : i32
      %dma_wait3A_477 = tpu.memref_slice %arg5[%dma_wait3A_472, %dma_wait3A_476] : memref<32x128xi32, #tpu.memory_space<vmem>> -> memref<1x128xi32, #tpu.memory_space<vmem>>
      %dma_wait3A_478 = tpu.memref_squeeze %dma_wait3A_477 : memref<1x128xi32, #tpu.memory_space<vmem>> -> memref<128xi32, #tpu.memory_space<vmem>>
      %dma_wait3A_479 = arith.constant 0 : i32
      %dma_wait3A_480 = arith.constant 0 : i32
      %dma_wait3A_481 = tpu.memref_slice %arg2[%dma_wait3A_479, %dma_wait3A_480] : memref<2097152x8xf32, #tpu.memory_space<hbm>> -> memref<2097152x8xf32, #tpu.memory_space<hbm>>
      tpu.wait_indirect_dma semaphore(%arg8 : memref<!tpu.dma_semaphore, #tpu.memory_space<semaphore_mem>>) src(%dma_wait3A_481 : memref<2097152x8xf32, #tpu.memory_space<hbm>>) dst(%dma_wait3A_475 : memref<128x8xf32, #tpu.memory_space<vmem>>)
      %dma_wait3A_482 = arith.constant 15 : i32
      %dma_wait3A_483 = arith.constant 1920 : i32
      %dma_wait3A_484 = arith.constant 0 : i32
      %dma_wait3A_485 = tpu.memref_slice %arg6[%dma_wait3A_483, %dma_wait3A_484] : memref<4096x8xf32, #tpu.memory_space<vmem>> -> memref<128x8xf32, #tpu.memory_space<vmem>>
      %dma_wait3A_486 = arith.constant 0 : i32
      %dma_wait3A_487 = tpu.memref_slice %arg5[%dma_wait3A_482, %dma_wait3A_486] : memref<32x128xi32, #tpu.memory_space<vmem>> -> memref<1x128xi32, #tpu.memory_space<vmem>>
      %dma_wait3A_488 = tpu.memref_squeeze %dma_wait3A_487 : memref<1x128xi32, #tpu.memory_space<vmem>> -> memref<128xi32, #tpu.memory_space<vmem>>
      %dma_wait3A_489 = arith.constant 0 : i32
      %dma_wait3A_490 = arith.constant 0 : i32
      %dma_wait3A_491 = tpu.memref_slice %arg2[%dma_wait3A_489, %dma_wait3A_490] : memref<2097152x8xf32, #tpu.memory_space<hbm>> -> memref<2097152x8xf32, #tpu.memory_space<hbm>>
      tpu.wait_indirect_dma semaphore(%arg8 : memref<!tpu.dma_semaphore, #tpu.memory_space<semaphore_mem>>) src(%dma_wait3A_491 : memref<2097152x8xf32, #tpu.memory_space<hbm>>) dst(%dma_wait3A_485 : memref<128x8xf32, #tpu.memory_space<vmem>>)
      %scan3A_492 = arith.constant 0 : i32
      %scan3A_493 = arith.constant 0 : i32
      %scan3A_494 = arith.constant 128 : i32
      %scan3A_495 = arith.addi %scan3A_493, %scan3A_494 : i32
      %scan3A_496 = arith.constant 1 : i32
      scf.for %scan3A_674 = %scan3A_493 to %scan3A_495 step %scan3A_496  : i32 {
        %mul3A_675 = arith.constant 16 : i32
        %mul3A_676 = arith.muli %scan3A_674, %mul3A_675 : i32
        %add3A_677 = arith.constant 0 : i32
        %add3A_678 = arith.addi %add3A_677, %mul3A_676 : i32
        %add3A_679 = vector.broadcast %add3A_678 : i32 to vector<16xi32>
        %add3A_680 = arith.addi %add3A_679, %iota3A : vector<16xi32>
        %broadcast_in_dim3A = arith.constant 0 : i32
        %broadcast_in_dim3A_681 = vector.broadcast %broadcast_in_dim3A : i32 to vector<16xi32>
        %gather3A = tpu.vector_load_idx %arg6[%add3A_680, %broadcast_in_dim3A_681] : memref<4096x8xf32, #tpu.memory_space<vmem>>[vector<16xi32>, vector<16xi32>], vector<16xf32>,
        %swap3A = arith.constant 0 : i32
        %swap3A_682 = arith.index_cast %swap3A : i32 to index
        %swap3A_683 = arith.index_cast %add3A_678 : i32 to index
        %swap3A_684 = tpu.vector_load %arg7[%swap3A_682, %swap3A_683] {strides = array<i32>} : memref<4x4096xf32, #tpu.memory_space<vmem>>, vector<16xf32>,
        tpu.vector_store %arg7[%swap3A_682, %swap3A_683], %gather3A {strides = array<i32>} : memref<4x4096xf32, #tpu.memory_space<vmem>>, vector<16xf32>,
        %broadcast_in_dim3A_685 = arith.constant 1 : i32
        %broadcast_in_dim3A_686 = vector.broadcast %broadcast_in_dim3A_685 : i32 to vector<16xi32>
        %gather3A_687 = tpu.vector_load_idx %arg6[%add3A_680, %broadcast_in_dim3A_686] : memref<4096x8xf32, #tpu.memory_space<vmem>>[vector<16xi32>, vector<16xi32>], vector<16xf32>,
        %swap3A_688 = arith.constant 1 : i32
        %swap3A_689 = arith.index_cast %swap3A_688 : i32 to index
        %swap3A_690 = arith.index_cast %add3A_678 : i32 to index
        %swap3A_691 = tpu.vector_load %arg7[%swap3A_689, %swap3A_690] {strides = array<i32>} : memref<4x4096xf32, #tpu.memory_space<vmem>>, vector<16xf32>,
        tpu.vector_store %arg7[%swap3A_689, %swap3A_690], %gather3A_687 {strides = array<i32>} : memref<4x4096xf32, #tpu.memory_space<vmem>>, vector<16xf32>,
        %broadcast_in_dim3A_692 = arith.constant 2 : i32
        %broadcast_in_dim3A_693 = vector.broadcast %broadcast_in_dim3A_692 : i32 to vector<16xi32>
        %gather3A_694 = tpu.vector_load_idx %arg6[%add3A_680, %broadcast_in_dim3A_693] : memref<4096x8xf32, #tpu.memory_space<vmem>>[vector<16xi32>, vector<16xi32>], vector<16xf32>,
        %swap3A_695 = arith.constant 2 : i32
        %swap3A_696 = arith.index_cast %swap3A_695 : i32 to index
        %swap3A_697 = arith.index_cast %add3A_678 : i32 to index
        %swap3A_698 = tpu.vector_load %arg7[%swap3A_696, %swap3A_697] {strides = array<i32>} : memref<4x4096xf32, #tpu.memory_space<vmem>>, vector<16xf32>,
        tpu.vector_store %arg7[%swap3A_696, %swap3A_697], %gather3A_694 {strides = array<i32>} : memref<4x4096xf32, #tpu.memory_space<vmem>>, vector<16xf32>,
        %broadcast_in_dim3A_699 = arith.constant 3 : i32
        %broadcast_in_dim3A_700 = vector.broadcast %broadcast_in_dim3A_699 : i32 to vector<16xi32>
        %gather3A_701 = tpu.vector_load_idx %arg6[%add3A_680, %broadcast_in_dim3A_700] : memref<4096x8xf32, #tpu.memory_space<vmem>>[vector<16xi32>, vector<16xi32>], vector<16xf32>,
        %swap3A_702 = arith.constant 3 : i32
        %swap3A_703 = arith.index_cast %swap3A_702 : i32 to index
        %swap3A_704 = arith.index_cast %add3A_678 : i32 to index
        %swap3A_705 = tpu.vector_load %arg7[%swap3A_703, %swap3A_704] {strides = array<i32>} : memref<4x4096xf32, #tpu.memory_space<vmem>>, vector<16xf32>,
        tpu.vector_store %arg7[%swap3A_703, %swap3A_704], %gather3A_701 {strides = array<i32>} : memref<4x4096xf32, #tpu.memory_space<vmem>>, vector<16xf32>,
      }
      %scan3A_497 = arith.constant 128 : i32
      %dma_wait3A_498 = arith.constant 16 : i32
      %dma_wait3A_499 = arith.constant 2048 : i32
      %dma_wait3A_500 = arith.constant 0 : i32
      %dma_wait3A_501 = tpu.memref_slice %arg6[%dma_wait3A_499, %dma_wait3A_500] : memref<4096x8xf32, #tpu.memory_space<vmem>> -> memref<128x8xf32, #tpu.memory_space<vmem>>
      %dma_wait3A_502 = arith.constant 0 : i32
      %dma_wait3A_503 = tpu.memref_slice %arg5[%dma_wait3A_498, %dma_wait3A_502] : memref<32x128xi32, #tpu.memory_space<vmem>> -> memref<1x128xi32, #tpu.memory_space<vmem>>
      %dma_wait3A_504 = tpu.memref_squeeze %dma_wait3A_503 : memref<1x128xi32, #tpu.memory_space<vmem>> -> memref<128xi32, #tpu.memory_space<vmem>>
      %dma_wait3A_505 = arith.constant 0 : i32
      %dma_wait3A_506 = arith.constant 0 : i32
      %dma_wait3A_507 = tpu.memref_slice %arg2[%dma_wait3A_505, %dma_wait3A_506] : memref<2097152x8xf32, #tpu.memory_space<hbm>> -> memref<2097152x8xf32, #tpu.memory_space<hbm>>
      tpu.wait_indirect_dma semaphore(%arg9 : memref<!tpu.dma_semaphore, #tpu.memory_space<semaphore_mem>>) src(%dma_wait3A_507 : memref<2097152x8xf32, #tpu.memory_space<hbm>>) dst(%dma_wait3A_501 : memref<128x8xf32, #tpu.memory_space<vmem>>)
      %dma_wait3A_508 = arith.constant 17 : i32
      %dma_wait3A_509 = arith.constant 2176 : i32
      %dma_wait3A_510 = arith.constant 0 : i32
      %dma_wait3A_511 = tpu.memref_slice %arg6[%dma_wait3A_509, %dma_wait3A_510] : memref<4096x8xf32, #tpu.memory_space<vmem>> -> memref<128x8xf32, #tpu.memory_space<vmem>>
      %dma_wait3A_512 = arith.constant 0 : i32
      %dma_wait3A_513 = tpu.memref_slice %arg5[%dma_wait3A_508, %dma_wait3A_512] : memref<32x128xi32, #tpu.memory_space<vmem>> -> memref<1x128xi32, #tpu.memory_space<vmem>>
      %dma_wait3A_514 = tpu.memref_squeeze %dma_wait3A_513 : memref<1x128xi32, #tpu.memory_space<vmem>> -> memref<128xi32, #tpu.memory_space<vmem>>
      %dma_wait3A_515 = arith.constant 0 : i32
      %dma_wait3A_516 = arith.constant 0 : i32
      %dma_wait3A_517 = tpu.memref_slice %arg2[%dma_wait3A_515, %dma_wait3A_516] : memref<2097152x8xf32, #tpu.memory_space<hbm>> -> memref<2097152x8xf32, #tpu.memory_space<hbm>>
      tpu.wait_indirect_dma semaphore(%arg9 : memref<!tpu.dma_semaphore, #tpu.memory_space<semaphore_mem>>) src(%dma_wait3A_517 : memref<2097152x8xf32, #tpu.memory_space<hbm>>) dst(%dma_wait3A_511 : memref<128x8xf32, #tpu.memory_space<vmem>>)
      %dma_wait3A_518 = arith.constant 18 : i32
      %dma_wait3A_519 = arith.constant 2304 : i32
      %dma_wait3A_520 = arith.constant 0 : i32
      %dma_wait3A_521 = tpu.memref_slice %arg6[%dma_wait3A_519, %dma_wait3A_520] : memref<4096x8xf32, #tpu.memory_space<vmem>> -> memref<128x8xf32, #tpu.memory_space<vmem>>
      %dma_wait3A_522 = arith.constant 0 : i32
      %dma_wait3A_523 = tpu.memref_slice %arg5[%dma_wait3A_518, %dma_wait3A_522] : memref<32x128xi32, #tpu.memory_space<vmem>> -> memref<1x128xi32, #tpu.memory_space<vmem>>
      %dma_wait3A_524 = tpu.memref_squeeze %dma_wait3A_523 : memref<1x128xi32, #tpu.memory_space<vmem>> -> memref<128xi32, #tpu.memory_space<vmem>>
      %dma_wait3A_525 = arith.constant 0 : i32
      %dma_wait3A_526 = arith.constant 0 : i32
      %dma_wait3A_527 = tpu.memref_slice %arg2[%dma_wait3A_525, %dma_wait3A_526] : memref<2097152x8xf32, #tpu.memory_space<hbm>> -> memref<2097152x8xf32, #tpu.memory_space<hbm>>
      tpu.wait_indirect_dma semaphore(%arg9 : memref<!tpu.dma_semaphore, #tpu.memory_space<semaphore_mem>>) src(%dma_wait3A_527 : memref<2097152x8xf32, #tpu.memory_space<hbm>>) dst(%dma_wait3A_521 : memref<128x8xf32, #tpu.memory_space<vmem>>)
      %dma_wait3A_528 = arith.constant 19 : i32
      %dma_wait3A_529 = arith.constant 2432 : i32
      %dma_wait3A_530 = arith.constant 0 : i32
      %dma_wait3A_531 = tpu.memref_slice %arg6[%dma_wait3A_529, %dma_wait3A_530] : memref<4096x8xf32, #tpu.memory_space<vmem>> -> memref<128x8xf32, #tpu.memory_space<vmem>>
      %dma_wait3A_532 = arith.constant 0 : i32
      %dma_wait3A_533 = tpu.memref_slice %arg5[%dma_wait3A_528, %dma_wait3A_532] : memref<32x128xi32, #tpu.memory_space<vmem>> -> memref<1x128xi32, #tpu.memory_space<vmem>>
      %dma_wait3A_534 = tpu.memref_squeeze %dma_wait3A_533 : memref<1x128xi32, #tpu.memory_space<vmem>> -> memref<128xi32, #tpu.memory_space<vmem>>
      %dma_wait3A_535 = arith.constant 0 : i32
      %dma_wait3A_536 = arith.constant 0 : i32
      %dma_wait3A_537 = tpu.memref_slice %arg2[%dma_wait3A_535, %dma_wait3A_536] : memref<2097152x8xf32, #tpu.memory_space<hbm>> -> memref<2097152x8xf32, #tpu.memory_space<hbm>>
      tpu.wait_indirect_dma semaphore(%arg9 : memref<!tpu.dma_semaphore, #tpu.memory_space<semaphore_mem>>) src(%dma_wait3A_537 : memref<2097152x8xf32, #tpu.memory_space<hbm>>) dst(%dma_wait3A_531 : memref<128x8xf32, #tpu.memory_space<vmem>>)
      %dma_wait3A_538 = arith.constant 20 : i32
      %dma_wait3A_539 = arith.constant 2560 : i32
      %dma_wait3A_540 = arith.constant 0 : i32
      %dma_wait3A_541 = tpu.memref_slice %arg6[%dma_wait3A_539, %dma_wait3A_540] : memref<4096x8xf32, #tpu.memory_space<vmem>> -> memref<128x8xf32, #tpu.memory_space<vmem>>
      %dma_wait3A_542 = arith.constant 0 : i32
      %dma_wait3A_543 = tpu.memref_slice %arg5[%dma_wait3A_538, %dma_wait3A_542] : memref<32x128xi32, #tpu.memory_space<vmem>> -> memref<1x128xi32, #tpu.memory_space<vmem>>
      %dma_wait3A_544 = tpu.memref_squeeze %dma_wait3A_543 : memref<1x128xi32, #tpu.memory_space<vmem>> -> memref<128xi32, #tpu.memory_space<vmem>>
      %dma_wait3A_545 = arith.constant 0 : i32
      %dma_wait3A_546 = arith.constant 0 : i32
      %dma_wait3A_547 = tpu.memref_slice %arg2[%dma_wait3A_545, %dma_wait3A_546] : memref<2097152x8xf32, #tpu.memory_space<hbm>> -> memref<2097152x8xf32, #tpu.memory_space<hbm>>
      tpu.wait_indirect_dma semaphore(%arg9 : memref<!tpu.dma_semaphore, #tpu.memory_space<semaphore_mem>>) src(%dma_wait3A_547 : memref<2097152x8xf32, #tpu.memory_space<hbm>>) dst(%dma_wait3A_541 : memref<128x8xf32, #tpu.memory_space<vmem>>)
      %dma_wait3A_548 = arith.constant 21 : i32
      %dma_wait3A_549 = arith.constant 2688 : i32
      %dma_wait3A_550 = arith.constant 0 : i32
      %dma_wait3A_551 = tpu.memref_slice %arg6[%dma_wait3A_549, %dma_wait3A_550] : memref<4096x8xf32, #tpu.memory_space<vmem>> -> memref<128x8xf32, #tpu.memory_space<vmem>>
      %dma_wait3A_552 = arith.constant 0 : i32
      %dma_wait3A_553 = tpu.memref_slice %arg5[%dma_wait3A_548, %dma_wait3A_552] : memref<32x128xi32, #tpu.memory_space<vmem>> -> memref<1x128xi32, #tpu.memory_space<vmem>>
      %dma_wait3A_554 = tpu.memref_squeeze %dma_wait3A_553 : memref<1x128xi32, #tpu.memory_space<vmem>> -> memref<128xi32, #tpu.memory_space<vmem>>
      %dma_wait3A_555 = arith.constant 0 : i32
      %dma_wait3A_556 = arith.constant 0 : i32
      %dma_wait3A_557 = tpu.memref_slice %arg2[%dma_wait3A_555, %dma_wait3A_556] : memref<2097152x8xf32, #tpu.memory_space<hbm>> -> memref<2097152x8xf32, #tpu.memory_space<hbm>>
      tpu.wait_indirect_dma semaphore(%arg9 : memref<!tpu.dma_semaphore, #tpu.memory_space<semaphore_mem>>) src(%dma_wait3A_557 : memref<2097152x8xf32, #tpu.memory_space<hbm>>) dst(%dma_wait3A_551 : memref<128x8xf32, #tpu.memory_space<vmem>>)
      %dma_wait3A_558 = arith.constant 22 : i32
      %dma_wait3A_559 = arith.constant 2816 : i32
      %dma_wait3A_560 = arith.constant 0 : i32
      %dma_wait3A_561 = tpu.memref_slice %arg6[%dma_wait3A_559, %dma_wait3A_560] : memref<4096x8xf32, #tpu.memory_space<vmem>> -> memref<128x8xf32, #tpu.memory_space<vmem>>
      %dma_wait3A_562 = arith.constant 0 : i32
      %dma_wait3A_563 = tpu.memref_slice %arg5[%dma_wait3A_558, %dma_wait3A_562] : memref<32x128xi32, #tpu.memory_space<vmem>> -> memref<1x128xi32, #tpu.memory_space<vmem>>
      %dma_wait3A_564 = tpu.memref_squeeze %dma_wait3A_563 : memref<1x128xi32, #tpu.memory_space<vmem>> -> memref<128xi32, #tpu.memory_space<vmem>>
      %dma_wait3A_565 = arith.constant 0 : i32
      %dma_wait3A_566 = arith.constant 0 : i32
      %dma_wait3A_567 = tpu.memref_slice %arg2[%dma_wait3A_565, %dma_wait3A_566] : memref<2097152x8xf32, #tpu.memory_space<hbm>> -> memref<2097152x8xf32, #tpu.memory_space<hbm>>
      tpu.wait_indirect_dma semaphore(%arg9 : memref<!tpu.dma_semaphore, #tpu.memory_space<semaphore_mem>>) src(%dma_wait3A_567 : memref<2097152x8xf32, #tpu.memory_space<hbm>>) dst(%dma_wait3A_561 : memref<128x8xf32, #tpu.memory_space<vmem>>)
      %dma_wait3A_568 = arith.constant 23 : i32
      %dma_wait3A_569 = arith.constant 2944 : i32
      %dma_wait3A_570 = arith.constant 0 : i32
      %dma_wait3A_571 = tpu.memref_slice %arg6[%dma_wait3A_569, %dma_wait3A_570] : memref<4096x8xf32, #tpu.memory_space<vmem>> -> memref<128x8xf32, #tpu.memory_space<vmem>>
      %dma_wait3A_572 = arith.constant 0 : i32
      %dma_wait3A_573 = tpu.memref_slice %arg5[%dma_wait3A_568, %dma_wait3A_572] : memref<32x128xi32, #tpu.memory_space<vmem>> -> memref<1x128xi32, #tpu.memory_space<vmem>>
      %dma_wait3A_574 = tpu.memref_squeeze %dma_wait3A_573 : memref<1x128xi32, #tpu.memory_space<vmem>> -> memref<128xi32, #tpu.memory_space<vmem>>
      %dma_wait3A_575 = arith.constant 0 : i32
      %dma_wait3A_576 = arith.constant 0 : i32
      %dma_wait3A_577 = tpu.memref_slice %arg2[%dma_wait3A_575, %dma_wait3A_576] : memref<2097152x8xf32, #tpu.memory_space<hbm>> -> memref<2097152x8xf32, #tpu.memory_space<hbm>>
      tpu.wait_indirect_dma semaphore(%arg9 : memref<!tpu.dma_semaphore, #tpu.memory_space<semaphore_mem>>) src(%dma_wait3A_577 : memref<2097152x8xf32, #tpu.memory_space<hbm>>) dst(%dma_wait3A_571 : memref<128x8xf32, #tpu.memory_space<vmem>>)
      %dma_wait3A_578 = arith.constant 24 : i32
      %dma_wait3A_579 = arith.constant 3072 : i32
      %dma_wait3A_580 = arith.constant 0 : i32
      %dma_wait3A_581 = tpu.memref_slice %arg6[%dma_wait3A_579, %dma_wait3A_580] : memref<4096x8xf32, #tpu.memory_space<vmem>> -> memref<128x8xf32, #tpu.memory_space<vmem>>
      %dma_wait3A_582 = arith.constant 0 : i32
      %dma_wait3A_583 = tpu.memref_slice %arg5[%dma_wait3A_578, %dma_wait3A_582] : memref<32x128xi32, #tpu.memory_space<vmem>> -> memref<1x128xi32, #tpu.memory_space<vmem>>
      %dma_wait3A_584 = tpu.memref_squeeze %dma_wait3A_583 : memref<1x128xi32, #tpu.memory_space<vmem>> -> memref<128xi32, #tpu.memory_space<vmem>>
      %dma_wait3A_585 = arith.constant 0 : i32
      %dma_wait3A_586 = arith.constant 0 : i32
      %dma_wait3A_587 = tpu.memref_slice %arg2[%dma_wait3A_585, %dma_wait3A_586] : memref<2097152x8xf32, #tpu.memory_space<hbm>> -> memref<2097152x8xf32, #tpu.memory_space<hbm>>
      tpu.wait_indirect_dma semaphore(%arg9 : memref<!tpu.dma_semaphore, #tpu.memory_space<semaphore_mem>>) src(%dma_wait3A_587 : memref<2097152x8xf32, #tpu.memory_space<hbm>>) dst(%dma_wait3A_581 : memref<128x8xf32, #tpu.memory_space<vmem>>)
      %dma_wait3A_588 = arith.constant 25 : i32
      %dma_wait3A_589 = arith.constant 3200 : i32
      %dma_wait3A_590 = arith.constant 0 : i32
      %dma_wait3A_591 = tpu.memref_slice %arg6[%dma_wait3A_589, %dma_wait3A_590] : memref<4096x8xf32, #tpu.memory_space<vmem>> -> memref<128x8xf32, #tpu.memory_space<vmem>>
      %dma_wait3A_592 = arith.constant 0 : i32
      %dma_wait3A_593 = tpu.memref_slice %arg5[%dma_wait3A_588, %dma_wait3A_592] : memref<32x128xi32, #tpu.memory_space<vmem>> -> memref<1x128xi32, #tpu.memory_space<vmem>>
      %dma_wait3A_594 = tpu.memref_squeeze %dma_wait3A_593 : memref<1x128xi32, #tpu.memory_space<vmem>> -> memref<128xi32, #tpu.memory_space<vmem>>
      %dma_wait3A_595 = arith.constant 0 : i32
      %dma_wait3A_596 = arith.constant 0 : i32
      %dma_wait3A_597 = tpu.memref_slice %arg2[%dma_wait3A_595, %dma_wait3A_596] : memref<2097152x8xf32, #tpu.memory_space<hbm>> -> memref<2097152x8xf32, #tpu.memory_space<hbm>>
      tpu.wait_indirect_dma semaphore(%arg9 : memref<!tpu.dma_semaphore, #tpu.memory_space<semaphore_mem>>) src(%dma_wait3A_597 : memref<2097152x8xf32, #tpu.memory_space<hbm>>) dst(%dma_wait3A_591 : memref<128x8xf32, #tpu.memory_space<vmem>>)
      %dma_wait3A_598 = arith.constant 26 : i32
      %dma_wait3A_599 = arith.constant 3328 : i32
      %dma_wait3A_600 = arith.constant 0 : i32
      %dma_wait3A_601 = tpu.memref_slice %arg6[%dma_wait3A_599, %dma_wait3A_600] : memref<4096x8xf32, #tpu.memory_space<vmem>> -> memref<128x8xf32, #tpu.memory_space<vmem>>
      %dma_wait3A_602 = arith.constant 0 : i32
      %dma_wait3A_603 = tpu.memref_slice %arg5[%dma_wait3A_598, %dma_wait3A_602] : memref<32x128xi32, #tpu.memory_space<vmem>> -> memref<1x128xi32, #tpu.memory_space<vmem>>
      %dma_wait3A_604 = tpu.memref_squeeze %dma_wait3A_603 : memref<1x128xi32, #tpu.memory_space<vmem>> -> memref<128xi32, #tpu.memory_space<vmem>>
      %dma_wait3A_605 = arith.constant 0 : i32
      %dma_wait3A_606 = arith.constant 0 : i32
      %dma_wait3A_607 = tpu.memref_slice %arg2[%dma_wait3A_605, %dma_wait3A_606] : memref<2097152x8xf32, #tpu.memory_space<hbm>> -> memref<2097152x8xf32, #tpu.memory_space<hbm>>
      tpu.wait_indirect_dma semaphore(%arg9 : memref<!tpu.dma_semaphore, #tpu.memory_space<semaphore_mem>>) src(%dma_wait3A_607 : memref<2097152x8xf32, #tpu.memory_space<hbm>>) dst(%dma_wait3A_601 : memref<128x8xf32, #tpu.memory_space<vmem>>)
      %dma_wait3A_608 = arith.constant 27 : i32
      %dma_wait3A_609 = arith.constant 3456 : i32
      %dma_wait3A_610 = arith.constant 0 : i32
      %dma_wait3A_611 = tpu.memref_slice %arg6[%dma_wait3A_609, %dma_wait3A_610] : memref<4096x8xf32, #tpu.memory_space<vmem>> -> memref<128x8xf32, #tpu.memory_space<vmem>>
      %dma_wait3A_612 = arith.constant 0 : i32
      %dma_wait3A_613 = tpu.memref_slice %arg5[%dma_wait3A_608, %dma_wait3A_612] : memref<32x128xi32, #tpu.memory_space<vmem>> -> memref<1x128xi32, #tpu.memory_space<vmem>>
      %dma_wait3A_614 = tpu.memref_squeeze %dma_wait3A_613 : memref<1x128xi32, #tpu.memory_space<vmem>> -> memref<128xi32, #tpu.memory_space<vmem>>
      %dma_wait3A_615 = arith.constant 0 : i32
      %dma_wait3A_616 = arith.constant 0 : i32
      %dma_wait3A_617 = tpu.memref_slice %arg2[%dma_wait3A_615, %dma_wait3A_616] : memref<2097152x8xf32, #tpu.memory_space<hbm>> -> memref<2097152x8xf32, #tpu.memory_space<hbm>>
      tpu.wait_indirect_dma semaphore(%arg9 : memref<!tpu.dma_semaphore, #tpu.memory_space<semaphore_mem>>) src(%dma_wait3A_617 : memref<2097152x8xf32, #tpu.memory_space<hbm>>) dst(%dma_wait3A_611 : memref<128x8xf32, #tpu.memory_space<vmem>>)
      %dma_wait3A_618 = arith.constant 28 : i32
      %dma_wait3A_619 = arith.constant 3584 : i32
      %dma_wait3A_620 = arith.constant 0 : i32
      %dma_wait3A_621 = tpu.memref_slice %arg6[%dma_wait3A_619, %dma_wait3A_620] : memref<4096x8xf32, #tpu.memory_space<vmem>> -> memref<128x8xf32, #tpu.memory_space<vmem>>
      %dma_wait3A_622 = arith.constant 0 : i32
      %dma_wait3A_623 = tpu.memref_slice %arg5[%dma_wait3A_618, %dma_wait3A_622] : memref<32x128xi32, #tpu.memory_space<vmem>> -> memref<1x128xi32, #tpu.memory_space<vmem>>
      %dma_wait3A_624 = tpu.memref_squeeze %dma_wait3A_623 : memref<1x128xi32, #tpu.memory_space<vmem>> -> memref<128xi32, #tpu.memory_space<vmem>>
      %dma_wait3A_625 = arith.constant 0 : i32
      %dma_wait3A_626 = arith.constant 0 : i32
      %dma_wait3A_627 = tpu.memref_slice %arg2[%dma_wait3A_625, %dma_wait3A_626] : memref<2097152x8xf32, #tpu.memory_space<hbm>> -> memref<2097152x8xf32, #tpu.memory_space<hbm>>
      tpu.wait_indirect_dma semaphore(%arg9 : memref<!tpu.dma_semaphore, #tpu.memory_space<semaphore_mem>>) src(%dma_wait3A_627 : memref<2097152x8xf32, #tpu.memory_space<hbm>>) dst(%dma_wait3A_621 : memref<128x8xf32, #tpu.memory_space<vmem>>)
      %dma_wait3A_628 = arith.constant 29 : i32
      %dma_wait3A_629 = arith.constant 3712 : i32
      %dma_wait3A_630 = arith.constant 0 : i32
      %dma_wait3A_631 = tpu.memref_slice %arg6[%dma_wait3A_629, %dma_wait3A_630] : memref<4096x8xf32, #tpu.memory_space<vmem>> -> memref<128x8xf32, #tpu.memory_space<vmem>>
      %dma_wait3A_632 = arith.constant 0 : i32
      %dma_wait3A_633 = tpu.memref_slice %arg5[%dma_wait3A_628, %dma_wait3A_632] : memref<32x128xi32, #tpu.memory_space<vmem>> -> memref<1x128xi32, #tpu.memory_space<vmem>>
      %dma_wait3A_634 = tpu.memref_squeeze %dma_wait3A_633 : memref<1x128xi32, #tpu.memory_space<vmem>> -> memref<128xi32, #tpu.memory_space<vmem>>
      %dma_wait3A_635 = arith.constant 0 : i32
      %dma_wait3A_636 = arith.constant 0 : i32
      %dma_wait3A_637 = tpu.memref_slice %arg2[%dma_wait3A_635, %dma_wait3A_636] : memref<2097152x8xf32, #tpu.memory_space<hbm>> -> memref<2097152x8xf32, #tpu.memory_space<hbm>>
      tpu.wait_indirect_dma semaphore(%arg9 : memref<!tpu.dma_semaphore, #tpu.memory_space<semaphore_mem>>) src(%dma_wait3A_637 : memref<2097152x8xf32, #tpu.memory_space<hbm>>) dst(%dma_wait3A_631 : memref<128x8xf32, #tpu.memory_space<vmem>>)
      %dma_wait3A_638 = arith.constant 30 : i32
      %dma_wait3A_639 = arith.constant 3840 : i32
      %dma_wait3A_640 = arith.constant 0 : i32
      %dma_wait3A_641 = tpu.memref_slice %arg6[%dma_wait3A_639, %dma_wait3A_640] : memref<4096x8xf32, #tpu.memory_space<vmem>> -> memref<128x8xf32, #tpu.memory_space<vmem>>
      %dma_wait3A_642 = arith.constant 0 : i32
      %dma_wait3A_643 = tpu.memref_slice %arg5[%dma_wait3A_638, %dma_wait3A_642] : memref<32x128xi32, #tpu.memory_space<vmem>> -> memref<1x128xi32, #tpu.memory_space<vmem>>
      %dma_wait3A_644 = tpu.memref_squeeze %dma_wait3A_643 : memref<1x128xi32, #tpu.memory_space<vmem>> -> memref<128xi32, #tpu.memory_space<vmem>>
      %dma_wait3A_645 = arith.constant 0 : i32
      %dma_wait3A_646 = arith.constant 0 : i32
      %dma_wait3A_647 = tpu.memref_slice %arg2[%dma_wait3A_645, %dma_wait3A_646] : memref<2097152x8xf32, #tpu.memory_space<hbm>> -> memref<2097152x8xf32, #tpu.memory_space<hbm>>
      tpu.wait_indirect_dma semaphore(%arg9 : memref<!tpu.dma_semaphore, #tpu.memory_space<semaphore_mem>>) src(%dma_wait3A_647 : memref<2097152x8xf32, #tpu.memory_space<hbm>>) dst(%dma_wait3A_641 : memref<128x8xf32, #tpu.memory_space<vmem>>)
      %dma_wait3A_648 = arith.constant 31 : i32
      %dma_wait3A_649 = arith.constant 3968 : i32
      %dma_wait3A_650 = arith.constant 0 : i32
      %dma_wait3A_651 = tpu.memref_slice %arg6[%dma_wait3A_649, %dma_wait3A_650] : memref<4096x8xf32, #tpu.memory_space<vmem>> -> memref<128x8xf32, #tpu.memory_space<vmem>>
      %dma_wait3A_652 = arith.constant 0 : i32
      %dma_wait3A_653 = tpu.memref_slice %arg5[%dma_wait3A_648, %dma_wait3A_652] : memref<32x128xi32, #tpu.memory_space<vmem>> -> memref<1x128xi32, #tpu.memory_space<vmem>>
      %dma_wait3A_654 = tpu.memref_squeeze %dma_wait3A_653 : memref<1x128xi32, #tpu.memory_space<vmem>> -> memref<128xi32, #tpu.memory_space<vmem>>
      %dma_wait3A_655 = arith.constant 0 : i32
      %dma_wait3A_656 = arith.constant 0 : i32
      %dma_wait3A_657 = tpu.memref_slice %arg2[%dma_wait3A_655, %dma_wait3A_656] : memref<2097152x8xf32, #tpu.memory_space<hbm>> -> memref<2097152x8xf32, #tpu.memory_space<hbm>>
      tpu.wait_indirect_dma semaphore(%arg9 : memref<!tpu.dma_semaphore, #tpu.memory_space<semaphore_mem>>) src(%dma_wait3A_657 : memref<2097152x8xf32, #tpu.memory_space<hbm>>) dst(%dma_wait3A_651 : memref<128x8xf32, #tpu.memory_space<vmem>>)
      %scan3A_658 = arith.constant 0 : i32
      %scan3A_659 = arith.constant 0 : i32
      %scan3A_660 = arith.constant 128 : i32
      %scan3A_661 = arith.addi %scan3A_659, %scan3A_660 : i32
      %scan3A_662 = arith.constant 1 : i32
      scf.for %scan3A_674 = %scan3A_659 to %scan3A_661 step %scan3A_662  : i32 {
        %mul3A_675 = arith.constant 16 : i32
        %mul3A_676 = arith.muli %scan3A_674, %mul3A_675 : i32
        %add3A_677 = arith.constant 2048 : i32
        %add3A_678 = arith.addi %add3A_677, %mul3A_676 : i32
        %add3A_679 = vector.broadcast %add3A_678 : i32 to vector<16xi32>
        %add3A_680 = arith.addi %add3A_679, %iota3A : vector<16xi32>
        %broadcast_in_dim3A = arith.constant 0 : i32
        %broadcast_in_dim3A_681 = vector.broadcast %broadcast_in_dim3A : i32 to vector<16xi32>
        %gather3A = tpu.vector_load_idx %arg6[%add3A_680, %broadcast_in_dim3A_681] : memref<4096x8xf32, #tpu.memory_space<vmem>>[vector<16xi32>, vector<16xi32>], vector<16xf32>,
        %swap3A = arith.constant 0 : i32
        %swap3A_682 = arith.index_cast %swap3A : i32 to index
        %swap3A_683 = arith.index_cast %add3A_678 : i32 to index
        %swap3A_684 = tpu.vector_load %arg7[%swap3A_682, %swap3A_683] {strides = array<i32>} : memref<4x4096xf32, #tpu.memory_space<vmem>>, vector<16xf32>,
        tpu.vector_store %arg7[%swap3A_682, %swap3A_683], %gather3A {strides = array<i32>} : memref<4x4096xf32, #tpu.memory_space<vmem>>, vector<16xf32>,
        %broadcast_in_dim3A_685 = arith.constant 1 : i32
        %broadcast_in_dim3A_686 = vector.broadcast %broadcast_in_dim3A_685 : i32 to vector<16xi32>
        %gather3A_687 = tpu.vector_load_idx %arg6[%add3A_680, %broadcast_in_dim3A_686] : memref<4096x8xf32, #tpu.memory_space<vmem>>[vector<16xi32>, vector<16xi32>], vector<16xf32>,
        %swap3A_688 = arith.constant 1 : i32
        %swap3A_689 = arith.index_cast %swap3A_688 : i32 to index
        %swap3A_690 = arith.index_cast %add3A_678 : i32 to index
        %swap3A_691 = tpu.vector_load %arg7[%swap3A_689, %swap3A_690] {strides = array<i32>} : memref<4x4096xf32, #tpu.memory_space<vmem>>, vector<16xf32>,
        tpu.vector_store %arg7[%swap3A_689, %swap3A_690], %gather3A_687 {strides = array<i32>} : memref<4x4096xf32, #tpu.memory_space<vmem>>, vector<16xf32>,
        %broadcast_in_dim3A_692 = arith.constant 2 : i32
        %broadcast_in_dim3A_693 = vector.broadcast %broadcast_in_dim3A_692 : i32 to vector<16xi32>
        %gather3A_694 = tpu.vector_load_idx %arg6[%add3A_680, %broadcast_in_dim3A_693] : memref<4096x8xf32, #tpu.memory_space<vmem>>[vector<16xi32>, vector<16xi32>], vector<16xf32>,
        %swap3A_695 = arith.constant 2 : i32
        %swap3A_696 = arith.index_cast %swap3A_695 : i32 to index
        %swap3A_697 = arith.index_cast %add3A_678 : i32 to index
        %swap3A_698 = tpu.vector_load %arg7[%swap3A_696, %swap3A_697] {strides = array<i32>} : memref<4x4096xf32, #tpu.memory_space<vmem>>, vector<16xf32>,
        tpu.vector_store %arg7[%swap3A_696, %swap3A_697], %gather3A_694 {strides = array<i32>} : memref<4x4096xf32, #tpu.memory_space<vmem>>, vector<16xf32>,
        %broadcast_in_dim3A_699 = arith.constant 3 : i32
        %broadcast_in_dim3A_700 = vector.broadcast %broadcast_in_dim3A_699 : i32 to vector<16xi32>
        %gather3A_701 = tpu.vector_load_idx %arg6[%add3A_680, %broadcast_in_dim3A_700] : memref<4096x8xf32, #tpu.memory_space<vmem>>[vector<16xi32>, vector<16xi32>], vector<16xf32>,
        %swap3A_702 = arith.constant 3 : i32
        %swap3A_703 = arith.index_cast %swap3A_702 : i32 to index
        %swap3A_704 = arith.index_cast %add3A_678 : i32 to index
        %swap3A_705 = tpu.vector_load %arg7[%swap3A_703, %swap3A_704] {strides = array<i32>} : memref<4x4096xf32, #tpu.memory_space<vmem>>, vector<16xf32>,
        tpu.vector_store %arg7[%swap3A_703, %swap3A_704], %gather3A_701 {strides = array<i32>} : memref<4x4096xf32, #tpu.memory_space<vmem>>, vector<16xf32>,
      }
      %scan3A_663 = arith.constant 128 : i32
      %mul3A_664 = arith.constant 4096 : i32
      %mul3A_665 = arith.muli %scan3A_10, %mul3A_664 : i32
      %add3A_666 = arith.addi %mul3A_2, %mul3A_665 : i32
      %run_scoped3A = arith.constant 0 : i32
      %run_scoped3A_667 = arith.constant 0 : i32
      "tpu.region"() ({
        %run_scoped3A_674 = tpu.sem_alloc : memref<!tpu.dma_semaphore, #tpu.memory_space<semaphore_mem>>
        %dma_start3A_675 = arith.constant 0 : i32
        %dma_start3A_676 = tpu.memref_slice %arg7[%run_scoped3A, %dma_start3A_675] : memref<4x4096xf32, #tpu.memory_space<vmem>> -> memref<1x4096xf32, #tpu.memory_space<vmem>>
        %dma_start3A_677 = tpu.memref_squeeze %dma_start3A_676 : memref<1x4096xf32, #tpu.memory_space<vmem>> -> memref<4096xf32, #tpu.memory_space<vmem>>
        %dma_start3A_678 = arith.constant 0 : i32
        %dma_start3A_679 = tpu.memref_slice %arg4[%run_scoped3A_667, %dma_start3A_678] : memref<4x2097152xf32, #tpu.memory_space<hbm>> -> memref<1x2097152xf32, #tpu.memory_space<hbm>>
        %dma_start3A_680 = tpu.memref_squeeze %dma_start3A_679 : memref<1x2097152xf32, #tpu.memory_space<hbm>> -> memref<2097152xf32, #tpu.memory_space<hbm>>
        %dma_start3A_681 = tpu.memref_slice %dma_start3A_680[%add3A_666] : memref<2097152xf32, #tpu.memory_space<hbm>> -> memref<4096xf32, #tpu.memory_space<hbm>>
        %dma_start3A_682 = arith.constant 0 : i32
        %dma_start3A_683 = tpu.memref_slice %arg4[%run_scoped3A_667, %dma_start3A_682] : memref<4x2097152xf32, #tpu.memory_space<hbm>> -> memref<1x2097152xf32, #tpu.memory_space<hbm>>
        %dma_start3A_684 = tpu.memref_squeeze %dma_start3A_683 : memref<1x2097152xf32, #tpu.memory_space<hbm>> -> memref<2097152xf32, #tpu.memory_space<hbm>>
        %dma_start3A_685 = tpu.memref_slice %dma_start3A_684[%add3A_666] : memref<2097152xf32, #tpu.memory_space<hbm>> -> memref<4096xf32, #tpu.memory_space<hbm>>
        %dma_start3A_686 = arith.constant 0 : i32
        %dma_start3A_687 = tpu.memref_slice %arg7[%run_scoped3A, %dma_start3A_686] : memref<4x4096xf32, #tpu.memory_space<vmem>> -> memref<1x4096xf32, #tpu.memory_space<vmem>>
        %dma_start3A_688 = tpu.memref_squeeze %dma_start3A_687 : memref<1x4096xf32, #tpu.memory_space<vmem>> -> memref<4096xf32, #tpu.memory_space<vmem>>
        tpu.enqueue_dma source(%dma_start3A_688 : memref<4096xf32, #tpu.memory_space<vmem>>) target(%dma_start3A_685 : memref<4096xf32, #tpu.memory_space<hbm>>) target_semaphore(%run_scoped3A_674 : memref<!tpu.dma_semaphore, #tpu.memory_space<semaphore_mem>>)
        %dma_wait3A_689 = arith.constant 0 : i32
        %dma_wait3A_690 = tpu.memref_slice %arg7[%run_scoped3A, %dma_wait3A_689] : memref<4x4096xf32, #tpu.memory_space<vmem>> -> memref<1x4096xf32, #tpu.memory_space<vmem>>
        %dma_wait3A_691 = tpu.memref_squeeze %dma_wait3A_690 : memref<1x4096xf32, #tpu.memory_space<vmem>> -> memref<4096xf32, #tpu.memory_space<vmem>>
        %dma_wait3A_692 = arith.constant 0 : i32
        %dma_wait3A_693 = tpu.memref_slice %arg4[%run_scoped3A_667, %dma_wait3A_692] : memref<4x2097152xf32, #tpu.memory_space<hbm>> -> memref<1x2097152xf32, #tpu.memory_space<hbm>>
        %dma_wait3A_694 = tpu.memref_squeeze %dma_wait3A_693 : memref<1x2097152xf32, #tpu.memory_space<hbm>> -> memref<2097152xf32, #tpu.memory_space<hbm>>
        %dma_wait3A_695 = tpu.memref_slice %dma_wait3A_694[%add3A_666] : memref<2097152xf32, #tpu.memory_space<hbm>> -> memref<4096xf32, #tpu.memory_space<hbm>>
        %dma_wait3A_696 = arith.constant 0 : i32
        %dma_wait3A_697 = tpu.memref_slice %arg4[%run_scoped3A_667, %dma_wait3A_696] : memref<4x2097152xf32, #tpu.memory_space<hbm>> -> memref<1x2097152xf32, #tpu.memory_space<hbm>>
        %dma_wait3A_698 = tpu.memref_squeeze %dma_wait3A_697 : memref<1x2097152xf32, #tpu.memory_space<hbm>> -> memref<2097152xf32, #tpu.memory_space<hbm>>
        %dma_wait3A_699 = tpu.memref_slice %dma_wait3A_698[%add3A_666] : memref<2097152xf32, #tpu.memory_space<hbm>> -> memref<4096xf32, #tpu.memory_space<hbm>>
        %dma_wait3A_700 = arith.constant 0 : i32
        %dma_wait3A_701 = tpu.memref_slice %arg7[%run_scoped3A, %dma_wait3A_700] : memref<4x4096xf32, #tpu.memory_space<vmem>> -> memref<1x4096xf32, #tpu.memory_space<vmem>>
        %dma_wait3A_702 = tpu.memref_squeeze %dma_wait3A_701 : memref<1x4096xf32, #tpu.memory_space<vmem>> -> memref<4096xf32, #tpu.memory_space<vmem>>
        tpu.wait_dma2 semaphore(%run_scoped3A_674 : memref<!tpu.dma_semaphore, #tpu.memory_space<semaphore_mem>>) src(%dma_wait3A_702 : memref<4096xf32, #tpu.memory_space<vmem>>) dst(%dma_wait3A_699 : memref<4096xf32, #tpu.memory_space<hbm>>)
        tpu.yield
      }) : () -> ()
      %run_scoped3A_668 = arith.constant 1 : i32
      %run_scoped3A_669 = arith.constant 1 : i32
      "tpu.region"() ({
        %run_scoped3A_674 = tpu.sem_alloc : memref<!tpu.dma_semaphore, #tpu.memory_space<semaphore_mem>>
        %dma_start3A_675 = arith.constant 0 : i32
        %dma_start3A_676 = tpu.memref_slice %arg7[%run_scoped3A_668, %dma_start3A_675] : memref<4x4096xf32, #tpu.memory_space<vmem>> -> memref<1x4096xf32, #tpu.memory_space<vmem>>
        %dma_start3A_677 = tpu.memref_squeeze %dma_start3A_676 : memref<1x4096xf32, #tpu.memory_space<vmem>> -> memref<4096xf32, #tpu.memory_space<vmem>>
        %dma_start3A_678 = arith.constant 0 : i32
        %dma_start3A_679 = tpu.memref_slice %arg4[%run_scoped3A_669, %dma_start3A_678] : memref<4x2097152xf32, #tpu.memory_space<hbm>> -> memref<1x2097152xf32, #tpu.memory_space<hbm>>
        %dma_start3A_680 = tpu.memref_squeeze %dma_start3A_679 : memref<1x2097152xf32, #tpu.memory_space<hbm>> -> memref<2097152xf32, #tpu.memory_space<hbm>>
        %dma_start3A_681 = tpu.memref_slice %dma_start3A_680[%add3A_666] : memref<2097152xf32, #tpu.memory_space<hbm>> -> memref<4096xf32, #tpu.memory_space<hbm>>
        %dma_start3A_682 = arith.constant 0 : i32
        %dma_start3A_683 = tpu.memref_slice %arg4[%run_scoped3A_669, %dma_start3A_682] : memref<4x2097152xf32, #tpu.memory_space<hbm>> -> memref<1x2097152xf32, #tpu.memory_space<hbm>>
        %dma_start3A_684 = tpu.memref_squeeze %dma_start3A_683 : memref<1x2097152xf32, #tpu.memory_space<hbm>> -> memref<2097152xf32, #tpu.memory_space<hbm>>
        %dma_start3A_685 = tpu.memref_slice %dma_start3A_684[%add3A_666] : memref<2097152xf32, #tpu.memory_space<hbm>> -> memref<4096xf32, #tpu.memory_space<hbm>>
        %dma_start3A_686 = arith.constant 0 : i32
        %dma_start3A_687 = tpu.memref_slice %arg7[%run_scoped3A_668, %dma_start3A_686] : memref<4x4096xf32, #tpu.memory_space<vmem>> -> memref<1x4096xf32, #tpu.memory_space<vmem>>
        %dma_start3A_688 = tpu.memref_squeeze %dma_start3A_687 : memref<1x4096xf32, #tpu.memory_space<vmem>> -> memref<4096xf32, #tpu.memory_space<vmem>>
        tpu.enqueue_dma source(%dma_start3A_688 : memref<4096xf32, #tpu.memory_space<vmem>>) target(%dma_start3A_685 : memref<4096xf32, #tpu.memory_space<hbm>>) target_semaphore(%run_scoped3A_674 : memref<!tpu.dma_semaphore, #tpu.memory_space<semaphore_mem>>)
        %dma_wait3A_689 = arith.constant 0 : i32
        %dma_wait3A_690 = tpu.memref_slice %arg7[%run_scoped3A_668, %dma_wait3A_689] : memref<4x4096xf32, #tpu.memory_space<vmem>> -> memref<1x4096xf32, #tpu.memory_space<vmem>>
        %dma_wait3A_691 = tpu.memref_squeeze %dma_wait3A_690 : memref<1x4096xf32, #tpu.memory_space<vmem>> -> memref<4096xf32, #tpu.memory_space<vmem>>
        %dma_wait3A_692 = arith.constant 0 : i32
        %dma_wait3A_693 = tpu.memref_slice %arg4[%run_scoped3A_669, %dma_wait3A_692] : memref<4x2097152xf32, #tpu.memory_space<hbm>> -> memref<1x2097152xf32, #tpu.memory_space<hbm>>
        %dma_wait3A_694 = tpu.memref_squeeze %dma_wait3A_693 : memref<1x2097152xf32, #tpu.memory_space<hbm>> -> memref<2097152xf32, #tpu.memory_space<hbm>>
        %dma_wait3A_695 = tpu.memref_slice %dma_wait3A_694[%add3A_666] : memref<2097152xf32, #tpu.memory_space<hbm>> -> memref<4096xf32, #tpu.memory_space<hbm>>
        %dma_wait3A_696 = arith.constant 0 : i32
        %dma_wait3A_697 = tpu.memref_slice %arg4[%run_scoped3A_669, %dma_wait3A_696] : memref<4x2097152xf32, #tpu.memory_space<hbm>> -> memref<1x2097152xf32, #tpu.memory_space<hbm>>
        %dma_wait3A_698 = tpu.memref_squeeze %dma_wait3A_697 : memref<1x2097152xf32, #tpu.memory_space<hbm>> -> memref<2097152xf32, #tpu.memory_space<hbm>>
        %dma_wait3A_699 = tpu.memref_slice %dma_wait3A_698[%add3A_666] : memref<2097152xf32, #tpu.memory_space<hbm>> -> memref<4096xf32, #tpu.memory_space<hbm>>
        %dma_wait3A_700 = arith.constant 0 : i32
        %dma_wait3A_701 = tpu.memref_slice %arg7[%run_scoped3A_668, %dma_wait3A_700] : memref<4x4096xf32, #tpu.memory_space<vmem>> -> memref<1x4096xf32, #tpu.memory_space<vmem>>
        %dma_wait3A_702 = tpu.memref_squeeze %dma_wait3A_701 : memref<1x4096xf32, #tpu.memory_space<vmem>> -> memref<4096xf32, #tpu.memory_space<vmem>>
        tpu.wait_dma2 semaphore(%run_scoped3A_674 : memref<!tpu.dma_semaphore, #tpu.memory_space<semaphore_mem>>) src(%dma_wait3A_702 : memref<4096xf32, #tpu.memory_space<vmem>>) dst(%dma_wait3A_699 : memref<4096xf32, #tpu.memory_space<hbm>>)
        tpu.yield
      }) : () -> ()
      %run_scoped3A_670 = arith.constant 2 : i32
      %run_scoped3A_671 = arith.constant 2 : i32
      "tpu.region"() ({
        %run_scoped3A_674 = tpu.sem_alloc : memref<!tpu.dma_semaphore, #tpu.memory_space<semaphore_mem>>
        %dma_start3A_675 = arith.constant 0 : i32
        %dma_start3A_676 = tpu.memref_slice %arg7[%run_scoped3A_670, %dma_start3A_675] : memref<4x4096xf32, #tpu.memory_space<vmem>> -> memref<1x4096xf32, #tpu.memory_space<vmem>>
        %dma_start3A_677 = tpu.memref_squeeze %dma_start3A_676 : memref<1x4096xf32, #tpu.memory_space<vmem>> -> memref<4096xf32, #tpu.memory_space<vmem>>
        %dma_start3A_678 = arith.constant 0 : i32
        %dma_start3A_679 = tpu.memref_slice %arg4[%run_scoped3A_671, %dma_start3A_678] : memref<4x2097152xf32, #tpu.memory_space<hbm>> -> memref<1x2097152xf32, #tpu.memory_space<hbm>>
        %dma_start3A_680 = tpu.memref_squeeze %dma_start3A_679 : memref<1x2097152xf32, #tpu.memory_space<hbm>> -> memref<2097152xf32, #tpu.memory_space<hbm>>
        %dma_start3A_681 = tpu.memref_slice %dma_start3A_680[%add3A_666] : memref<2097152xf32, #tpu.memory_space<hbm>> -> memref<4096xf32, #tpu.memory_space<hbm>>
        %dma_start3A_682 = arith.constant 0 : i32
        %dma_start3A_683 = tpu.memref_slice %arg4[%run_scoped3A_671, %dma_start3A_682] : memref<4x2097152xf32, #tpu.memory_space<hbm>> -> memref<1x2097152xf32, #tpu.memory_space<hbm>>
        %dma_start3A_684 = tpu.memref_squeeze %dma_start3A_683 : memref<1x2097152xf32, #tpu.memory_space<hbm>> -> memref<2097152xf32, #tpu.memory_space<hbm>>
        %dma_start3A_685 = tpu.memref_slice %dma_start3A_684[%add3A_666] : memref<2097152xf32, #tpu.memory_space<hbm>> -> memref<4096xf32, #tpu.memory_space<hbm>>
        %dma_start3A_686 = arith.constant 0 : i32
        %dma_start3A_687 = tpu.memref_slice %arg7[%run_scoped3A_670, %dma_start3A_686] : memref<4x4096xf32, #tpu.memory_space<vmem>> -> memref<1x4096xf32, #tpu.memory_space<vmem>>
        %dma_start3A_688 = tpu.memref_squeeze %dma_start3A_687 : memref<1x4096xf32, #tpu.memory_space<vmem>> -> memref<4096xf32, #tpu.memory_space<vmem>>
        tpu.enqueue_dma source(%dma_start3A_688 : memref<4096xf32, #tpu.memory_space<vmem>>) target(%dma_start3A_685 : memref<4096xf32, #tpu.memory_space<hbm>>) target_semaphore(%run_scoped3A_674 : memref<!tpu.dma_semaphore, #tpu.memory_space<semaphore_mem>>)
        %dma_wait3A_689 = arith.constant 0 : i32
        %dma_wait3A_690 = tpu.memref_slice %arg7[%run_scoped3A_670, %dma_wait3A_689] : memref<4x4096xf32, #tpu.memory_space<vmem>> -> memref<1x4096xf32, #tpu.memory_space<vmem>>
        %dma_wait3A_691 = tpu.memref_squeeze %dma_wait3A_690 : memref<1x4096xf32, #tpu.memory_space<vmem>> -> memref<4096xf32, #tpu.memory_space<vmem>>
        %dma_wait3A_692 = arith.constant 0 : i32
        %dma_wait3A_693 = tpu.memref_slice %arg4[%run_scoped3A_671, %dma_wait3A_692] : memref<4x2097152xf32, #tpu.memory_space<hbm>> -> memref<1x2097152xf32, #tpu.memory_space<hbm>>
        %dma_wait3A_694 = tpu.memref_squeeze %dma_wait3A_693 : memref<1x2097152xf32, #tpu.memory_space<hbm>> -> memref<2097152xf32, #tpu.memory_space<hbm>>
        %dma_wait3A_695 = tpu.memref_slice %dma_wait3A_694[%add3A_666] : memref<2097152xf32, #tpu.memory_space<hbm>> -> memref<4096xf32, #tpu.memory_space<hbm>>
        %dma_wait3A_696 = arith.constant 0 : i32
        %dma_wait3A_697 = tpu.memref_slice %arg4[%run_scoped3A_671, %dma_wait3A_696] : memref<4x2097152xf32, #tpu.memory_space<hbm>> -> memref<1x2097152xf32, #tpu.memory_space<hbm>>
        %dma_wait3A_698 = tpu.memref_squeeze %dma_wait3A_697 : memref<1x2097152xf32, #tpu.memory_space<hbm>> -> memref<2097152xf32, #tpu.memory_space<hbm>>
        %dma_wait3A_699 = tpu.memref_slice %dma_wait3A_698[%add3A_666] : memref<2097152xf32, #tpu.memory_space<hbm>> -> memref<4096xf32, #tpu.memory_space<hbm>>
        %dma_wait3A_700 = arith.constant 0 : i32
        %dma_wait3A_701 = tpu.memref_slice %arg7[%run_scoped3A_670, %dma_wait3A_700] : memref<4x4096xf32, #tpu.memory_space<vmem>> -> memref<1x4096xf32, #tpu.memory_space<vmem>>
        %dma_wait3A_702 = tpu.memref_squeeze %dma_wait3A_701 : memref<1x4096xf32, #tpu.memory_space<vmem>> -> memref<4096xf32, #tpu.memory_space<vmem>>
        tpu.wait_dma2 semaphore(%run_scoped3A_674 : memref<!tpu.dma_semaphore, #tpu.memory_space<semaphore_mem>>) src(%dma_wait3A_702 : memref<4096xf32, #tpu.memory_space<vmem>>) dst(%dma_wait3A_699 : memref<4096xf32, #tpu.memory_space<hbm>>)
        tpu.yield
      }) : () -> ()
      %run_scoped3A_672 = arith.constant 3 : i32
      %run_scoped3A_673 = arith.constant 3 : i32
      "tpu.region"() ({
        %run_scoped3A_674 = tpu.sem_alloc : memref<!tpu.dma_semaphore, #tpu.memory_space<semaphore_mem>>
        %dma_start3A_675 = arith.constant 0 : i32
        %dma_start3A_676 = tpu.memref_slice %arg7[%run_scoped3A_672, %dma_start3A_675] : memref<4x4096xf32, #tpu.memory_space<vmem>> -> memref<1x4096xf32, #tpu.memory_space<vmem>>
        %dma_start3A_677 = tpu.memref_squeeze %dma_start3A_676 : memref<1x4096xf32, #tpu.memory_space<vmem>> -> memref<4096xf32, #tpu.memory_space<vmem>>
        %dma_start3A_678 = arith.constant 0 : i32
        %dma_start3A_679 = tpu.memref_slice %arg4[%run_scoped3A_673, %dma_start3A_678] : memref<4x2097152xf32, #tpu.memory_space<hbm>> -> memref<1x2097152xf32, #tpu.memory_space<hbm>>
        %dma_start3A_680 = tpu.memref_squeeze %dma_start3A_679 : memref<1x2097152xf32, #tpu.memory_space<hbm>> -> memref<2097152xf32, #tpu.memory_space<hbm>>
        %dma_start3A_681 = tpu.memref_slice %dma_start3A_680[%add3A_666] : memref<2097152xf32, #tpu.memory_space<hbm>> -> memref<4096xf32, #tpu.memory_space<hbm>>
        %dma_start3A_682 = arith.constant 0 : i32
        %dma_start3A_683 = tpu.memref_slice %arg4[%run_scoped3A_673, %dma_start3A_682] : memref<4x2097152xf32, #tpu.memory_space<hbm>> -> memref<1x2097152xf32, #tpu.memory_space<hbm>>
        %dma_start3A_684 = tpu.memref_squeeze %dma_start3A_683 : memref<1x2097152xf32, #tpu.memory_space<hbm>> -> memref<2097152xf32, #tpu.memory_space<hbm>>
        %dma_start3A_685 = tpu.memref_slice %dma_start3A_684[%add3A_666] : memref<2097152xf32, #tpu.memory_space<hbm>> -> memref<4096xf32, #tpu.memory_space<hbm>>
        %dma_start3A_686 = arith.constant 0 : i32
        %dma_start3A_687 = tpu.memref_slice %arg7[%run_scoped3A_672, %dma_start3A_686] : memref<4x4096xf32, #tpu.memory_space<vmem>> -> memref<1x4096xf32, #tpu.memory_space<vmem>>
        %dma_start3A_688 = tpu.memref_squeeze %dma_start3A_687 : memref<1x4096xf32, #tpu.memory_space<vmem>> -> memref<4096xf32, #tpu.memory_space<vmem>>
        tpu.enqueue_dma source(%dma_start3A_688 : memref<4096xf32, #tpu.memory_space<vmem>>) target(%dma_start3A_685 : memref<4096xf32, #tpu.memory_space<hbm>>) target_semaphore(%run_scoped3A_674 : memref<!tpu.dma_semaphore, #tpu.memory_space<semaphore_mem>>)
        %dma_wait3A_689 = arith.constant 0 : i32
        %dma_wait3A_690 = tpu.memref_slice %arg7[%run_scoped3A_672, %dma_wait3A_689] : memref<4x4096xf32, #tpu.memory_space<vmem>> -> memref<1x4096xf32, #tpu.memory_space<vmem>>
        %dma_wait3A_691 = tpu.memref_squeeze %dma_wait3A_690 : memref<1x4096xf32, #tpu.memory_space<vmem>> -> memref<4096xf32, #tpu.memory_space<vmem>>
        %dma_wait3A_692 = arith.constant 0 : i32
        %dma_wait3A_693 = tpu.memref_slice %arg4[%run_scoped3A_673, %dma_wait3A_692] : memref<4x2097152xf32, #tpu.memory_space<hbm>> -> memref<1x2097152xf32, #tpu.memory_space<hbm>>
        %dma_wait3A_694 = tpu.memref_squeeze %dma_wait3A_693 : memref<1x2097152xf32, #tpu.memory_space<hbm>> -> memref<2097152xf32, #tpu.memory_space<hbm>>
        %dma_wait3A_695 = tpu.memref_slice %dma_wait3A_694[%add3A_666] : memref<2097152xf32, #tpu.memory_space<hbm>> -> memref<4096xf32, #tpu.memory_space<hbm>>
        %dma_wait3A_696 = arith.constant 0 : i32
        %dma_wait3A_697 = tpu.memref_slice %arg4[%run_scoped3A_673, %dma_wait3A_696] : memref<4x2097152xf32, #tpu.memory_space<hbm>> -> memref<1x2097152xf32, #tpu.memory_space<hbm>>
        %dma_wait3A_698 = tpu.memref_squeeze %dma_wait3A_697 : memref<1x2097152xf32, #tpu.memory_space<hbm>> -> memref<2097152xf32, #tpu.memory_space<hbm>>
        %dma_wait3A_699 = tpu.memref_slice %dma_wait3A_698[%add3A_666] : memref<2097152xf32, #tpu.memory_space<hbm>> -> memref<4096xf32, #tpu.memory_space<hbm>>
        %dma_wait3A_700 = arith.constant 0 : i32
        %dma_wait3A_701 = tpu.memref_slice %arg7[%run_scoped3A_672, %dma_wait3A_700] : memref<4x4096xf32, #tpu.memory_space<vmem>> -> memref<1x4096xf32, #tpu.memory_space<vmem>>
        %dma_wait3A_702 = tpu.memref_squeeze %dma_wait3A_701 : memref<1x4096xf32, #tpu.memory_space<vmem>> -> memref<4096xf32, #tpu.memory_space<vmem>>
        tpu.wait_dma2 semaphore(%run_scoped3A_674 : memref<!tpu.dma_semaphore, #tpu.memory_space<semaphore_mem>>) src(%dma_wait3A_702 : memref<4096xf32, #tpu.memory_space<vmem>>) dst(%dma_wait3A_699 : memref<4096xf32, #tpu.memory_space<hbm>>)
        tpu.yield
      }) : () -> ()
    }
    %scan3A_9 = arith.constant 16 : i32
    return
  }
}

#map = affine_map<(d0, d1) -> (0, 0)>
#map1 = affine_map<(d0, d1) -> (0)>
module attributes {stable_mosaic.version = 14 : i64} {
  func.func @_build_body(%arg0: i32, %arg1: i32, %arg2: memref<4x2097152xf32, #tpu.memory_space<hbm>>, %arg3: memref<16777216xf32, #tpu.memory_space<hbm>>, %arg4: memref<4x2097152xf32, #tpu.memory_space<hbm>>, %arg5: memref<4x4096xf32, #tpu.memory_space<vmem>>, %arg6: memref<32768xf32, #tpu.memory_space<vmem>>, %arg7: memref<!tpu.dma_semaphore, #tpu.memory_space<semaphore_mem>>, %arg8: memref<!tpu.dma_semaphore, #tpu.memory_space<semaphore_mem>>) attributes {dimension_semantics = [#tpu.dimension_semantics<core_parallel>, #tpu.dimension_semantics<subcore_parallel>], iteration_bounds = array<i64: 2, 16>, scalar_prefetch = 0 : i64, scratch_operands = 4 : i64, tpu.core_type = #tpu.core_type<sc_vector_subcore>, window_params = [{transform_indices = #map}, {transform_indices = #map1}, {transform_indices = #map}]} {
    %mul3A = arith.constant 2 : i32
    %mul3A_0 = arith.muli %arg1, %mul3A : i32
    %add3A = arith.addi %mul3A_0, %arg0 : i32
    %mul3A_1 = arith.constant 65536 : i32
    %mul3A_2 = arith.muli %add3A, %mul3A_1 : i32
    %iota3A = tpu.iota {dimensions = array<i32: 0>} : vector<16xi32>
    %scan3A = arith.constant 0 : i32
    %scan3A_3 = arith.constant 0 : i32
    %scan3A_4 = arith.constant 16 : i32
    %scan3A_5 = arith.addi %scan3A_3, %scan3A_4 : i32
    %scan3A_6 = arith.constant 1 : i32
    scf.for %scan3A_8 = %scan3A_3 to %scan3A_5 step %scan3A_6  : i32 {
      %mul3A_9 = arith.constant 4096 : i32
      %mul3A_10 = arith.muli %scan3A_8, %mul3A_9 : i32
      %add3A_11 = arith.addi %mul3A_2, %mul3A_10 : i32
      %dma_start3A = arith.constant 0 : i32
      %dma_start3A_12 = arith.constant 0 : i32
      %dma_start3A_13 = arith.constant 0 : i32
      %dma_start3A_14 = tpu.memref_slice %arg5[%dma_start3A_12, %dma_start3A_13] : memref<4x4096xf32, #tpu.memory_space<vmem>> -> memref<1x4096xf32, #tpu.memory_space<vmem>>
      %dma_start3A_15 = tpu.memref_squeeze %dma_start3A_14 : memref<1x4096xf32, #tpu.memory_space<vmem>> -> memref<4096xf32, #tpu.memory_space<vmem>>
      %dma_start3A_16 = arith.constant 0 : i32
      %dma_start3A_17 = tpu.memref_slice %dma_start3A_15[%dma_start3A_16] : memref<4096xf32, #tpu.memory_space<vmem>> -> memref<2048xf32, #tpu.memory_space<vmem>>
      %dma_start3A_18 = arith.constant 0 : i32
      %dma_start3A_19 = tpu.memref_slice %arg2[%dma_start3A, %dma_start3A_18] : memref<4x2097152xf32, #tpu.memory_space<hbm>> -> memref<1x2097152xf32, #tpu.memory_space<hbm>>
      %dma_start3A_20 = tpu.memref_squeeze %dma_start3A_19 : memref<1x2097152xf32, #tpu.memory_space<hbm>> -> memref<2097152xf32, #tpu.memory_space<hbm>>
      %dma_start3A_21 = tpu.memref_slice %dma_start3A_20[%add3A_11] : memref<2097152xf32, #tpu.memory_space<hbm>> -> memref<2048xf32, #tpu.memory_space<hbm>>
      %dma_start3A_22 = arith.constant 0 : i32
      %dma_start3A_23 = tpu.memref_slice %arg5[%dma_start3A_12, %dma_start3A_22] : memref<4x4096xf32, #tpu.memory_space<vmem>> -> memref<1x4096xf32, #tpu.memory_space<vmem>>
      %dma_start3A_24 = tpu.memref_squeeze %dma_start3A_23 : memref<1x4096xf32, #tpu.memory_space<vmem>> -> memref<4096xf32, #tpu.memory_space<vmem>>
      %dma_start3A_25 = arith.constant 0 : i32
      %dma_start3A_26 = tpu.memref_slice %dma_start3A_24[%dma_start3A_25] : memref<4096xf32, #tpu.memory_space<vmem>> -> memref<2048xf32, #tpu.memory_space<vmem>>
      %dma_start3A_27 = arith.constant 0 : i32
      %dma_start3A_28 = tpu.memref_slice %arg2[%dma_start3A, %dma_start3A_27] : memref<4x2097152xf32, #tpu.memory_space<hbm>> -> memref<1x2097152xf32, #tpu.memory_space<hbm>>
      %dma_start3A_29 = tpu.memref_squeeze %dma_start3A_28 : memref<1x2097152xf32, #tpu.memory_space<hbm>> -> memref<2097152xf32, #tpu.memory_space<hbm>>
      %dma_start3A_30 = tpu.memref_slice %dma_start3A_29[%add3A_11] : memref<2097152xf32, #tpu.memory_space<hbm>> -> memref<2048xf32, #tpu.memory_space<hbm>>
      tpu.enqueue_dma source(%dma_start3A_30 : memref<2048xf32, #tpu.memory_space<hbm>>) target(%dma_start3A_26 : memref<2048xf32, #tpu.memory_space<vmem>>) target_semaphore(%arg7 : memref<!tpu.dma_semaphore, #tpu.memory_space<semaphore_mem>>)
      %dma_start3A_31 = arith.constant 1 : i32
      %dma_start3A_32 = arith.constant 1 : i32
      %dma_start3A_33 = arith.constant 0 : i32
      %dma_start3A_34 = tpu.memref_slice %arg5[%dma_start3A_32, %dma_start3A_33] : memref<4x4096xf32, #tpu.memory_space<vmem>> -> memref<1x4096xf32, #tpu.memory_space<vmem>>
      %dma_start3A_35 = tpu.memref_squeeze %dma_start3A_34 : memref<1x4096xf32, #tpu.memory_space<vmem>> -> memref<4096xf32, #tpu.memory_space<vmem>>
      %dma_start3A_36 = arith.constant 0 : i32
      %dma_start3A_37 = tpu.memref_slice %dma_start3A_35[%dma_start3A_36] : memref<4096xf32, #tpu.memory_space<vmem>> -> memref<2048xf32, #tpu.memory_space<vmem>>
      %dma_start3A_38 = arith.constant 0 : i32
      %dma_start3A_39 = tpu.memref_slice %arg2[%dma_start3A_31, %dma_start3A_38] : memref<4x2097152xf32, #tpu.memory_space<hbm>> -> memref<1x2097152xf32, #tpu.memory_space<hbm>>
      %dma_start3A_40 = tpu.memref_squeeze %dma_start3A_39 : memref<1x2097152xf32, #tpu.memory_space<hbm>> -> memref<2097152xf32, #tpu.memory_space<hbm>>
      %dma_start3A_41 = tpu.memref_slice %dma_start3A_40[%add3A_11] : memref<2097152xf32, #tpu.memory_space<hbm>> -> memref<2048xf32, #tpu.memory_space<hbm>>
      %dma_start3A_42 = arith.constant 0 : i32
      %dma_start3A_43 = tpu.memref_slice %arg5[%dma_start3A_32, %dma_start3A_42] : memref<4x4096xf32, #tpu.memory_space<vmem>> -> memref<1x4096xf32, #tpu.memory_space<vmem>>
      %dma_start3A_44 = tpu.memref_squeeze %dma_start3A_43 : memref<1x4096xf32, #tpu.memory_space<vmem>> -> memref<4096xf32, #tpu.memory_space<vmem>>
      %dma_start3A_45 = arith.constant 0 : i32
      %dma_start3A_46 = tpu.memref_slice %dma_start3A_44[%dma_start3A_45] : memref<4096xf32, #tpu.memory_space<vmem>> -> memref<2048xf32, #tpu.memory_space<vmem>>
      %dma_start3A_47 = arith.constant 0 : i32
      %dma_start3A_48 = tpu.memref_slice %arg2[%dma_start3A_31, %dma_start3A_47] : memref<4x2097152xf32, #tpu.memory_space<hbm>> -> memref<1x2097152xf32, #tpu.memory_space<hbm>>
      %dma_start3A_49 = tpu.memref_squeeze %dma_start3A_48 : memref<1x2097152xf32, #tpu.memory_space<hbm>> -> memref<2097152xf32, #tpu.memory_space<hbm>>
      %dma_start3A_50 = tpu.memref_slice %dma_start3A_49[%add3A_11] : memref<2097152xf32, #tpu.memory_space<hbm>> -> memref<2048xf32, #tpu.memory_space<hbm>>
      tpu.enqueue_dma source(%dma_start3A_50 : memref<2048xf32, #tpu.memory_space<hbm>>) target(%dma_start3A_46 : memref<2048xf32, #tpu.memory_space<vmem>>) target_semaphore(%arg7 : memref<!tpu.dma_semaphore, #tpu.memory_space<semaphore_mem>>)
      %dma_start3A_51 = arith.constant 2 : i32
      %dma_start3A_52 = arith.constant 2 : i32
      %dma_start3A_53 = arith.constant 0 : i32
      %dma_start3A_54 = tpu.memref_slice %arg5[%dma_start3A_52, %dma_start3A_53] : memref<4x4096xf32, #tpu.memory_space<vmem>> -> memref<1x4096xf32, #tpu.memory_space<vmem>>
      %dma_start3A_55 = tpu.memref_squeeze %dma_start3A_54 : memref<1x4096xf32, #tpu.memory_space<vmem>> -> memref<4096xf32, #tpu.memory_space<vmem>>
      %dma_start3A_56 = arith.constant 0 : i32
      %dma_start3A_57 = tpu.memref_slice %dma_start3A_55[%dma_start3A_56] : memref<4096xf32, #tpu.memory_space<vmem>> -> memref<2048xf32, #tpu.memory_space<vmem>>
      %dma_start3A_58 = arith.constant 0 : i32
      %dma_start3A_59 = tpu.memref_slice %arg2[%dma_start3A_51, %dma_start3A_58] : memref<4x2097152xf32, #tpu.memory_space<hbm>> -> memref<1x2097152xf32, #tpu.memory_space<hbm>>
      %dma_start3A_60 = tpu.memref_squeeze %dma_start3A_59 : memref<1x2097152xf32, #tpu.memory_space<hbm>> -> memref<2097152xf32, #tpu.memory_space<hbm>>
      %dma_start3A_61 = tpu.memref_slice %dma_start3A_60[%add3A_11] : memref<2097152xf32, #tpu.memory_space<hbm>> -> memref<2048xf32, #tpu.memory_space<hbm>>
      %dma_start3A_62 = arith.constant 0 : i32
      %dma_start3A_63 = tpu.memref_slice %arg5[%dma_start3A_52, %dma_start3A_62] : memref<4x4096xf32, #tpu.memory_space<vmem>> -> memref<1x4096xf32, #tpu.memory_space<vmem>>
      %dma_start3A_64 = tpu.memref_squeeze %dma_start3A_63 : memref<1x4096xf32, #tpu.memory_space<vmem>> -> memref<4096xf32, #tpu.memory_space<vmem>>
      %dma_start3A_65 = arith.constant 0 : i32
      %dma_start3A_66 = tpu.memref_slice %dma_start3A_64[%dma_start3A_65] : memref<4096xf32, #tpu.memory_space<vmem>> -> memref<2048xf32, #tpu.memory_space<vmem>>
      %dma_start3A_67 = arith.constant 0 : i32
      %dma_start3A_68 = tpu.memref_slice %arg2[%dma_start3A_51, %dma_start3A_67] : memref<4x2097152xf32, #tpu.memory_space<hbm>> -> memref<1x2097152xf32, #tpu.memory_space<hbm>>
      %dma_start3A_69 = tpu.memref_squeeze %dma_start3A_68 : memref<1x2097152xf32, #tpu.memory_space<hbm>> -> memref<2097152xf32, #tpu.memory_space<hbm>>
      %dma_start3A_70 = tpu.memref_slice %dma_start3A_69[%add3A_11] : memref<2097152xf32, #tpu.memory_space<hbm>> -> memref<2048xf32, #tpu.memory_space<hbm>>
      tpu.enqueue_dma source(%dma_start3A_70 : memref<2048xf32, #tpu.memory_space<hbm>>) target(%dma_start3A_66 : memref<2048xf32, #tpu.memory_space<vmem>>) target_semaphore(%arg7 : memref<!tpu.dma_semaphore, #tpu.memory_space<semaphore_mem>>)
      %dma_start3A_71 = arith.constant 3 : i32
      %dma_start3A_72 = arith.constant 3 : i32
      %dma_start3A_73 = arith.constant 0 : i32
      %dma_start3A_74 = tpu.memref_slice %arg5[%dma_start3A_72, %dma_start3A_73] : memref<4x4096xf32, #tpu.memory_space<vmem>> -> memref<1x4096xf32, #tpu.memory_space<vmem>>
      %dma_start3A_75 = tpu.memref_squeeze %dma_start3A_74 : memref<1x4096xf32, #tpu.memory_space<vmem>> -> memref<4096xf32, #tpu.memory_space<vmem>>
      %dma_start3A_76 = arith.constant 0 : i32
      %dma_start3A_77 = tpu.memref_slice %dma_start3A_75[%dma_start3A_76] : memref<4096xf32, #tpu.memory_space<vmem>> -> memref<2048xf32, #tpu.memory_space<vmem>>
      %dma_start3A_78 = arith.constant 0 : i32
      %dma_start3A_79 = tpu.memref_slice %arg2[%dma_start3A_71, %dma_start3A_78] : memref<4x2097152xf32, #tpu.memory_space<hbm>> -> memref<1x2097152xf32, #tpu.memory_space<hbm>>
      %dma_start3A_80 = tpu.memref_squeeze %dma_start3A_79 : memref<1x2097152xf32, #tpu.memory_space<hbm>> -> memref<2097152xf32, #tpu.memory_space<hbm>>
      %dma_start3A_81 = tpu.memref_slice %dma_start3A_80[%add3A_11] : memref<2097152xf32, #tpu.memory_space<hbm>> -> memref<2048xf32, #tpu.memory_space<hbm>>
      %dma_start3A_82 = arith.constant 0 : i32
      %dma_start3A_83 = tpu.memref_slice %arg5[%dma_start3A_72, %dma_start3A_82] : memref<4x4096xf32, #tpu.memory_space<vmem>> -> memref<1x4096xf32, #tpu.memory_space<vmem>>
      %dma_start3A_84 = tpu.memref_squeeze %dma_start3A_83 : memref<1x4096xf32, #tpu.memory_space<vmem>> -> memref<4096xf32, #tpu.memory_space<vmem>>
      %dma_start3A_85 = arith.constant 0 : i32
      %dma_start3A_86 = tpu.memref_slice %dma_start3A_84[%dma_start3A_85] : memref<4096xf32, #tpu.memory_space<vmem>> -> memref<2048xf32, #tpu.memory_space<vmem>>
      %dma_start3A_87 = arith.constant 0 : i32
      %dma_start3A_88 = tpu.memref_slice %arg2[%dma_start3A_71, %dma_start3A_87] : memref<4x2097152xf32, #tpu.memory_space<hbm>> -> memref<1x2097152xf32, #tpu.memory_space<hbm>>
      %dma_start3A_89 = tpu.memref_squeeze %dma_start3A_88 : memref<1x2097152xf32, #tpu.memory_space<hbm>> -> memref<2097152xf32, #tpu.memory_space<hbm>>
      %dma_start3A_90 = tpu.memref_slice %dma_start3A_89[%add3A_11] : memref<2097152xf32, #tpu.memory_space<hbm>> -> memref<2048xf32, #tpu.memory_space<hbm>>
      tpu.enqueue_dma source(%dma_start3A_90 : memref<2048xf32, #tpu.memory_space<hbm>>) target(%dma_start3A_86 : memref<2048xf32, #tpu.memory_space<vmem>>) target_semaphore(%arg7 : memref<!tpu.dma_semaphore, #tpu.memory_space<semaphore_mem>>)
      %add3A_91 = arith.constant 2048 : i32
      %add3A_92 = arith.addi %add3A_11, %add3A_91 : i32
      %dma_start3A_93 = arith.constant 0 : i32
      %dma_start3A_94 = arith.constant 0 : i32
      %dma_start3A_95 = arith.constant 0 : i32
      %dma_start3A_96 = tpu.memref_slice %arg5[%dma_start3A_94, %dma_start3A_95] : memref<4x4096xf32, #tpu.memory_space<vmem>> -> memref<1x4096xf32, #tpu.memory_space<vmem>>
      %dma_start3A_97 = tpu.memref_squeeze %dma_start3A_96 : memref<1x4096xf32, #tpu.memory_space<vmem>> -> memref<4096xf32, #tpu.memory_space<vmem>>
      %dma_start3A_98 = arith.constant 2048 : i32
      %dma_start3A_99 = tpu.memref_slice %dma_start3A_97[%dma_start3A_98] : memref<4096xf32, #tpu.memory_space<vmem>> -> memref<2048xf32, #tpu.memory_space<vmem>>
      %dma_start3A_100 = arith.constant 0 : i32
      %dma_start3A_101 = tpu.memref_slice %arg2[%dma_start3A_93, %dma_start3A_100] : memref<4x2097152xf32, #tpu.memory_space<hbm>> -> memref<1x2097152xf32, #tpu.memory_space<hbm>>
      %dma_start3A_102 = tpu.memref_squeeze %dma_start3A_101 : memref<1x2097152xf32, #tpu.memory_space<hbm>> -> memref<2097152xf32, #tpu.memory_space<hbm>>
      %dma_start3A_103 = tpu.memref_slice %dma_start3A_102[%add3A_92] : memref<2097152xf32, #tpu.memory_space<hbm>> -> memref<2048xf32, #tpu.memory_space<hbm>>
      %dma_start3A_104 = arith.constant 0 : i32
      %dma_start3A_105 = tpu.memref_slice %arg5[%dma_start3A_94, %dma_start3A_104] : memref<4x4096xf32, #tpu.memory_space<vmem>> -> memref<1x4096xf32, #tpu.memory_space<vmem>>
      %dma_start3A_106 = tpu.memref_squeeze %dma_start3A_105 : memref<1x4096xf32, #tpu.memory_space<vmem>> -> memref<4096xf32, #tpu.memory_space<vmem>>
      %dma_start3A_107 = arith.constant 2048 : i32
      %dma_start3A_108 = tpu.memref_slice %dma_start3A_106[%dma_start3A_107] : memref<4096xf32, #tpu.memory_space<vmem>> -> memref<2048xf32, #tpu.memory_space<vmem>>
      %dma_start3A_109 = arith.constant 0 : i32
      %dma_start3A_110 = tpu.memref_slice %arg2[%dma_start3A_93, %dma_start3A_109] : memref<4x2097152xf32, #tpu.memory_space<hbm>> -> memref<1x2097152xf32, #tpu.memory_space<hbm>>
      %dma_start3A_111 = tpu.memref_squeeze %dma_start3A_110 : memref<1x2097152xf32, #tpu.memory_space<hbm>> -> memref<2097152xf32, #tpu.memory_space<hbm>>
      %dma_start3A_112 = tpu.memref_slice %dma_start3A_111[%add3A_92] : memref<2097152xf32, #tpu.memory_space<hbm>> -> memref<2048xf32, #tpu.memory_space<hbm>>
      tpu.enqueue_dma source(%dma_start3A_112 : memref<2048xf32, #tpu.memory_space<hbm>>) target(%dma_start3A_108 : memref<2048xf32, #tpu.memory_space<vmem>>) target_semaphore(%arg8 : memref<!tpu.dma_semaphore, #tpu.memory_space<semaphore_mem>>)
      %add3A_113 = arith.constant 2048 : i32
      %add3A_114 = arith.addi %add3A_11, %add3A_113 : i32
      %dma_start3A_115 = arith.constant 1 : i32
      %dma_start3A_116 = arith.constant 1 : i32
      %dma_start3A_117 = arith.constant 0 : i32
      %dma_start3A_118 = tpu.memref_slice %arg5[%dma_start3A_116, %dma_start3A_117] : memref<4x4096xf32, #tpu.memory_space<vmem>> -> memref<1x4096xf32, #tpu.memory_space<vmem>>
      %dma_start3A_119 = tpu.memref_squeeze %dma_start3A_118 : memref<1x4096xf32, #tpu.memory_space<vmem>> -> memref<4096xf32, #tpu.memory_space<vmem>>
      %dma_start3A_120 = arith.constant 2048 : i32
      %dma_start3A_121 = tpu.memref_slice %dma_start3A_119[%dma_start3A_120] : memref<4096xf32, #tpu.memory_space<vmem>> -> memref<2048xf32, #tpu.memory_space<vmem>>
      %dma_start3A_122 = arith.constant 0 : i32
      %dma_start3A_123 = tpu.memref_slice %arg2[%dma_start3A_115, %dma_start3A_122] : memref<4x2097152xf32, #tpu.memory_space<hbm>> -> memref<1x2097152xf32, #tpu.memory_space<hbm>>
      %dma_start3A_124 = tpu.memref_squeeze %dma_start3A_123 : memref<1x2097152xf32, #tpu.memory_space<hbm>> -> memref<2097152xf32, #tpu.memory_space<hbm>>
      %dma_start3A_125 = tpu.memref_slice %dma_start3A_124[%add3A_114] : memref<2097152xf32, #tpu.memory_space<hbm>> -> memref<2048xf32, #tpu.memory_space<hbm>>
      %dma_start3A_126 = arith.constant 0 : i32
      %dma_start3A_127 = tpu.memref_slice %arg5[%dma_start3A_116, %dma_start3A_126] : memref<4x4096xf32, #tpu.memory_space<vmem>> -> memref<1x4096xf32, #tpu.memory_space<vmem>>
      %dma_start3A_128 = tpu.memref_squeeze %dma_start3A_127 : memref<1x4096xf32, #tpu.memory_space<vmem>> -> memref<4096xf32, #tpu.memory_space<vmem>>
      %dma_start3A_129 = arith.constant 2048 : i32
      %dma_start3A_130 = tpu.memref_slice %dma_start3A_128[%dma_start3A_129] : memref<4096xf32, #tpu.memory_space<vmem>> -> memref<2048xf32, #tpu.memory_space<vmem>>
      %dma_start3A_131 = arith.constant 0 : i32
      %dma_start3A_132 = tpu.memref_slice %arg2[%dma_start3A_115, %dma_start3A_131] : memref<4x2097152xf32, #tpu.memory_space<hbm>> -> memref<1x2097152xf32, #tpu.memory_space<hbm>>
      %dma_start3A_133 = tpu.memref_squeeze %dma_start3A_132 : memref<1x2097152xf32, #tpu.memory_space<hbm>> -> memref<2097152xf32, #tpu.memory_space<hbm>>
      %dma_start3A_134 = tpu.memref_slice %dma_start3A_133[%add3A_114] : memref<2097152xf32, #tpu.memory_space<hbm>> -> memref<2048xf32, #tpu.memory_space<hbm>>
      tpu.enqueue_dma source(%dma_start3A_134 : memref<2048xf32, #tpu.memory_space<hbm>>) target(%dma_start3A_130 : memref<2048xf32, #tpu.memory_space<vmem>>) target_semaphore(%arg8 : memref<!tpu.dma_semaphore, #tpu.memory_space<semaphore_mem>>)
      %add3A_135 = arith.constant 2048 : i32
      %add3A_136 = arith.addi %add3A_11, %add3A_135 : i32
      %dma_start3A_137 = arith.constant 2 : i32
      %dma_start3A_138 = arith.constant 2 : i32
      %dma_start3A_139 = arith.constant 0 : i32
      %dma_start3A_140 = tpu.memref_slice %arg5[%dma_start3A_138, %dma_start3A_139] : memref<4x4096xf32, #tpu.memory_space<vmem>> -> memref<1x4096xf32, #tpu.memory_space<vmem>>
      %dma_start3A_141 = tpu.memref_squeeze %dma_start3A_140 : memref<1x4096xf32, #tpu.memory_space<vmem>> -> memref<4096xf32, #tpu.memory_space<vmem>>
      %dma_start3A_142 = arith.constant 2048 : i32
      %dma_start3A_143 = tpu.memref_slice %dma_start3A_141[%dma_start3A_142] : memref<4096xf32, #tpu.memory_space<vmem>> -> memref<2048xf32, #tpu.memory_space<vmem>>
      %dma_start3A_144 = arith.constant 0 : i32
      %dma_start3A_145 = tpu.memref_slice %arg2[%dma_start3A_137, %dma_start3A_144] : memref<4x2097152xf32, #tpu.memory_space<hbm>> -> memref<1x2097152xf32, #tpu.memory_space<hbm>>
      %dma_start3A_146 = tpu.memref_squeeze %dma_start3A_145 : memref<1x2097152xf32, #tpu.memory_space<hbm>> -> memref<2097152xf32, #tpu.memory_space<hbm>>
      %dma_start3A_147 = tpu.memref_slice %dma_start3A_146[%add3A_136] : memref<2097152xf32, #tpu.memory_space<hbm>> -> memref<2048xf32, #tpu.memory_space<hbm>>
      %dma_start3A_148 = arith.constant 0 : i32
      %dma_start3A_149 = tpu.memref_slice %arg5[%dma_start3A_138, %dma_start3A_148] : memref<4x4096xf32, #tpu.memory_space<vmem>> -> memref<1x4096xf32, #tpu.memory_space<vmem>>
      %dma_start3A_150 = tpu.memref_squeeze %dma_start3A_149 : memref<1x4096xf32, #tpu.memory_space<vmem>> -> memref<4096xf32, #tpu.memory_space<vmem>>
      %dma_start3A_151 = arith.constant 2048 : i32
      %dma_start3A_152 = tpu.memref_slice %dma_start3A_150[%dma_start3A_151] : memref<4096xf32, #tpu.memory_space<vmem>> -> memref<2048xf32, #tpu.memory_space<vmem>>
      %dma_start3A_153 = arith.constant 0 : i32
      %dma_start3A_154 = tpu.memref_slice %arg2[%dma_start3A_137, %dma_start3A_153] : memref<4x2097152xf32, #tpu.memory_space<hbm>> -> memref<1x2097152xf32, #tpu.memory_space<hbm>>
      %dma_start3A_155 = tpu.memref_squeeze %dma_start3A_154 : memref<1x2097152xf32, #tpu.memory_space<hbm>> -> memref<2097152xf32, #tpu.memory_space<hbm>>
      %dma_start3A_156 = tpu.memref_slice %dma_start3A_155[%add3A_136] : memref<2097152xf32, #tpu.memory_space<hbm>> -> memref<2048xf32, #tpu.memory_space<hbm>>
      tpu.enqueue_dma source(%dma_start3A_156 : memref<2048xf32, #tpu.memory_space<hbm>>) target(%dma_start3A_152 : memref<2048xf32, #tpu.memory_space<vmem>>) target_semaphore(%arg8 : memref<!tpu.dma_semaphore, #tpu.memory_space<semaphore_mem>>)
      %add3A_157 = arith.constant 2048 : i32
      %add3A_158 = arith.addi %add3A_11, %add3A_157 : i32
      %dma_start3A_159 = arith.constant 3 : i32
      %dma_start3A_160 = arith.constant 3 : i32
      %dma_start3A_161 = arith.constant 0 : i32
      %dma_start3A_162 = tpu.memref_slice %arg5[%dma_start3A_160, %dma_start3A_161] : memref<4x4096xf32, #tpu.memory_space<vmem>> -> memref<1x4096xf32, #tpu.memory_space<vmem>>
      %dma_start3A_163 = tpu.memref_squeeze %dma_start3A_162 : memref<1x4096xf32, #tpu.memory_space<vmem>> -> memref<4096xf32, #tpu.memory_space<vmem>>
      %dma_start3A_164 = arith.constant 2048 : i32
      %dma_start3A_165 = tpu.memref_slice %dma_start3A_163[%dma_start3A_164] : memref<4096xf32, #tpu.memory_space<vmem>> -> memref<2048xf32, #tpu.memory_space<vmem>>
      %dma_start3A_166 = arith.constant 0 : i32
      %dma_start3A_167 = tpu.memref_slice %arg2[%dma_start3A_159, %dma_start3A_166] : memref<4x2097152xf32, #tpu.memory_space<hbm>> -> memref<1x2097152xf32, #tpu.memory_space<hbm>>
      %dma_start3A_168 = tpu.memref_squeeze %dma_start3A_167 : memref<1x2097152xf32, #tpu.memory_space<hbm>> -> memref<2097152xf32, #tpu.memory_space<hbm>>
      %dma_start3A_169 = tpu.memref_slice %dma_start3A_168[%add3A_158] : memref<2097152xf32, #tpu.memory_space<hbm>> -> memref<2048xf32, #tpu.memory_space<hbm>>
      %dma_start3A_170 = arith.constant 0 : i32
      %dma_start3A_171 = tpu.memref_slice %arg5[%dma_start3A_160, %dma_start3A_170] : memref<4x4096xf32, #tpu.memory_space<vmem>> -> memref<1x4096xf32, #tpu.memory_space<vmem>>
      %dma_start3A_172 = tpu.memref_squeeze %dma_start3A_171 : memref<1x4096xf32, #tpu.memory_space<vmem>> -> memref<4096xf32, #tpu.memory_space<vmem>>
      %dma_start3A_173 = arith.constant 2048 : i32
      %dma_start3A_174 = tpu.memref_slice %dma_start3A_172[%dma_start3A_173] : memref<4096xf32, #tpu.memory_space<vmem>> -> memref<2048xf32, #tpu.memory_space<vmem>>
      %dma_start3A_175 = arith.constant 0 : i32
      %dma_start3A_176 = tpu.memref_slice %arg2[%dma_start3A_159, %dma_start3A_175] : memref<4x2097152xf32, #tpu.memory_space<hbm>> -> memref<1x2097152xf32, #tpu.memory_space<hbm>>
      %dma_start3A_177 = tpu.memref_squeeze %dma_start3A_176 : memref<1x2097152xf32, #tpu.memory_space<hbm>> -> memref<2097152xf32, #tpu.memory_space<hbm>>
      %dma_start3A_178 = tpu.memref_slice %dma_start3A_177[%add3A_158] : memref<2097152xf32, #tpu.memory_space<hbm>> -> memref<2048xf32, #tpu.memory_space<hbm>>
      tpu.enqueue_dma source(%dma_start3A_178 : memref<2048xf32, #tpu.memory_space<hbm>>) target(%dma_start3A_174 : memref<2048xf32, #tpu.memory_space<vmem>>) target_semaphore(%arg8 : memref<!tpu.dma_semaphore, #tpu.memory_space<semaphore_mem>>)
      %dma_wait3A = arith.constant 0 : i32
      %dma_wait3A_179 = arith.constant 0 : i32
      %dma_wait3A_180 = arith.constant 0 : i32
      %dma_wait3A_181 = tpu.memref_slice %arg5[%dma_wait3A_179, %dma_wait3A_180] : memref<4x4096xf32, #tpu.memory_space<vmem>> -> memref<1x4096xf32, #tpu.memory_space<vmem>>
      %dma_wait3A_182 = tpu.memref_squeeze %dma_wait3A_181 : memref<1x4096xf32, #tpu.memory_space<vmem>> -> memref<4096xf32, #tpu.memory_space<vmem>>
      %dma_wait3A_183 = arith.constant 0 : i32
      %dma_wait3A_184 = tpu.memref_slice %dma_wait3A_182[%dma_wait3A_183] : memref<4096xf32, #tpu.memory_space<vmem>> -> memref<2048xf32, #tpu.memory_space<vmem>>
      %dma_wait3A_185 = arith.constant 0 : i32
      %dma_wait3A_186 = tpu.memref_slice %arg2[%dma_wait3A, %dma_wait3A_185] : memref<4x2097152xf32, #tpu.memory_space<hbm>> -> memref<1x2097152xf32, #tpu.memory_space<hbm>>
      %dma_wait3A_187 = tpu.memref_squeeze %dma_wait3A_186 : memref<1x2097152xf32, #tpu.memory_space<hbm>> -> memref<2097152xf32, #tpu.memory_space<hbm>>
      %dma_wait3A_188 = tpu.memref_slice %dma_wait3A_187[%add3A_11] : memref<2097152xf32, #tpu.memory_space<hbm>> -> memref<2048xf32, #tpu.memory_space<hbm>>
      %dma_wait3A_189 = arith.constant 0 : i32
      %dma_wait3A_190 = tpu.memref_slice %arg5[%dma_wait3A_179, %dma_wait3A_189] : memref<4x4096xf32, #tpu.memory_space<vmem>> -> memref<1x4096xf32, #tpu.memory_space<vmem>>
      %dma_wait3A_191 = tpu.memref_squeeze %dma_wait3A_190 : memref<1x4096xf32, #tpu.memory_space<vmem>> -> memref<4096xf32, #tpu.memory_space<vmem>>
      %dma_wait3A_192 = arith.constant 0 : i32
      %dma_wait3A_193 = tpu.memref_slice %dma_wait3A_191[%dma_wait3A_192] : memref<4096xf32, #tpu.memory_space<vmem>> -> memref<2048xf32, #tpu.memory_space<vmem>>
      %dma_wait3A_194 = arith.constant 0 : i32
      %dma_wait3A_195 = tpu.memref_slice %arg2[%dma_wait3A, %dma_wait3A_194] : memref<4x2097152xf32, #tpu.memory_space<hbm>> -> memref<1x2097152xf32, #tpu.memory_space<hbm>>
      %dma_wait3A_196 = tpu.memref_squeeze %dma_wait3A_195 : memref<1x2097152xf32, #tpu.memory_space<hbm>> -> memref<2097152xf32, #tpu.memory_space<hbm>>
      %dma_wait3A_197 = tpu.memref_slice %dma_wait3A_196[%add3A_11] : memref<2097152xf32, #tpu.memory_space<hbm>> -> memref<2048xf32, #tpu.memory_space<hbm>>
      tpu.wait_dma2 semaphore(%arg7 : memref<!tpu.dma_semaphore, #tpu.memory_space<semaphore_mem>>) src(%dma_wait3A_197 : memref<2048xf32, #tpu.memory_space<hbm>>) dst(%dma_wait3A_193 : memref<2048xf32, #tpu.memory_space<vmem>>)
      %dma_wait3A_198 = arith.constant 1 : i32
      %dma_wait3A_199 = arith.constant 1 : i32
      %dma_wait3A_200 = arith.constant 0 : i32
      %dma_wait3A_201 = tpu.memref_slice %arg5[%dma_wait3A_199, %dma_wait3A_200] : memref<4x4096xf32, #tpu.memory_space<vmem>> -> memref<1x4096xf32, #tpu.memory_space<vmem>>
      %dma_wait3A_202 = tpu.memref_squeeze %dma_wait3A_201 : memref<1x4096xf32, #tpu.memory_space<vmem>> -> memref<4096xf32, #tpu.memory_space<vmem>>
      %dma_wait3A_203 = arith.constant 0 : i32
      %dma_wait3A_204 = tpu.memref_slice %dma_wait3A_202[%dma_wait3A_203] : memref<4096xf32, #tpu.memory_space<vmem>> -> memref<2048xf32, #tpu.memory_space<vmem>>
      %dma_wait3A_205 = arith.constant 0 : i32
      %dma_wait3A_206 = tpu.memref_slice %arg2[%dma_wait3A_198, %dma_wait3A_205] : memref<4x2097152xf32, #tpu.memory_space<hbm>> -> memref<1x2097152xf32, #tpu.memory_space<hbm>>
      %dma_wait3A_207 = tpu.memref_squeeze %dma_wait3A_206 : memref<1x2097152xf32, #tpu.memory_space<hbm>> -> memref<2097152xf32, #tpu.memory_space<hbm>>
      %dma_wait3A_208 = tpu.memref_slice %dma_wait3A_207[%add3A_11] : memref<2097152xf32, #tpu.memory_space<hbm>> -> memref<2048xf32, #tpu.memory_space<hbm>>
      %dma_wait3A_209 = arith.constant 0 : i32
      %dma_wait3A_210 = tpu.memref_slice %arg5[%dma_wait3A_199, %dma_wait3A_209] : memref<4x4096xf32, #tpu.memory_space<vmem>> -> memref<1x4096xf32, #tpu.memory_space<vmem>>
      %dma_wait3A_211 = tpu.memref_squeeze %dma_wait3A_210 : memref<1x4096xf32, #tpu.memory_space<vmem>> -> memref<4096xf32, #tpu.memory_space<vmem>>
      %dma_wait3A_212 = arith.constant 0 : i32
      %dma_wait3A_213 = tpu.memref_slice %dma_wait3A_211[%dma_wait3A_212] : memref<4096xf32, #tpu.memory_space<vmem>> -> memref<2048xf32, #tpu.memory_space<vmem>>
      %dma_wait3A_214 = arith.constant 0 : i32
      %dma_wait3A_215 = tpu.memref_slice %arg2[%dma_wait3A_198, %dma_wait3A_214] : memref<4x2097152xf32, #tpu.memory_space<hbm>> -> memref<1x2097152xf32, #tpu.memory_space<hbm>>
      %dma_wait3A_216 = tpu.memref_squeeze %dma_wait3A_215 : memref<1x2097152xf32, #tpu.memory_space<hbm>> -> memref<2097152xf32, #tpu.memory_space<hbm>>
      %dma_wait3A_217 = tpu.memref_slice %dma_wait3A_216[%add3A_11] : memref<2097152xf32, #tpu.memory_space<hbm>> -> memref<2048xf32, #tpu.memory_space<hbm>>
      tpu.wait_dma2 semaphore(%arg7 : memref<!tpu.dma_semaphore, #tpu.memory_space<semaphore_mem>>) src(%dma_wait3A_217 : memref<2048xf32, #tpu.memory_space<hbm>>) dst(%dma_wait3A_213 : memref<2048xf32, #tpu.memory_space<vmem>>)
      %dma_wait3A_218 = arith.constant 2 : i32
      %dma_wait3A_219 = arith.constant 2 : i32
      %dma_wait3A_220 = arith.constant 0 : i32
      %dma_wait3A_221 = tpu.memref_slice %arg5[%dma_wait3A_219, %dma_wait3A_220] : memref<4x4096xf32, #tpu.memory_space<vmem>> -> memref<1x4096xf32, #tpu.memory_space<vmem>>
      %dma_wait3A_222 = tpu.memref_squeeze %dma_wait3A_221 : memref<1x4096xf32, #tpu.memory_space<vmem>> -> memref<4096xf32, #tpu.memory_space<vmem>>
      %dma_wait3A_223 = arith.constant 0 : i32
      %dma_wait3A_224 = tpu.memref_slice %dma_wait3A_222[%dma_wait3A_223] : memref<4096xf32, #tpu.memory_space<vmem>> -> memref<2048xf32, #tpu.memory_space<vmem>>
      %dma_wait3A_225 = arith.constant 0 : i32
      %dma_wait3A_226 = tpu.memref_slice %arg2[%dma_wait3A_218, %dma_wait3A_225] : memref<4x2097152xf32, #tpu.memory_space<hbm>> -> memref<1x2097152xf32, #tpu.memory_space<hbm>>
      %dma_wait3A_227 = tpu.memref_squeeze %dma_wait3A_226 : memref<1x2097152xf32, #tpu.memory_space<hbm>> -> memref<2097152xf32, #tpu.memory_space<hbm>>
      %dma_wait3A_228 = tpu.memref_slice %dma_wait3A_227[%add3A_11] : memref<2097152xf32, #tpu.memory_space<hbm>> -> memref<2048xf32, #tpu.memory_space<hbm>>
      %dma_wait3A_229 = arith.constant 0 : i32
      %dma_wait3A_230 = tpu.memref_slice %arg5[%dma_wait3A_219, %dma_wait3A_229] : memref<4x4096xf32, #tpu.memory_space<vmem>> -> memref<1x4096xf32, #tpu.memory_space<vmem>>
      %dma_wait3A_231 = tpu.memref_squeeze %dma_wait3A_230 : memref<1x4096xf32, #tpu.memory_space<vmem>> -> memref<4096xf32, #tpu.memory_space<vmem>>
      %dma_wait3A_232 = arith.constant 0 : i32
      %dma_wait3A_233 = tpu.memref_slice %dma_wait3A_231[%dma_wait3A_232] : memref<4096xf32, #tpu.memory_space<vmem>> -> memref<2048xf32, #tpu.memory_space<vmem>>
      %dma_wait3A_234 = arith.constant 0 : i32
      %dma_wait3A_235 = tpu.memref_slice %arg2[%dma_wait3A_218, %dma_wait3A_234] : memref<4x2097152xf32, #tpu.memory_space<hbm>> -> memref<1x2097152xf32, #tpu.memory_space<hbm>>
      %dma_wait3A_236 = tpu.memref_squeeze %dma_wait3A_235 : memref<1x2097152xf32, #tpu.memory_space<hbm>> -> memref<2097152xf32, #tpu.memory_space<hbm>>
      %dma_wait3A_237 = tpu.memref_slice %dma_wait3A_236[%add3A_11] : memref<2097152xf32, #tpu.memory_space<hbm>> -> memref<2048xf32, #tpu.memory_space<hbm>>
      tpu.wait_dma2 semaphore(%arg7 : memref<!tpu.dma_semaphore, #tpu.memory_space<semaphore_mem>>) src(%dma_wait3A_237 : memref<2048xf32, #tpu.memory_space<hbm>>) dst(%dma_wait3A_233 : memref<2048xf32, #tpu.memory_space<vmem>>)
      %dma_wait3A_238 = arith.constant 3 : i32
      %dma_wait3A_239 = arith.constant 3 : i32
      %dma_wait3A_240 = arith.constant 0 : i32
      %dma_wait3A_241 = tpu.memref_slice %arg5[%dma_wait3A_239, %dma_wait3A_240] : memref<4x4096xf32, #tpu.memory_space<vmem>> -> memref<1x4096xf32, #tpu.memory_space<vmem>>
      %dma_wait3A_242 = tpu.memref_squeeze %dma_wait3A_241 : memref<1x4096xf32, #tpu.memory_space<vmem>> -> memref<4096xf32, #tpu.memory_space<vmem>>
      %dma_wait3A_243 = arith.constant 0 : i32
      %dma_wait3A_244 = tpu.memref_slice %dma_wait3A_242[%dma_wait3A_243] : memref<4096xf32, #tpu.memory_space<vmem>> -> memref<2048xf32, #tpu.memory_space<vmem>>
      %dma_wait3A_245 = arith.constant 0 : i32
      %dma_wait3A_246 = tpu.memref_slice %arg2[%dma_wait3A_238, %dma_wait3A_245] : memref<4x2097152xf32, #tpu.memory_space<hbm>> -> memref<1x2097152xf32, #tpu.memory_space<hbm>>
      %dma_wait3A_247 = tpu.memref_squeeze %dma_wait3A_246 : memref<1x2097152xf32, #tpu.memory_space<hbm>> -> memref<2097152xf32, #tpu.memory_space<hbm>>
      %dma_wait3A_248 = tpu.memref_slice %dma_wait3A_247[%add3A_11] : memref<2097152xf32, #tpu.memory_space<hbm>> -> memref<2048xf32, #tpu.memory_space<hbm>>
      %dma_wait3A_249 = arith.constant 0 : i32
      %dma_wait3A_250 = tpu.memref_slice %arg5[%dma_wait3A_239, %dma_wait3A_249] : memref<4x4096xf32, #tpu.memory_space<vmem>> -> memref<1x4096xf32, #tpu.memory_space<vmem>>
      %dma_wait3A_251 = tpu.memref_squeeze %dma_wait3A_250 : memref<1x4096xf32, #tpu.memory_space<vmem>> -> memref<4096xf32, #tpu.memory_space<vmem>>
      %dma_wait3A_252 = arith.constant 0 : i32
      %dma_wait3A_253 = tpu.memref_slice %dma_wait3A_251[%dma_wait3A_252] : memref<4096xf32, #tpu.memory_space<vmem>> -> memref<2048xf32, #tpu.memory_space<vmem>>
      %dma_wait3A_254 = arith.constant 0 : i32
      %dma_wait3A_255 = tpu.memref_slice %arg2[%dma_wait3A_238, %dma_wait3A_254] : memref<4x2097152xf32, #tpu.memory_space<hbm>> -> memref<1x2097152xf32, #tpu.memory_space<hbm>>
      %dma_wait3A_256 = tpu.memref_squeeze %dma_wait3A_255 : memref<1x2097152xf32, #tpu.memory_space<hbm>> -> memref<2097152xf32, #tpu.memory_space<hbm>>
      %dma_wait3A_257 = tpu.memref_slice %dma_wait3A_256[%add3A_11] : memref<2097152xf32, #tpu.memory_space<hbm>> -> memref<2048xf32, #tpu.memory_space<hbm>>
      tpu.wait_dma2 semaphore(%arg7 : memref<!tpu.dma_semaphore, #tpu.memory_space<semaphore_mem>>) src(%dma_wait3A_257 : memref<2048xf32, #tpu.memory_space<hbm>>) dst(%dma_wait3A_253 : memref<2048xf32, #tpu.memory_space<vmem>>)
      %scan3A_258 = arith.constant 0 : i32
      %scan3A_259 = arith.constant 0 : i32
      %scan3A_260 = arith.constant 128 : i32
      %scan3A_261 = arith.addi %scan3A_259, %scan3A_260 : i32
      %scan3A_262 = arith.constant 1 : i32
      scf.for %scan3A_359 = %scan3A_259 to %scan3A_261 step %scan3A_262  : i32 {
        %mul3A_360 = arith.constant 16 : i32
        %mul3A_361 = arith.muli %scan3A_359, %mul3A_360 : i32
        %add3A_362 = arith.constant 0 : i32
        %add3A_363 = arith.addi %add3A_362, %mul3A_361 : i32
        %get3A = arith.constant 0 : i32
        %get3A_364 = arith.index_cast %get3A : i32 to index
        %get3A_365 = arith.index_cast %add3A_363 : i32 to index
        %get3A_366 = tpu.vector_load %arg5[%get3A_364, %get3A_365] {strides = array<i32>} : memref<4x4096xf32, #tpu.memory_space<vmem>>, vector<16xf32>,
        %add3A_367 = vector.broadcast %add3A_363 : i32 to vector<16xi32>
        %add3A_368 = arith.addi %add3A_367, %iota3A : vector<16xi32>
        %mul3A_369 = arith.constant 8 : i32
        %mul3A_370 = vector.broadcast %mul3A_369 : i32 to vector<16xi32>
        %mul3A_371 = arith.muli %add3A_368, %mul3A_370 : vector<16xi32>
        %add3A_372 = arith.constant 0 : i32
        %add3A_373 = vector.broadcast %add3A_372 : i32 to vector<16xi32>
        %add3A_374 = arith.addi %mul3A_371, %add3A_373 : vector<16xi32>
        tpu.vector_store_idx %arg6[%add3A_374], %get3A_366 : memref<32768xf32, #tpu.memory_space<vmem>>[vector<16xi32>], vector<16xf32>,
        %get3A_375 = arith.constant 1 : i32
        %get3A_376 = arith.index_cast %get3A_375 : i32 to index
        %get3A_377 = arith.index_cast %add3A_363 : i32 to index
        %get3A_378 = tpu.vector_load %arg5[%get3A_376, %get3A_377] {strides = array<i32>} : memref<4x4096xf32, #tpu.memory_space<vmem>>, vector<16xf32>,
        %add3A_379 = vector.broadcast %add3A_363 : i32 to vector<16xi32>
        %add3A_380 = arith.addi %add3A_379, %iota3A : vector<16xi32>
        %mul3A_381 = arith.constant 8 : i32
        %mul3A_382 = vector.broadcast %mul3A_381 : i32 to vector<16xi32>
        %mul3A_383 = arith.muli %add3A_380, %mul3A_382 : vector<16xi32>
        %add3A_384 = arith.constant 1 : i32
        %add3A_385 = vector.broadcast %add3A_384 : i32 to vector<16xi32>
        %add3A_386 = arith.addi %mul3A_383, %add3A_385 : vector<16xi32>
        tpu.vector_store_idx %arg6[%add3A_386], %get3A_378 : memref<32768xf32, #tpu.memory_space<vmem>>[vector<16xi32>], vector<16xf32>,
        %get3A_387 = arith.constant 2 : i32
        %get3A_388 = arith.index_cast %get3A_387 : i32 to index
        %get3A_389 = arith.index_cast %add3A_363 : i32 to index
        %get3A_390 = tpu.vector_load %arg5[%get3A_388, %get3A_389] {strides = array<i32>} : memref<4x4096xf32, #tpu.memory_space<vmem>>, vector<16xf32>,
        %add3A_391 = vector.broadcast %add3A_363 : i32 to vector<16xi32>
        %add3A_392 = arith.addi %add3A_391, %iota3A : vector<16xi32>
        %mul3A_393 = arith.constant 8 : i32
        %mul3A_394 = vector.broadcast %mul3A_393 : i32 to vector<16xi32>
        %mul3A_395 = arith.muli %add3A_392, %mul3A_394 : vector<16xi32>
        %add3A_396 = arith.constant 2 : i32
        %add3A_397 = vector.broadcast %add3A_396 : i32 to vector<16xi32>
        %add3A_398 = arith.addi %mul3A_395, %add3A_397 : vector<16xi32>
        tpu.vector_store_idx %arg6[%add3A_398], %get3A_390 : memref<32768xf32, #tpu.memory_space<vmem>>[vector<16xi32>], vector<16xf32>,
        %get3A_399 = arith.constant 3 : i32
        %get3A_400 = arith.index_cast %get3A_399 : i32 to index
        %get3A_401 = arith.index_cast %add3A_363 : i32 to index
        %get3A_402 = tpu.vector_load %arg5[%get3A_400, %get3A_401] {strides = array<i32>} : memref<4x4096xf32, #tpu.memory_space<vmem>>, vector<16xf32>,
        %add3A_403 = vector.broadcast %add3A_363 : i32 to vector<16xi32>
        %add3A_404 = arith.addi %add3A_403, %iota3A : vector<16xi32>
        %mul3A_405 = arith.constant 8 : i32
        %mul3A_406 = vector.broadcast %mul3A_405 : i32 to vector<16xi32>
        %mul3A_407 = arith.muli %add3A_404, %mul3A_406 : vector<16xi32>
        %add3A_408 = arith.constant 3 : i32
        %add3A_409 = vector.broadcast %add3A_408 : i32 to vector<16xi32>
        %add3A_410 = arith.addi %mul3A_407, %add3A_409 : vector<16xi32>
        tpu.vector_store_idx %arg6[%add3A_410], %get3A_402 : memref<32768xf32, #tpu.memory_space<vmem>>[vector<16xi32>], vector<16xf32>,
      }
      %scan3A_263 = arith.constant 128 : i32
      %dma_wait3A_264 = arith.constant 0 : i32
      %dma_wait3A_265 = arith.constant 0 : i32
      %dma_wait3A_266 = arith.constant 0 : i32
      %dma_wait3A_267 = tpu.memref_slice %arg5[%dma_wait3A_265, %dma_wait3A_266] : memref<4x4096xf32, #tpu.memory_space<vmem>> -> memref<1x4096xf32, #tpu.memory_space<vmem>>
      %dma_wait3A_268 = tpu.memref_squeeze %dma_wait3A_267 : memref<1x4096xf32, #tpu.memory_space<vmem>> -> memref<4096xf32, #tpu.memory_space<vmem>>
      %dma_wait3A_269 = arith.constant 2048 : i32
      %dma_wait3A_270 = tpu.memref_slice %dma_wait3A_268[%dma_wait3A_269] : memref<4096xf32, #tpu.memory_space<vmem>> -> memref<2048xf32, #tpu.memory_space<vmem>>
      %dma_wait3A_271 = arith.constant 0 : i32
      %dma_wait3A_272 = tpu.memref_slice %arg2[%dma_wait3A_264, %dma_wait3A_271] : memref<4x2097152xf32, #tpu.memory_space<hbm>> -> memref<1x2097152xf32, #tpu.memory_space<hbm>>
      %dma_wait3A_273 = tpu.memref_squeeze %dma_wait3A_272 : memref<1x2097152xf32, #tpu.memory_space<hbm>> -> memref<2097152xf32, #tpu.memory_space<hbm>>
      %dma_wait3A_274 = tpu.memref_slice %dma_wait3A_273[%add3A_92] : memref<2097152xf32, #tpu.memory_space<hbm>> -> memref<2048xf32, #tpu.memory_space<hbm>>
      %dma_wait3A_275 = arith.constant 0 : i32
      %dma_wait3A_276 = tpu.memref_slice %arg5[%dma_wait3A_265, %dma_wait3A_275] : memref<4x4096xf32, #tpu.memory_space<vmem>> -> memref<1x4096xf32, #tpu.memory_space<vmem>>
      %dma_wait3A_277 = tpu.memref_squeeze %dma_wait3A_276 : memref<1x4096xf32, #tpu.memory_space<vmem>> -> memref<4096xf32, #tpu.memory_space<vmem>>
      %dma_wait3A_278 = arith.constant 2048 : i32
      %dma_wait3A_279 = tpu.memref_slice %dma_wait3A_277[%dma_wait3A_278] : memref<4096xf32, #tpu.memory_space<vmem>> -> memref<2048xf32, #tpu.memory_space<vmem>>
      %dma_wait3A_280 = arith.constant 0 : i32
      %dma_wait3A_281 = tpu.memref_slice %arg2[%dma_wait3A_264, %dma_wait3A_280] : memref<4x2097152xf32, #tpu.memory_space<hbm>> -> memref<1x2097152xf32, #tpu.memory_space<hbm>>
      %dma_wait3A_282 = tpu.memref_squeeze %dma_wait3A_281 : memref<1x2097152xf32, #tpu.memory_space<hbm>> -> memref<2097152xf32, #tpu.memory_space<hbm>>
      %dma_wait3A_283 = tpu.memref_slice %dma_wait3A_282[%add3A_92] : memref<2097152xf32, #tpu.memory_space<hbm>> -> memref<2048xf32, #tpu.memory_space<hbm>>
      tpu.wait_dma2 semaphore(%arg8 : memref<!tpu.dma_semaphore, #tpu.memory_space<semaphore_mem>>) src(%dma_wait3A_283 : memref<2048xf32, #tpu.memory_space<hbm>>) dst(%dma_wait3A_279 : memref<2048xf32, #tpu.memory_space<vmem>>)
      %dma_wait3A_284 = arith.constant 1 : i32
      %dma_wait3A_285 = arith.constant 1 : i32
      %dma_wait3A_286 = arith.constant 0 : i32
      %dma_wait3A_287 = tpu.memref_slice %arg5[%dma_wait3A_285, %dma_wait3A_286] : memref<4x4096xf32, #tpu.memory_space<vmem>> -> memref<1x4096xf32, #tpu.memory_space<vmem>>
      %dma_wait3A_288 = tpu.memref_squeeze %dma_wait3A_287 : memref<1x4096xf32, #tpu.memory_space<vmem>> -> memref<4096xf32, #tpu.memory_space<vmem>>
      %dma_wait3A_289 = arith.constant 2048 : i32
      %dma_wait3A_290 = tpu.memref_slice %dma_wait3A_288[%dma_wait3A_289] : memref<4096xf32, #tpu.memory_space<vmem>> -> memref<2048xf32, #tpu.memory_space<vmem>>
      %dma_wait3A_291 = arith.constant 0 : i32
      %dma_wait3A_292 = tpu.memref_slice %arg2[%dma_wait3A_284, %dma_wait3A_291] : memref<4x2097152xf32, #tpu.memory_space<hbm>> -> memref<1x2097152xf32, #tpu.memory_space<hbm>>
      %dma_wait3A_293 = tpu.memref_squeeze %dma_wait3A_292 : memref<1x2097152xf32, #tpu.memory_space<hbm>> -> memref<2097152xf32, #tpu.memory_space<hbm>>
      %dma_wait3A_294 = tpu.memref_slice %dma_wait3A_293[%add3A_114] : memref<2097152xf32, #tpu.memory_space<hbm>> -> memref<2048xf32, #tpu.memory_space<hbm>>
      %dma_wait3A_295 = arith.constant 0 : i32
      %dma_wait3A_296 = tpu.memref_slice %arg5[%dma_wait3A_285, %dma_wait3A_295] : memref<4x4096xf32, #tpu.memory_space<vmem>> -> memref<1x4096xf32, #tpu.memory_space<vmem>>
      %dma_wait3A_297 = tpu.memref_squeeze %dma_wait3A_296 : memref<1x4096xf32, #tpu.memory_space<vmem>> -> memref<4096xf32, #tpu.memory_space<vmem>>
      %dma_wait3A_298 = arith.constant 2048 : i32
      %dma_wait3A_299 = tpu.memref_slice %dma_wait3A_297[%dma_wait3A_298] : memref<4096xf32, #tpu.memory_space<vmem>> -> memref<2048xf32, #tpu.memory_space<vmem>>
      %dma_wait3A_300 = arith.constant 0 : i32
      %dma_wait3A_301 = tpu.memref_slice %arg2[%dma_wait3A_284, %dma_wait3A_300] : memref<4x2097152xf32, #tpu.memory_space<hbm>> -> memref<1x2097152xf32, #tpu.memory_space<hbm>>
      %dma_wait3A_302 = tpu.memref_squeeze %dma_wait3A_301 : memref<1x2097152xf32, #tpu.memory_space<hbm>> -> memref<2097152xf32, #tpu.memory_space<hbm>>
      %dma_wait3A_303 = tpu.memref_slice %dma_wait3A_302[%add3A_114] : memref<2097152xf32, #tpu.memory_space<hbm>> -> memref<2048xf32, #tpu.memory_space<hbm>>
      tpu.wait_dma2 semaphore(%arg8 : memref<!tpu.dma_semaphore, #tpu.memory_space<semaphore_mem>>) src(%dma_wait3A_303 : memref<2048xf32, #tpu.memory_space<hbm>>) dst(%dma_wait3A_299 : memref<2048xf32, #tpu.memory_space<vmem>>)
      %dma_wait3A_304 = arith.constant 2 : i32
      %dma_wait3A_305 = arith.constant 2 : i32
      %dma_wait3A_306 = arith.constant 0 : i32
      %dma_wait3A_307 = tpu.memref_slice %arg5[%dma_wait3A_305, %dma_wait3A_306] : memref<4x4096xf32, #tpu.memory_space<vmem>> -> memref<1x4096xf32, #tpu.memory_space<vmem>>
      %dma_wait3A_308 = tpu.memref_squeeze %dma_wait3A_307 : memref<1x4096xf32, #tpu.memory_space<vmem>> -> memref<4096xf32, #tpu.memory_space<vmem>>
      %dma_wait3A_309 = arith.constant 2048 : i32
      %dma_wait3A_310 = tpu.memref_slice %dma_wait3A_308[%dma_wait3A_309] : memref<4096xf32, #tpu.memory_space<vmem>> -> memref<2048xf32, #tpu.memory_space<vmem>>
      %dma_wait3A_311 = arith.constant 0 : i32
      %dma_wait3A_312 = tpu.memref_slice %arg2[%dma_wait3A_304, %dma_wait3A_311] : memref<4x2097152xf32, #tpu.memory_space<hbm>> -> memref<1x2097152xf32, #tpu.memory_space<hbm>>
      %dma_wait3A_313 = tpu.memref_squeeze %dma_wait3A_312 : memref<1x2097152xf32, #tpu.memory_space<hbm>> -> memref<2097152xf32, #tpu.memory_space<hbm>>
      %dma_wait3A_314 = tpu.memref_slice %dma_wait3A_313[%add3A_136] : memref<2097152xf32, #tpu.memory_space<hbm>> -> memref<2048xf32, #tpu.memory_space<hbm>>
      %dma_wait3A_315 = arith.constant 0 : i32
      %dma_wait3A_316 = tpu.memref_slice %arg5[%dma_wait3A_305, %dma_wait3A_315] : memref<4x4096xf32, #tpu.memory_space<vmem>> -> memref<1x4096xf32, #tpu.memory_space<vmem>>
      %dma_wait3A_317 = tpu.memref_squeeze %dma_wait3A_316 : memref<1x4096xf32, #tpu.memory_space<vmem>> -> memref<4096xf32, #tpu.memory_space<vmem>>
      %dma_wait3A_318 = arith.constant 2048 : i32
      %dma_wait3A_319 = tpu.memref_slice %dma_wait3A_317[%dma_wait3A_318] : memref<4096xf32, #tpu.memory_space<vmem>> -> memref<2048xf32, #tpu.memory_space<vmem>>
      %dma_wait3A_320 = arith.constant 0 : i32
      %dma_wait3A_321 = tpu.memref_slice %arg2[%dma_wait3A_304, %dma_wait3A_320] : memref<4x2097152xf32, #tpu.memory_space<hbm>> -> memref<1x2097152xf32, #tpu.memory_space<hbm>>
      %dma_wait3A_322 = tpu.memref_squeeze %dma_wait3A_321 : memref<1x2097152xf32, #tpu.memory_space<hbm>> -> memref<2097152xf32, #tpu.memory_space<hbm>>
      %dma_wait3A_323 = tpu.memref_slice %dma_wait3A_322[%add3A_136] : memref<2097152xf32, #tpu.memory_space<hbm>> -> memref<2048xf32, #tpu.memory_space<hbm>>
      tpu.wait_dma2 semaphore(%arg8 : memref<!tpu.dma_semaphore, #tpu.memory_space<semaphore_mem>>) src(%dma_wait3A_323 : memref<2048xf32, #tpu.memory_space<hbm>>) dst(%dma_wait3A_319 : memref<2048xf32, #tpu.memory_space<vmem>>)
      %dma_wait3A_324 = arith.constant 3 : i32
      %dma_wait3A_325 = arith.constant 3 : i32
      %dma_wait3A_326 = arith.constant 0 : i32
      %dma_wait3A_327 = tpu.memref_slice %arg5[%dma_wait3A_325, %dma_wait3A_326] : memref<4x4096xf32, #tpu.memory_space<vmem>> -> memref<1x4096xf32, #tpu.memory_space<vmem>>
      %dma_wait3A_328 = tpu.memref_squeeze %dma_wait3A_327 : memref<1x4096xf32, #tpu.memory_space<vmem>> -> memref<4096xf32, #tpu.memory_space<vmem>>
      %dma_wait3A_329 = arith.constant 2048 : i32
      %dma_wait3A_330 = tpu.memref_slice %dma_wait3A_328[%dma_wait3A_329] : memref<4096xf32, #tpu.memory_space<vmem>> -> memref<2048xf32, #tpu.memory_space<vmem>>
      %dma_wait3A_331 = arith.constant 0 : i32
      %dma_wait3A_332 = tpu.memref_slice %arg2[%dma_wait3A_324, %dma_wait3A_331] : memref<4x2097152xf32, #tpu.memory_space<hbm>> -> memref<1x2097152xf32, #tpu.memory_space<hbm>>
      %dma_wait3A_333 = tpu.memref_squeeze %dma_wait3A_332 : memref<1x2097152xf32, #tpu.memory_space<hbm>> -> memref<2097152xf32, #tpu.memory_space<hbm>>
      %dma_wait3A_334 = tpu.memref_slice %dma_wait3A_333[%add3A_158] : memref<2097152xf32, #tpu.memory_space<hbm>> -> memref<2048xf32, #tpu.memory_space<hbm>>
      %dma_wait3A_335 = arith.constant 0 : i32
      %dma_wait3A_336 = tpu.memref_slice %arg5[%dma_wait3A_325, %dma_wait3A_335] : memref<4x4096xf32, #tpu.memory_space<vmem>> -> memref<1x4096xf32, #tpu.memory_space<vmem>>
      %dma_wait3A_337 = tpu.memref_squeeze %dma_wait3A_336 : memref<1x4096xf32, #tpu.memory_space<vmem>> -> memref<4096xf32, #tpu.memory_space<vmem>>
      %dma_wait3A_338 = arith.constant 2048 : i32
      %dma_wait3A_339 = tpu.memref_slice %dma_wait3A_337[%dma_wait3A_338] : memref<4096xf32, #tpu.memory_space<vmem>> -> memref<2048xf32, #tpu.memory_space<vmem>>
      %dma_wait3A_340 = arith.constant 0 : i32
      %dma_wait3A_341 = tpu.memref_slice %arg2[%dma_wait3A_324, %dma_wait3A_340] : memref<4x2097152xf32, #tpu.memory_space<hbm>> -> memref<1x2097152xf32, #tpu.memory_space<hbm>>
      %dma_wait3A_342 = tpu.memref_squeeze %dma_wait3A_341 : memref<1x2097152xf32, #tpu.memory_space<hbm>> -> memref<2097152xf32, #tpu.memory_space<hbm>>
      %dma_wait3A_343 = tpu.memref_slice %dma_wait3A_342[%add3A_158] : memref<2097152xf32, #tpu.memory_space<hbm>> -> memref<2048xf32, #tpu.memory_space<hbm>>
      tpu.wait_dma2 semaphore(%arg8 : memref<!tpu.dma_semaphore, #tpu.memory_space<semaphore_mem>>) src(%dma_wait3A_343 : memref<2048xf32, #tpu.memory_space<hbm>>) dst(%dma_wait3A_339 : memref<2048xf32, #tpu.memory_space<vmem>>)
      %scan3A_344 = arith.constant 0 : i32
      %scan3A_345 = arith.constant 0 : i32
      %scan3A_346 = arith.constant 128 : i32
      %scan3A_347 = arith.addi %scan3A_345, %scan3A_346 : i32
      %scan3A_348 = arith.constant 1 : i32
      scf.for %scan3A_359 = %scan3A_345 to %scan3A_347 step %scan3A_348  : i32 {
        %mul3A_360 = arith.constant 16 : i32
        %mul3A_361 = arith.muli %scan3A_359, %mul3A_360 : i32
        %add3A_362 = arith.constant 2048 : i32
        %add3A_363 = arith.addi %add3A_362, %mul3A_361 : i32
        %get3A = arith.constant 0 : i32
        %get3A_364 = arith.index_cast %get3A : i32 to index
        %get3A_365 = arith.index_cast %add3A_363 : i32 to index
        %get3A_366 = tpu.vector_load %arg5[%get3A_364, %get3A_365] {strides = array<i32>} : memref<4x4096xf32, #tpu.memory_space<vmem>>, vector<16xf32>,
        %add3A_367 = vector.broadcast %add3A_363 : i32 to vector<16xi32>
        %add3A_368 = arith.addi %add3A_367, %iota3A : vector<16xi32>
        %mul3A_369 = arith.constant 8 : i32
        %mul3A_370 = vector.broadcast %mul3A_369 : i32 to vector<16xi32>
        %mul3A_371 = arith.muli %add3A_368, %mul3A_370 : vector<16xi32>
        %add3A_372 = arith.constant 0 : i32
        %add3A_373 = vector.broadcast %add3A_372 : i32 to vector<16xi32>
        %add3A_374 = arith.addi %mul3A_371, %add3A_373 : vector<16xi32>
        tpu.vector_store_idx %arg6[%add3A_374], %get3A_366 : memref<32768xf32, #tpu.memory_space<vmem>>[vector<16xi32>], vector<16xf32>,
        %get3A_375 = arith.constant 1 : i32
        %get3A_376 = arith.index_cast %get3A_375 : i32 to index
        %get3A_377 = arith.index_cast %add3A_363 : i32 to index
        %get3A_378 = tpu.vector_load %arg5[%get3A_376, %get3A_377] {strides = array<i32>} : memref<4x4096xf32, #tpu.memory_space<vmem>>, vector<16xf32>,
        %add3A_379 = vector.broadcast %add3A_363 : i32 to vector<16xi32>
        %add3A_380 = arith.addi %add3A_379, %iota3A : vector<16xi32>
        %mul3A_381 = arith.constant 8 : i32
        %mul3A_382 = vector.broadcast %mul3A_381 : i32 to vector<16xi32>
        %mul3A_383 = arith.muli %add3A_380, %mul3A_382 : vector<16xi32>
        %add3A_384 = arith.constant 1 : i32
        %add3A_385 = vector.broadcast %add3A_384 : i32 to vector<16xi32>
        %add3A_386 = arith.addi %mul3A_383, %add3A_385 : vector<16xi32>
        tpu.vector_store_idx %arg6[%add3A_386], %get3A_378 : memref<32768xf32, #tpu.memory_space<vmem>>[vector<16xi32>], vector<16xf32>,
        %get3A_387 = arith.constant 2 : i32
        %get3A_388 = arith.index_cast %get3A_387 : i32 to index
        %get3A_389 = arith.index_cast %add3A_363 : i32 to index
        %get3A_390 = tpu.vector_load %arg5[%get3A_388, %get3A_389] {strides = array<i32>} : memref<4x4096xf32, #tpu.memory_space<vmem>>, vector<16xf32>,
        %add3A_391 = vector.broadcast %add3A_363 : i32 to vector<16xi32>
        %add3A_392 = arith.addi %add3A_391, %iota3A : vector<16xi32>
        %mul3A_393 = arith.constant 8 : i32
        %mul3A_394 = vector.broadcast %mul3A_393 : i32 to vector<16xi32>
        %mul3A_395 = arith.muli %add3A_392, %mul3A_394 : vector<16xi32>
        %add3A_396 = arith.constant 2 : i32
        %add3A_397 = vector.broadcast %add3A_396 : i32 to vector<16xi32>
        %add3A_398 = arith.addi %mul3A_395, %add3A_397 : vector<16xi32>
        tpu.vector_store_idx %arg6[%add3A_398], %get3A_390 : memref<32768xf32, #tpu.memory_space<vmem>>[vector<16xi32>], vector<16xf32>,
        %get3A_399 = arith.constant 3 : i32
        %get3A_400 = arith.index_cast %get3A_399 : i32 to index
        %get3A_401 = arith.index_cast %add3A_363 : i32 to index
        %get3A_402 = tpu.vector_load %arg5[%get3A_400, %get3A_401] {strides = array<i32>} : memref<4x4096xf32, #tpu.memory_space<vmem>>, vector<16xf32>,
        %add3A_403 = vector.broadcast %add3A_363 : i32 to vector<16xi32>
        %add3A_404 = arith.addi %add3A_403, %iota3A : vector<16xi32>
        %mul3A_405 = arith.constant 8 : i32
        %mul3A_406 = vector.broadcast %mul3A_405 : i32 to vector<16xi32>
        %mul3A_407 = arith.muli %add3A_404, %mul3A_406 : vector<16xi32>
        %add3A_408 = arith.constant 3 : i32
        %add3A_409 = vector.broadcast %add3A_408 : i32 to vector<16xi32>
        %add3A_410 = arith.addi %mul3A_407, %add3A_409 : vector<16xi32>
        tpu.vector_store_idx %arg6[%add3A_410], %get3A_402 : memref<32768xf32, #tpu.memory_space<vmem>>[vector<16xi32>], vector<16xf32>,
      }
      %scan3A_349 = arith.constant 128 : i32
      %mul3A_350 = arith.constant 8 : i32
      %mul3A_351 = arith.muli %add3A_11, %mul3A_350 : i32
      "tpu.region"() ({
        %run_scoped3A_359 = tpu.sem_alloc : memref<!tpu.dma_semaphore, #tpu.memory_space<semaphore_mem>>
        %dma_start3A_360 = tpu.memref_slice %arg3[%mul3A_351] : memref<16777216xf32, #tpu.memory_space<hbm>> -> memref<32768xf32, #tpu.memory_space<hbm>>
        %dma_start3A_361 = tpu.memref_slice %arg3[%mul3A_351] : memref<16777216xf32, #tpu.memory_space<hbm>> -> memref<32768xf32, #tpu.memory_space<hbm>>
        tpu.enqueue_dma source(%arg6 : memref<32768xf32, #tpu.memory_space<vmem>>) target(%dma_start3A_361 : memref<32768xf32, #tpu.memory_space<hbm>>) target_semaphore(%run_scoped3A_359 : memref<!tpu.dma_semaphore, #tpu.memory_space<semaphore_mem>>)
        %dma_wait3A_362 = tpu.memref_slice %arg3[%mul3A_351] : memref<16777216xf32, #tpu.memory_space<hbm>> -> memref<32768xf32, #tpu.memory_space<hbm>>
        %dma_wait3A_363 = tpu.memref_slice %arg3[%mul3A_351] : memref<16777216xf32, #tpu.memory_space<hbm>> -> memref<32768xf32, #tpu.memory_space<hbm>>
        tpu.wait_dma2 semaphore(%run_scoped3A_359 : memref<!tpu.dma_semaphore, #tpu.memory_space<semaphore_mem>>) src(%arg6 : memref<32768xf32, #tpu.memory_space<vmem>>) dst(%dma_wait3A_363 : memref<32768xf32, #tpu.memory_space<hbm>>)
        tpu.yield
      }) : () -> ()
      %run_scoped3A = arith.constant 0 : i32
      %run_scoped3A_352 = arith.constant 0 : i32
      "tpu.region"() ({
        %run_scoped3A_359 = tpu.sem_alloc : memref<!tpu.dma_semaphore, #tpu.memory_space<semaphore_mem>>
        %dma_start3A_360 = arith.constant 0 : i32
        %dma_start3A_361 = tpu.memref_slice %arg5[%run_scoped3A, %dma_start3A_360] : memref<4x4096xf32, #tpu.memory_space<vmem>> -> memref<1x4096xf32, #tpu.memory_space<vmem>>
        %dma_start3A_362 = tpu.memref_squeeze %dma_start3A_361 : memref<1x4096xf32, #tpu.memory_space<vmem>> -> memref<4096xf32, #tpu.memory_space<vmem>>
        %dma_start3A_363 = arith.constant 0 : i32
        %dma_start3A_364 = tpu.memref_slice %arg4[%run_scoped3A_352, %dma_start3A_363] : memref<4x2097152xf32, #tpu.memory_space<hbm>> -> memref<1x2097152xf32, #tpu.memory_space<hbm>>
        %dma_start3A_365 = tpu.memref_squeeze %dma_start3A_364 : memref<1x2097152xf32, #tpu.memory_space<hbm>> -> memref<2097152xf32, #tpu.memory_space<hbm>>
        %dma_start3A_366 = tpu.memref_slice %dma_start3A_365[%add3A_11] : memref<2097152xf32, #tpu.memory_space<hbm>> -> memref<4096xf32, #tpu.memory_space<hbm>>
        %dma_start3A_367 = arith.constant 0 : i32
        %dma_start3A_368 = tpu.memref_slice %arg4[%run_scoped3A_352, %dma_start3A_367] : memref<4x2097152xf32, #tpu.memory_space<hbm>> -> memref<1x2097152xf32, #tpu.memory_space<hbm>>
        %dma_start3A_369 = tpu.memref_squeeze %dma_start3A_368 : memref<1x2097152xf32, #tpu.memory_space<hbm>> -> memref<2097152xf32, #tpu.memory_space<hbm>>
        %dma_start3A_370 = tpu.memref_slice %dma_start3A_369[%add3A_11] : memref<2097152xf32, #tpu.memory_space<hbm>> -> memref<4096xf32, #tpu.memory_space<hbm>>
        %dma_start3A_371 = arith.constant 0 : i32
        %dma_start3A_372 = tpu.memref_slice %arg5[%run_scoped3A, %dma_start3A_371] : memref<4x4096xf32, #tpu.memory_space<vmem>> -> memref<1x4096xf32, #tpu.memory_space<vmem>>
        %dma_start3A_373 = tpu.memref_squeeze %dma_start3A_372 : memref<1x4096xf32, #tpu.memory_space<vmem>> -> memref<4096xf32, #tpu.memory_space<vmem>>
        tpu.enqueue_dma source(%dma_start3A_373 : memref<4096xf32, #tpu.memory_space<vmem>>) target(%dma_start3A_370 : memref<4096xf32, #tpu.memory_space<hbm>>) target_semaphore(%run_scoped3A_359 : memref<!tpu.dma_semaphore, #tpu.memory_space<semaphore_mem>>)
        %dma_wait3A_374 = arith.constant 0 : i32
        %dma_wait3A_375 = tpu.memref_slice %arg5[%run_scoped3A, %dma_wait3A_374] : memref<4x4096xf32, #tpu.memory_space<vmem>> -> memref<1x4096xf32, #tpu.memory_space<vmem>>
        %dma_wait3A_376 = tpu.memref_squeeze %dma_wait3A_375 : memref<1x4096xf32, #tpu.memory_space<vmem>> -> memref<4096xf32, #tpu.memory_space<vmem>>
        %dma_wait3A_377 = arith.constant 0 : i32
        %dma_wait3A_378 = tpu.memref_slice %arg4[%run_scoped3A_352, %dma_wait3A_377] : memref<4x2097152xf32, #tpu.memory_space<hbm>> -> memref<1x2097152xf32, #tpu.memory_space<hbm>>
        %dma_wait3A_379 = tpu.memref_squeeze %dma_wait3A_378 : memref<1x2097152xf32, #tpu.memory_space<hbm>> -> memref<2097152xf32, #tpu.memory_space<hbm>>
        %dma_wait3A_380 = tpu.memref_slice %dma_wait3A_379[%add3A_11] : memref<2097152xf32, #tpu.memory_space<hbm>> -> memref<4096xf32, #tpu.memory_space<hbm>>
        %dma_wait3A_381 = arith.constant 0 : i32
        %dma_wait3A_382 = tpu.memref_slice %arg4[%run_scoped3A_352, %dma_wait3A_381] : memref<4x2097152xf32, #tpu.memory_space<hbm>> -> memref<1x2097152xf32, #tpu.memory_space<hbm>>
        %dma_wait3A_383 = tpu.memref_squeeze %dma_wait3A_382 : memref<1x2097152xf32, #tpu.memory_space<hbm>> -> memref<2097152xf32, #tpu.memory_space<hbm>>
        %dma_wait3A_384 = tpu.memref_slice %dma_wait3A_383[%add3A_11] : memref<2097152xf32, #tpu.memory_space<hbm>> -> memref<4096xf32, #tpu.memory_space<hbm>>
        %dma_wait3A_385 = arith.constant 0 : i32
        %dma_wait3A_386 = tpu.memref_slice %arg5[%run_scoped3A, %dma_wait3A_385] : memref<4x4096xf32, #tpu.memory_space<vmem>> -> memref<1x4096xf32, #tpu.memory_space<vmem>>
        %dma_wait3A_387 = tpu.memref_squeeze %dma_wait3A_386 : memref<1x4096xf32, #tpu.memory_space<vmem>> -> memref<4096xf32, #tpu.memory_space<vmem>>
        tpu.wait_dma2 semaphore(%run_scoped3A_359 : memref<!tpu.dma_semaphore, #tpu.memory_space<semaphore_mem>>) src(%dma_wait3A_387 : memref<4096xf32, #tpu.memory_space<vmem>>) dst(%dma_wait3A_384 : memref<4096xf32, #tpu.memory_space<hbm>>)
        tpu.yield
      }) : () -> ()
      %run_scoped3A_353 = arith.constant 1 : i32
      %run_scoped3A_354 = arith.constant 1 : i32
      "tpu.region"() ({
        %run_scoped3A_359 = tpu.sem_alloc : memref<!tpu.dma_semaphore, #tpu.memory_space<semaphore_mem>>
        %dma_start3A_360 = arith.constant 0 : i32
        %dma_start3A_361 = tpu.memref_slice %arg5[%run_scoped3A_353, %dma_start3A_360] : memref<4x4096xf32, #tpu.memory_space<vmem>> -> memref<1x4096xf32, #tpu.memory_space<vmem>>
        %dma_start3A_362 = tpu.memref_squeeze %dma_start3A_361 : memref<1x4096xf32, #tpu.memory_space<vmem>> -> memref<4096xf32, #tpu.memory_space<vmem>>
        %dma_start3A_363 = arith.constant 0 : i32
        %dma_start3A_364 = tpu.memref_slice %arg4[%run_scoped3A_354, %dma_start3A_363] : memref<4x2097152xf32, #tpu.memory_space<hbm>> -> memref<1x2097152xf32, #tpu.memory_space<hbm>>
        %dma_start3A_365 = tpu.memref_squeeze %dma_start3A_364 : memref<1x2097152xf32, #tpu.memory_space<hbm>> -> memref<2097152xf32, #tpu.memory_space<hbm>>
        %dma_start3A_366 = tpu.memref_slice %dma_start3A_365[%add3A_11] : memref<2097152xf32, #tpu.memory_space<hbm>> -> memref<4096xf32, #tpu.memory_space<hbm>>
        %dma_start3A_367 = arith.constant 0 : i32
        %dma_start3A_368 = tpu.memref_slice %arg4[%run_scoped3A_354, %dma_start3A_367] : memref<4x2097152xf32, #tpu.memory_space<hbm>> -> memref<1x2097152xf32, #tpu.memory_space<hbm>>
        %dma_start3A_369 = tpu.memref_squeeze %dma_start3A_368 : memref<1x2097152xf32, #tpu.memory_space<hbm>> -> memref<2097152xf32, #tpu.memory_space<hbm>>
        %dma_start3A_370 = tpu.memref_slice %dma_start3A_369[%add3A_11] : memref<2097152xf32, #tpu.memory_space<hbm>> -> memref<4096xf32, #tpu.memory_space<hbm>>
        %dma_start3A_371 = arith.constant 0 : i32
        %dma_start3A_372 = tpu.memref_slice %arg5[%run_scoped3A_353, %dma_start3A_371] : memref<4x4096xf32, #tpu.memory_space<vmem>> -> memref<1x4096xf32, #tpu.memory_space<vmem>>
        %dma_start3A_373 = tpu.memref_squeeze %dma_start3A_372 : memref<1x4096xf32, #tpu.memory_space<vmem>> -> memref<4096xf32, #tpu.memory_space<vmem>>
        tpu.enqueue_dma source(%dma_start3A_373 : memref<4096xf32, #tpu.memory_space<vmem>>) target(%dma_start3A_370 : memref<4096xf32, #tpu.memory_space<hbm>>) target_semaphore(%run_scoped3A_359 : memref<!tpu.dma_semaphore, #tpu.memory_space<semaphore_mem>>)
        %dma_wait3A_374 = arith.constant 0 : i32
        %dma_wait3A_375 = tpu.memref_slice %arg5[%run_scoped3A_353, %dma_wait3A_374] : memref<4x4096xf32, #tpu.memory_space<vmem>> -> memref<1x4096xf32, #tpu.memory_space<vmem>>
        %dma_wait3A_376 = tpu.memref_squeeze %dma_wait3A_375 : memref<1x4096xf32, #tpu.memory_space<vmem>> -> memref<4096xf32, #tpu.memory_space<vmem>>
        %dma_wait3A_377 = arith.constant 0 : i32
        %dma_wait3A_378 = tpu.memref_slice %arg4[%run_scoped3A_354, %dma_wait3A_377] : memref<4x2097152xf32, #tpu.memory_space<hbm>> -> memref<1x2097152xf32, #tpu.memory_space<hbm>>
        %dma_wait3A_379 = tpu.memref_squeeze %dma_wait3A_378 : memref<1x2097152xf32, #tpu.memory_space<hbm>> -> memref<2097152xf32, #tpu.memory_space<hbm>>
        %dma_wait3A_380 = tpu.memref_slice %dma_wait3A_379[%add3A_11] : memref<2097152xf32, #tpu.memory_space<hbm>> -> memref<4096xf32, #tpu.memory_space<hbm>>
        %dma_wait3A_381 = arith.constant 0 : i32
        %dma_wait3A_382 = tpu.memref_slice %arg4[%run_scoped3A_354, %dma_wait3A_381] : memref<4x2097152xf32, #tpu.memory_space<hbm>> -> memref<1x2097152xf32, #tpu.memory_space<hbm>>
        %dma_wait3A_383 = tpu.memref_squeeze %dma_wait3A_382 : memref<1x2097152xf32, #tpu.memory_space<hbm>> -> memref<2097152xf32, #tpu.memory_space<hbm>>
        %dma_wait3A_384 = tpu.memref_slice %dma_wait3A_383[%add3A_11] : memref<2097152xf32, #tpu.memory_space<hbm>> -> memref<4096xf32, #tpu.memory_space<hbm>>
        %dma_wait3A_385 = arith.constant 0 : i32
        %dma_wait3A_386 = tpu.memref_slice %arg5[%run_scoped3A_353, %dma_wait3A_385] : memref<4x4096xf32, #tpu.memory_space<vmem>> -> memref<1x4096xf32, #tpu.memory_space<vmem>>
        %dma_wait3A_387 = tpu.memref_squeeze %dma_wait3A_386 : memref<1x4096xf32, #tpu.memory_space<vmem>> -> memref<4096xf32, #tpu.memory_space<vmem>>
        tpu.wait_dma2 semaphore(%run_scoped3A_359 : memref<!tpu.dma_semaphore, #tpu.memory_space<semaphore_mem>>) src(%dma_wait3A_387 : memref<4096xf32, #tpu.memory_space<vmem>>) dst(%dma_wait3A_384 : memref<4096xf32, #tpu.memory_space<hbm>>)
        tpu.yield
      }) : () -> ()
      %run_scoped3A_355 = arith.constant 2 : i32
      %run_scoped3A_356 = arith.constant 2 : i32
      "tpu.region"() ({
        %run_scoped3A_359 = tpu.sem_alloc : memref<!tpu.dma_semaphore, #tpu.memory_space<semaphore_mem>>
        %dma_start3A_360 = arith.constant 0 : i32
        %dma_start3A_361 = tpu.memref_slice %arg5[%run_scoped3A_355, %dma_start3A_360] : memref<4x4096xf32, #tpu.memory_space<vmem>> -> memref<1x4096xf32, #tpu.memory_space<vmem>>
        %dma_start3A_362 = tpu.memref_squeeze %dma_start3A_361 : memref<1x4096xf32, #tpu.memory_space<vmem>> -> memref<4096xf32, #tpu.memory_space<vmem>>
        %dma_start3A_363 = arith.constant 0 : i32
        %dma_start3A_364 = tpu.memref_slice %arg4[%run_scoped3A_356, %dma_start3A_363] : memref<4x2097152xf32, #tpu.memory_space<hbm>> -> memref<1x2097152xf32, #tpu.memory_space<hbm>>
        %dma_start3A_365 = tpu.memref_squeeze %dma_start3A_364 : memref<1x2097152xf32, #tpu.memory_space<hbm>> -> memref<2097152xf32, #tpu.memory_space<hbm>>
        %dma_start3A_366 = tpu.memref_slice %dma_start3A_365[%add3A_11] : memref<2097152xf32, #tpu.memory_space<hbm>> -> memref<4096xf32, #tpu.memory_space<hbm>>
        %dma_start3A_367 = arith.constant 0 : i32
        %dma_start3A_368 = tpu.memref_slice %arg4[%run_scoped3A_356, %dma_start3A_367] : memref<4x2097152xf32, #tpu.memory_space<hbm>> -> memref<1x2097152xf32, #tpu.memory_space<hbm>>
        %dma_start3A_369 = tpu.memref_squeeze %dma_start3A_368 : memref<1x2097152xf32, #tpu.memory_space<hbm>> -> memref<2097152xf32, #tpu.memory_space<hbm>>
        %dma_start3A_370 = tpu.memref_slice %dma_start3A_369[%add3A_11] : memref<2097152xf32, #tpu.memory_space<hbm>> -> memref<4096xf32, #tpu.memory_space<hbm>>
        %dma_start3A_371 = arith.constant 0 : i32
        %dma_start3A_372 = tpu.memref_slice %arg5[%run_scoped3A_355, %dma_start3A_371] : memref<4x4096xf32, #tpu.memory_space<vmem>> -> memref<1x4096xf32, #tpu.memory_space<vmem>>
        %dma_start3A_373 = tpu.memref_squeeze %dma_start3A_372 : memref<1x4096xf32, #tpu.memory_space<vmem>> -> memref<4096xf32, #tpu.memory_space<vmem>>
        tpu.enqueue_dma source(%dma_start3A_373 : memref<4096xf32, #tpu.memory_space<vmem>>) target(%dma_start3A_370 : memref<4096xf32, #tpu.memory_space<hbm>>) target_semaphore(%run_scoped3A_359 : memref<!tpu.dma_semaphore, #tpu.memory_space<semaphore_mem>>)
        %dma_wait3A_374 = arith.constant 0 : i32
        %dma_wait3A_375 = tpu.memref_slice %arg5[%run_scoped3A_355, %dma_wait3A_374] : memref<4x4096xf32, #tpu.memory_space<vmem>> -> memref<1x4096xf32, #tpu.memory_space<vmem>>
        %dma_wait3A_376 = tpu.memref_squeeze %dma_wait3A_375 : memref<1x4096xf32, #tpu.memory_space<vmem>> -> memref<4096xf32, #tpu.memory_space<vmem>>
        %dma_wait3A_377 = arith.constant 0 : i32
        %dma_wait3A_378 = tpu.memref_slice %arg4[%run_scoped3A_356, %dma_wait3A_377] : memref<4x2097152xf32, #tpu.memory_space<hbm>> -> memref<1x2097152xf32, #tpu.memory_space<hbm>>
        %dma_wait3A_379 = tpu.memref_squeeze %dma_wait3A_378 : memref<1x2097152xf32, #tpu.memory_space<hbm>> -> memref<2097152xf32, #tpu.memory_space<hbm>>
        %dma_wait3A_380 = tpu.memref_slice %dma_wait3A_379[%add3A_11] : memref<2097152xf32, #tpu.memory_space<hbm>> -> memref<4096xf32, #tpu.memory_space<hbm>>
        %dma_wait3A_381 = arith.constant 0 : i32
        %dma_wait3A_382 = tpu.memref_slice %arg4[%run_scoped3A_356, %dma_wait3A_381] : memref<4x2097152xf32, #tpu.memory_space<hbm>> -> memref<1x2097152xf32, #tpu.memory_space<hbm>>
        %dma_wait3A_383 = tpu.memref_squeeze %dma_wait3A_382 : memref<1x2097152xf32, #tpu.memory_space<hbm>> -> memref<2097152xf32, #tpu.memory_space<hbm>>
        %dma_wait3A_384 = tpu.memref_slice %dma_wait3A_383[%add3A_11] : memref<2097152xf32, #tpu.memory_space<hbm>> -> memref<4096xf32, #tpu.memory_space<hbm>>
        %dma_wait3A_385 = arith.constant 0 : i32
        %dma_wait3A_386 = tpu.memref_slice %arg5[%run_scoped3A_355, %dma_wait3A_385] : memref<4x4096xf32, #tpu.memory_space<vmem>> -> memref<1x4096xf32, #tpu.memory_space<vmem>>
        %dma_wait3A_387 = tpu.memref_squeeze %dma_wait3A_386 : memref<1x4096xf32, #tpu.memory_space<vmem>> -> memref<4096xf32, #tpu.memory_space<vmem>>
        tpu.wait_dma2 semaphore(%run_scoped3A_359 : memref<!tpu.dma_semaphore, #tpu.memory_space<semaphore_mem>>) src(%dma_wait3A_387 : memref<4096xf32, #tpu.memory_space<vmem>>) dst(%dma_wait3A_384 : memref<4096xf32, #tpu.memory_space<hbm>>)
        tpu.yield
      }) : () -> ()
      %run_scoped3A_357 = arith.constant 3 : i32
      %run_scoped3A_358 = arith.constant 3 : i32
      "tpu.region"() ({
        %run_scoped3A_359 = tpu.sem_alloc : memref<!tpu.dma_semaphore, #tpu.memory_space<semaphore_mem>>
        %dma_start3A_360 = arith.constant 0 : i32
        %dma_start3A_361 = tpu.memref_slice %arg5[%run_scoped3A_357, %dma_start3A_360] : memref<4x4096xf32, #tpu.memory_space<vmem>> -> memref<1x4096xf32, #tpu.memory_space<vmem>>
        %dma_start3A_362 = tpu.memref_squeeze %dma_start3A_361 : memref<1x4096xf32, #tpu.memory_space<vmem>> -> memref<4096xf32, #tpu.memory_space<vmem>>
        %dma_start3A_363 = arith.constant 0 : i32
        %dma_start3A_364 = tpu.memref_slice %arg4[%run_scoped3A_358, %dma_start3A_363] : memref<4x2097152xf32, #tpu.memory_space<hbm>> -> memref<1x2097152xf32, #tpu.memory_space<hbm>>
        %dma_start3A_365 = tpu.memref_squeeze %dma_start3A_364 : memref<1x2097152xf32, #tpu.memory_space<hbm>> -> memref<2097152xf32, #tpu.memory_space<hbm>>
        %dma_start3A_366 = tpu.memref_slice %dma_start3A_365[%add3A_11] : memref<2097152xf32, #tpu.memory_space<hbm>> -> memref<4096xf32, #tpu.memory_space<hbm>>
        %dma_start3A_367 = arith.constant 0 : i32
        %dma_start3A_368 = tpu.memref_slice %arg4[%run_scoped3A_358, %dma_start3A_367] : memref<4x2097152xf32, #tpu.memory_space<hbm>> -> memref<1x2097152xf32, #tpu.memory_space<hbm>>
        %dma_start3A_369 = tpu.memref_squeeze %dma_start3A_368 : memref<1x2097152xf32, #tpu.memory_space<hbm>> -> memref<2097152xf32, #tpu.memory_space<hbm>>
        %dma_start3A_370 = tpu.memref_slice %dma_start3A_369[%add3A_11] : memref<2097152xf32, #tpu.memory_space<hbm>> -> memref<4096xf32, #tpu.memory_space<hbm>>
        %dma_start3A_371 = arith.constant 0 : i32
        %dma_start3A_372 = tpu.memref_slice %arg5[%run_scoped3A_357, %dma_start3A_371] : memref<4x4096xf32, #tpu.memory_space<vmem>> -> memref<1x4096xf32, #tpu.memory_space<vmem>>
        %dma_start3A_373 = tpu.memref_squeeze %dma_start3A_372 : memref<1x4096xf32, #tpu.memory_space<vmem>> -> memref<4096xf32, #tpu.memory_space<vmem>>
        tpu.enqueue_dma source(%dma_start3A_373 : memref<4096xf32, #tpu.memory_space<vmem>>) target(%dma_start3A_370 : memref<4096xf32, #tpu.memory_space<hbm>>) target_semaphore(%run_scoped3A_359 : memref<!tpu.dma_semaphore, #tpu.memory_space<semaphore_mem>>)
        %dma_wait3A_374 = arith.constant 0 : i32
        %dma_wait3A_375 = tpu.memref_slice %arg5[%run_scoped3A_357, %dma_wait3A_374] : memref<4x4096xf32, #tpu.memory_space<vmem>> -> memref<1x4096xf32, #tpu.memory_space<vmem>>
        %dma_wait3A_376 = tpu.memref_squeeze %dma_wait3A_375 : memref<1x4096xf32, #tpu.memory_space<vmem>> -> memref<4096xf32, #tpu.memory_space<vmem>>
        %dma_wait3A_377 = arith.constant 0 : i32
        %dma_wait3A_378 = tpu.memref_slice %arg4[%run_scoped3A_358, %dma_wait3A_377] : memref<4x2097152xf32, #tpu.memory_space<hbm>> -> memref<1x2097152xf32, #tpu.memory_space<hbm>>
        %dma_wait3A_379 = tpu.memref_squeeze %dma_wait3A_378 : memref<1x2097152xf32, #tpu.memory_space<hbm>> -> memref<2097152xf32, #tpu.memory_space<hbm>>
        %dma_wait3A_380 = tpu.memref_slice %dma_wait3A_379[%add3A_11] : memref<2097152xf32, #tpu.memory_space<hbm>> -> memref<4096xf32, #tpu.memory_space<hbm>>
        %dma_wait3A_381 = arith.constant 0 : i32
        %dma_wait3A_382 = tpu.memref_slice %arg4[%run_scoped3A_358, %dma_wait3A_381] : memref<4x2097152xf32, #tpu.memory_space<hbm>> -> memref<1x2097152xf32, #tpu.memory_space<hbm>>
        %dma_wait3A_383 = tpu.memref_squeeze %dma_wait3A_382 : memref<1x2097152xf32, #tpu.memory_space<hbm>> -> memref<2097152xf32, #tpu.memory_space<hbm>>
        %dma_wait3A_384 = tpu.memref_slice %dma_wait3A_383[%add3A_11] : memref<2097152xf32, #tpu.memory_space<hbm>> -> memref<4096xf32, #tpu.memory_space<hbm>>
        %dma_wait3A_385 = arith.constant 0 : i32
        %dma_wait3A_386 = tpu.memref_slice %arg5[%run_scoped3A_357, %dma_wait3A_385] : memref<4x4096xf32, #tpu.memory_space<vmem>> -> memref<1x4096xf32, #tpu.memory_space<vmem>>
        %dma_wait3A_387 = tpu.memref_squeeze %dma_wait3A_386 : memref<1x4096xf32, #tpu.memory_space<vmem>> -> memref<4096xf32, #tpu.memory_space<vmem>>
        tpu.wait_dma2 semaphore(%run_scoped3A_359 : memref<!tpu.dma_semaphore, #tpu.memory_space<semaphore_mem>>) src(%dma_wait3A_387 : memref<4096xf32, #tpu.memory_space<vmem>>) dst(%dma_wait3A_384 : memref<4096xf32, #tpu.memory_space<hbm>>)
        tpu.yield
      }) : () -> ()
    }
    %scan3A_7 = arith.constant 16 : i32
    return
  }
}

</mosaic_0001>

<sc_bundles>
// kernel: _interleave.4.cloned.1.call-start
scs
__scs_entry_jumppad:
0x0: {  	(pc) =	sbr.rel $0x88, $3  }
0x1: {  	(tag) =	ssettag $0x0;
	lr =	simm.s32 $0x1  }
0x2: {  	[smem:$0x3F9F] =	sst lr;
	_ =	strace $0xD0000000  }
0x3: {  	_ = 	snop  }
0x4: {  	_ = 	snop  }
0x5: {  	_ = 	snop  }
0x6: {  	_ = 	snop  }
0x7: {  	_ = 	snop  }
__scs_overlays_trampoline_lowered:
0x8: {  	[smem:$0x3FAE] =	sst s0  }
0x9: {  	[smem:$0x3FAF] =	sst s1  }
0xa: {  	[smem:$0x3FB0] =	sst s2  }
0xb: {  	[smem:$0x3FB1] =	sst s3  }
0xc: {  	[smem:$0x3FB2] =	sst s4  }
0xd: {  	[smem:$0x3FB3] =	sst s5  }
0xe: {  	[smem:$0x3FB4] =	sst s6  }
0xf: {  	[smem:$0x3FB5] =	sst s7  }
0x10: {  	[smem:$0x3FB6] =	sst s8  }
0x11: {  	[smem:$0x3FB7] =	sst s9;
	s0 =	simm.s32 @!p0 $0x0  }
0x12: {  	s1 =	sld [smem:$0x3F9D];
	s0 =	simm.s32 @p0 $0x1  }
0x13: {  	[smem:$0x3FB8] =	sst s0;
	s0 =	simm.s32 @!p1 $0x0  }
0x14: {  	s2 =	sld [smem:$0x3F9C];
	s0 =	simm.s32 @p1 $0x1  }
0x15: {  	[smem:$0x3FB9] =	sst s0;
	s0 =	simm.s32 @!p2 $0x0  }
0x16: {  	s3 =	sld [smem:$0x3FDB];
	s0 =	simm.s32 @p2 $0x1  }
0x17: {  	s4 =	simm.s32 $0x1BF5;
	[smem:$0x3FBB] =	sst s0  }
0x18: {  	s0 =	sld [smem:$0x3F9E];
	_ =	swait.ge [sflag:s4], $0x0  }
0x19: {  	s7 =	sld [smem:$0x3F9F]  }
0x1a: {  	s8 =	sadd.s32 $0xFFFFE003, lr  }
0x1b: {  	s9 =	sadd.s32 $0xFFFFFEF7, lr;
	s5 =	simm.s32 $0xFFFFFFFF;
	p2 =	slt.u32 s8, $0xFFFFF086  }
0x1c: {  	p1 =	slt.u32 s9, $0xF7A;
	s5 =	simm.s32 @!p2 $0x0  }
0x1d: {  	s5 =	simm.s32 @p1 $0x1;
	p0 =	seq.s32 s7, s2  }
0x1e: {  	s7 =	smul.u32 @!p0 $0xF7A, s2;
	p2 =	seq.s32 @!p0 s5, $0x0  }
0x1f: {  	s9 =	smul.u32 $0xF7A, s1;
	s8 =	simm.s32 @!p0 $0x1BF5;
	p2 =	por !p2, p0  }
0x20: {  	[sflag:s8] =	ssyncset.s32 @!p0 $0xFFFFF086;
	s6 =	sadd.s32 @!p0 s3, s7;
	s7 =	simm.s32 @!p0 $0x108  }
0x21: {  	s3 =	sadd.s32 s3, s9;
	s6 =	sadd.s32 @!p0 $0x88, s6;
	s7 =	simm.s32 @p2 $0x1082  }
0x22: {  	[simem:s7], [sflag:s8] =	dma.local @!p0 [hbm:s6], $0xF7A  }
0x23: {  	s9 =	sor.u32 $0xD0000000, s2;
	s6 =	simm.s32 $0x108;
	_ =	swait.ge @!p0 [sflag:s8], $0x0  }
0x24: {  	s3 =	sadd.s32 $0x88, s3;
	s6 =	simm.s32 @!p1 $0x1082;
	[sflag:s4] =	ssyncset.s32 $0xFFFFF086  }
0x25: {  	[simem:s6], [sflag:s4] =	dma.local [hbm:s3], $0xF7A  }
0x26: {  	[smem:$0x3F9F] =	sst s1;
	(tag) =	ssettag s2;
	_ =	strace s9  }
0x27: {  	s1 =	sld [smem:$0x3FAF]  }
0x28: {  	s2 =	sld [smem:$0x3FB0]  }
0x29: {  	s4 =	sld [smem:$0x3FB2]  }
0x2a: {  	p0 =	seq.s32 s5, $0x0;
	s5 =	sld [smem:$0x3FB3]  }
0x2b: {  	s6 =	sld [smem:$0x3FB4]  }
0x2c: {  	s7 =	sld [smem:$0x3FB5]  }
0x2d: {  	s3 =	simm.s32 $0x108;
	s8 =	sld [smem:$0x3FB6]  }
0x2e: {  	s3 =	simm.s32 @!p0 $0x1082;
	s9 =	sld [smem:$0x3FB7]  }
0x2f: {  	lr =	sadd.s32 s0, s3;
	s0 =	sld [smem:$0x3FAE]  }
0x30: {  	s3 =	sld [smem:$0x3FB1]  }
0x31: {  	[smem:$0x3FBA] =	sst s10  }
0x32: {  	s10 =	sld [smem:$0x3FB8];
	_ =	sdelay $0x3  }
0x33: {  	p0 =	seq.s32 s10, $0x1;
	s10 =	sld [smem:$0x3FBA];
	_ =	sdelay $0x3  }
0x34: {  	[smem:$0x3FBA] =	sst s10  }
0x35: {  	s10 =	sld [smem:$0x3FB9];
	_ =	sdelay $0x3  }
0x36: {  	p1 =	seq.s32 s10, $0x1;
	s10 =	sld [smem:$0x3FBA];
	_ =	sdelay $0x3  }
0x37: {  	[smem:$0x3FBA] =	sst s10  }
0x38: {  	s10 =	sld [smem:$0x3FBB]  }
0x39: {  	_ = 	snop;
	(pc) =	sbr.ind lr, $3  }
0x3a: {  	_ = 	snop  }
0x3b: {  	_ = 	snop  }
0x3c: {  	p2 =	seq.s32 s10, $0x1;
	s10 =	sld [smem:$0x3FBA]  }
0x3d: {  	_ =	shalt  }
0x3e: {  	_ =	shalt  }
0x3f: {  	_ =	shalt  }
0x40: {  	_ =	shalt  }
0x41: {  	_ =	shalt  }
0x42: {  	_ =	shalt  }
0x43: {  	_ =	shalt  }
0x44: {  	_ =	shalt  }
0x45: {  	_ =	shalt  }
0x46: {  	_ =	shalt  }
0x47: {  	_ =	shalt  }
0x48: {  	_ =	shalt  }
0x49: {  	_ =	shalt  }
0x4a: {  	_ =	shalt  }
0x4b: {  	_ =	shalt  }
0x4c: {  	_ =	shalt  }
0x4d: {  	_ =	shalt  }
0x4e: {  	_ =	shalt  }
0x4f: {  	_ =	shalt  }
0x50: {  	_ =	shalt  }
0x51: {  	_ =	shalt  }
0x52: {  	_ =	shalt  }
0x53: {  	_ =	shalt  }
0x54: {  	_ =	shalt  }
0x55: {  	_ =	shalt  }
0x56: {  	_ =	shalt  }
0x57: {  	_ =	shalt  }
0x58: {  	_ =	shalt  }
0x59: {  	_ =	shalt  }
0x5a: {  	_ =	shalt  }
0x5b: {  	_ =	shalt  }
0x5c: {  	_ =	shalt  }
0x5d: {  	_ =	shalt  }
0x5e: {  	_ =	shalt  }
0x5f: {  	_ =	shalt  }
0x60: {  	_ =	shalt  }
0x61: {  	_ =	shalt  }
0x62: {  	_ =	shalt  }
0x63: {  	_ =	shalt  }
0x64: {  	_ =	shalt  }
0x65: {  	_ =	shalt  }
0x66: {  	_ =	shalt  }
0x67: {  	_ =	shalt  }
0x68: {  	_ =	shalt  }
0x69: {  	_ =	shalt  }
0x6a: {  	_ =	shalt  }
0x6b: {  	_ =	shalt  }
0x6c: {  	_ =	shalt  }
0x6d: {  	_ =	shalt  }
0x6e: {  	_ =	shalt  }
0x6f: {  	_ =	shalt  }
0x70: {  	_ =	shalt  }
0x71: {  	_ =	shalt  }
0x72: {  	_ =	shalt  }
0x73: {  	_ =	shalt  }
0x74: {  	_ =	shalt  }
0x75: {  	_ =	shalt  }
0x76: {  	_ =	shalt  }
0x77: {  	_ =	shalt  }
0x78: {  	_ =	shalt  }
0x79: {  	_ =	shalt  }
0x7a: {  	_ =	shalt  }
0x7b: {  	_ =	shalt  }
0x7c: {  	_ =	shalt  }
0x7d: {  	_ =	shalt  }
0x7e: {  	_ =	shalt  }
0x7f: {  	_ =	shalt  }
0x80: {  	_ =	shalt  }
0x81: {  	_ =	shalt  }
0x82: {  	_ =	shalt  }
0x83: {  	_ =	shalt  }
0x84: {  	_ =	shalt  }
0x85: {  	_ =	shalt  }
0x86: {  	_ =	shalt  }
0x87: {  	_ =	shalt  }
.Lfunc_end0:
.L_simem_size_0:
called_computation.1_lowered:
.L_overlay_start_0:
0x88: {  	s2 =	sld [smem:$0x3FD9]  }
0x89: {  	s3 =	sld [smem:$0x3FFE];
	_ =	sdelay $0x1  }
0x8a: {  	s1 =	srdreg.scid  }
0x8b: {  	s0 =	sand.u32 $0x1, s1  }
0x8c: {  	s14 =	sshll.u32 s0, $0xA;
	s2 =	sadd.s32 s3, s2  }
0x8d: {  	s2 =	sadd.s32 s2, s14  }
0x8e: {  	[smem:$0x3FC6] =	sst s2  }
0x8f: {  	_ = 	snop  }
0x90: {  	s2 =	sld [smem:$0x3FD0];
	_ =	sdelay $0x2  }
0x91: {  	s15 =	simm.s32 $0xA;
	s4 =	simm.s32 $0x10  }
0x92: {  	[smem:s4], [sflag:s15] =	dma.local [hbm:s2], $0x1  }
0x93: {  	_ =	swait.eq [sflag:s15], $0x1  }
0x94: {  	[sflag:s15] =	ssyncset.done $0x0  }
0x95: {  	[sflag:s15] =	ssyncadd.s32 $0xFFFFFFFF  }
0x96: {  	s16 =	sld [smem:$0x11];
	(tm) =	ssettm $0x1  }
0x97: {  	s17 =	sld [smem:$0x3FFB];
	_ =	sdelay $0x3  }
0x98: {  	_ =	strace s17  }
0x99: {  	s3 =	sld [smem:$0x3FFC];
	_ =	sdelay $0x3  }
0x9a: {  	_ =	strace s3  }
0x9b: {  	s3 =	sld [smem:$0x3FFD];
	_ =	sdelay $0x3  }
0x9c: {  	_ =	strace s3  }
0x9d: {  	_ =	strace $0x8FFFFFFF  }
0x9e: {  	s18 =	sld [smem:$0x3FDB];
	_ =	sdelay $0x1  }
0x9f: {  	s19 =	simm.s32 $_scs_section_size  }
0xa0: {  	s5 =	simm.s32 $_size__tile_overlayer_lowered;
	s6 =	simm.s32 $_tile_overlayer_lowered  }
0xa1: {  	s22 =	simm.s32 $0x1BFF;
	s21 =	sshll.u32 s6, $0x1;
	s3 =	sadd.s32 s19, s18  }
0xa2: {  	s7 =	simm.s32 $0x0;
	s20 =	sshll.u32 s5, $0x1;
	s5 =	sadd.s32 s21, s3  }
0xa3: {  	[timem:s7], [sflag:s22] =	dma.local [hbm:s5], s20  }
0xa4: {  	_ =	swait.ge [sflag:s22], s20  }
0xa5: {  	s4 =	ssub.s32 $0x0, s20;
	[sflag:s22] =	ssyncset.done $0x0  }
0xa6: {  	[sflag:s22] =	ssyncadd.s32 s4;
	_ =	sdelay $0x1  }
0xa7: {  	s23 =	simm.s32 $0x1B8B  }
0xa8: {  	_ =	swait.ge [sflag:s23], $0x1  }
0xa9: {  	[sflag:s23] =	ssyncset.done $0x0  }
0xaa: {  	s25 =	simm.s32 $0x1B8E;
	s24 =	sld [smem:$0x3FFE];
	[sflag:s23] =	ssyncadd.s32 $0xFFFFFFFF  }
0xab: {  	s26 =	simm.s32 $execute0_lowered;
	[smem:$0x3FD2] =	sst s25  }
0xac: {  	s5 =	sshll.u32 s26, $0x1;
	_ =	strace $0x80000049;
	[dreg:$0x1] =	wrdreg $0xFFFFFFFF  }
0xad: {  	s28 =	simm.s32 $_size_execute0_lowered;
	s3 =	sadd.s32 s3, s5;
	[dreg:$0x0] =	wrdreg $0x0  }
0xae: {  	s5 =	sshll.u32 s28, $0x1;
	[dreg:$0x2] =	wrdreg s3  }
0xaf: {  	[dreg:$0x3] =	wrdreg s5  }
0xb0: {  	[dreg:$0x4] =	wrdreg $0xC0  }
0xb1: {  	_ =	task [dreg:s7], $0x5FFFF  }
0xb2: {  	[dreg:$0x1] =	wrdreg $0xFFFFFFFF  }
0xb3: {  	[dreg:$0x0] =	wrdreg $0x60  }
0xb4: {  	[dreg:$0x2] =	wrdreg s16  }
0xb5: {  	[dreg:$0x3] =	wrdreg s24  }
0xb6: {  	[dreg:$0x4] =	wrdreg $0x9  }
0xb7: {  	_ =	task.clear_ibuf [dreg:s7], $0x5FFFF;
	_ =	strace $0x90000049  }
0xb8: {  	s29 =	simm.s32 $0x9;
	_ =	strace $0x8000004B  }
0xb9: {  	_ =	swait.ge [sflag:s29], $0x1  }
0xba: {  	[sflag:s29] =	ssyncadd.s32 $0xFFFFFFFF  }
0xbb: {  	_ =	strace $0x9000004B  }
0xbc: {  	_ =	sfence  }
0xbd: {  	s30 =	sld [smem:$0x0];
	_ =	sdelay $0x2  }
0xbe: {  	s31 =	sshll.u32 s1, $0xD;
	s1 =	sshrl.u32 s1, $0x2  }
0xbf: {  	s3 =	sand.u32 $0x4000, s31;
	s1 =	sadd.s32 s1, s30  }
0xc0: {  	s0 =	sor.u32 s3, s0;
	s1 =	sshll.u32 s1, $0x11  }
0xc1: {  	s0 =	sor.u32 s1, s0  }
0xc2: {  	s0 =	sadd.s32 $0x8F2B, s0  }
0xc3: {  	[sflag:s0] =	ssyncadd.remote.s32 $0x1  }
0xc4: {  	_ =	sfence.sel $0xFFFF  }
0xc5: {  	[dreg:$0x0] =	wrdreg $0xFFFFFFFF;
	(pc) =	sbr.abs _section_cstart, $3  }
0xc6: {  	[dreg:$0x1] =	wrdreg $0xFFFFFFFF  }
0xc7: {  	_ =	task.clear_ibuf [dreg:s7], $0x2FFFF;
	_ =	strace $0x9FFFFFFF  }
0xc8: {  	(tm) =	ssettm $0x7FFFFFFF  }
0xc9: {  	_ =	shalt  }
tec
execute0_lowered:
.L_overlay_start_1:
0x0: {  	(tag) =	ssettag $0x1  }
0x1: {  	s1 =	rddreg [dreg:$0x0]  }
0x2: {  	s12 =	rddreg [dreg:$0x1]  }
0x3: {  	s2 =	simm.s32 $0x0;
	s3 =	srdreg.scid;
	s0 =	stileid.u32  }
0x4: {  	s14 =	simm.s32 $0x1000;
	s15 =	simm.s32 $0x3000;
	s16 =	simm.s32 $0x800  }
0x5: {  	s17 =	simm.s32 $0x1800;
	s18 =	simm.s32 $0x2800;
	s19 =	simm.s32 $0x3800  }
0x6: {  	s20 =	simm.s32 $0x1;
	s21 =	simm.s32 $0x4000;
	s22 =	simm.s32 $0x2  }
0x7: {  	s23 =	simm.s32 $0x3;
	s24 =	simm.s32 $0x2000;
	s25 =	simm.s32 $0x0  }
0x8: {  	[smem:$0x7FF] =	sst s2;
	s4 =	sadd.s32 $0x101400, s12;
	s6 =	sand.u32 $0x1, s3  }
0x9: {  	s5 =	sadd.s32 $0x1400, s12;
	s9 =	sshll.u32 s0, $0x11;
	s10 =	sadd.s32 $0x41400, s12  }
0xa: {  	s11 =	sadd.s32 $0x81400, s12;
	s12 =	sadd.s32 $0xC1400, s12;
	s7 =	ssub.s32 $0x2, s6  }
0xb: {  	_ =	strace $0x8000004A;
	s6 =	sshll.u32 s6, $0x10;
	s8 =	sshrl.u32 s7, $0x1  }
0xc: {  	v0 =	vlaneseq.u32;
	s6 =	sor.u32 s6, s9;
	s9 =	sadd.s32 $0xC0000, s1;
	s13 =	ssub.s32 s7, s8  }
0xd: {  	v0 =	vmul.u32 $0x8, v0;
	s7 =	sadd.s32 $0x40000, s1;
	s8 =	sadd.s32 $0x80000, s1;
	s13 =	smax.u32 s13, $0x1  }
.LBB2_1:
0xe: {  	s26 =	simm.s32 $0x0  }
.LBB2_2:
0xf: {  	s28 =	sshll.u32 s26, $0xC  }
0x10: {  	s29 =	sadd.s32 s6, s28  }
0x11: {  	s28 =	sshrl.u32 s29, $0x3  }
0x12: {  	s31 =	simm.s32 $0x0;
	s30 =	sadd.s32 s1, s28  }
0x13: {  	[tilespmem:s31], [sflag:$0x1] =	stream.linear.gather [hbm4b:s30+s31], $0x800, $0x38;
	[tilespmem:$0xC000] =	vst v63  }
0x14: {  	s30 =	sadd.s32 s28, s7  }
0x15: {  	[tilespmem:s14], [sflag:$0x1] =	stream.linear.gather [hbm4b:s30+s31], $0x800, $0x38;
	[tilespmem:$0xC000] =	vst v63  }
0x16: {  	s0 =	sadd.s32 s28, s8;
	s30 =	simm.s32 $0x2000  }
0x17: {  	[tilespmem:s30], [sflag:$0x1] =	stream.linear.gather [hbm4b:s0+s31], $0x800, $0x38;
	[tilespmem:$0xC000] =	vst v63  }
0x18: {  	s3 =	sadd.s32 s28, s9;
	s0 =	sor.u32 $0x100, s28  }
0x19: {  	[tilespmem:s15], [sflag:$0x1] =	stream.linear.gather [hbm4b:s3+s31], $0x800, $0x38;
	[tilespmem:$0xC000] =	vst v63  }
0x1a: {  	s3 =	sadd.s32 s1, s0  }
0x1b: {  	[tilespmem:s16], [sflag:$0x2] =	stream.linear.gather [hbm4b:s3+s31], $0x800, $0x38;
	[tilespmem:$0xC000] =	vst v63  }
0x1c: {  	s3 =	sadd.s32 s0, s7  }
0x1d: {  	[tilespmem:s17], [sflag:$0x2] =	stream.linear.gather [hbm4b:s3+s31], $0x800, $0x38;
	[tilespmem:$0xC000] =	vst v63  }
0x1e: {  	s3 =	sadd.s32 s0, s8  }
0x1f: {  	[tilespmem:s18], [sflag:$0x2] =	stream.linear.gather [hbm4b:s3+s31], $0x800, $0x38;
	[tilespmem:$0xC000] =	vst v63  }
0x20: {  	s0 =	sadd.s32 s0, s9  }
0x21: {  	[tilespmem:s19], [sflag:$0x2] =	stream.linear.gather [hbm4b:s0+s31], $0x800, $0x38;
	[tilespmem:$0xC000] =	vst v63  }
0x22: {  	_ =	swait.ge [sflag:s20], $0x800  }
0x23: {  	[sflag:s20] =	ssyncset.done $0x0  }
0x24: {  	[sflag:s20] =	ssyncadd.s32 $0xFFFFF800  }
0x25: {  	_ =	swait.ge [sflag:s20], $0x800  }
0x26: {  	[sflag:s20] =	ssyncset.done $0x0  }
0x27: {  	[sflag:s20] =	ssyncadd.s32 $0xFFFFF800  }
0x28: {  	_ =	swait.ge [sflag:s20], $0x800  }
0x29: {  	[sflag:s20] =	ssyncset.done $0x0  }
0x2a: {  	[sflag:s20] =	ssyncadd.s32 $0xFFFFF800  }
0x2b: {  	_ =	swait.ge [sflag:s20], $0x800  }
0x2c: {  	v1 =	vmov s31;
	[sflag:s20] =	ssyncset.done $0x0  }
0x2d: {  	v1 =	vshll.u32 v1, $0x3;
	[sflag:s20] =	ssyncadd.s32 $0xFFFFF800  }
0x2e: {  	v3 =	vor.u32 v0, v1;
	v2 =	vld [tilespmem:s30+$0xFFFFE000];
	_ =	sdelay $0x4  }
0x2f: {  	[tilespmem:v3+s21+$0x0] =	vst.idx.msk $0xffff, v2  }
0x30: {  	v2 =	vor.u32 $0x1, v3;
	v1 =	vld [tilespmem:s30+$0xFFFFF000];
	_ =	sdelay $0x4  }
0x31: {  	[tilespmem:v2+s21+$0x0] =	vst.idx.msk $0xffff, v1  }
0x32: {  	v2 =	vor.u32 $0x2, v3;
	v1 =	vld [tilespmem:s30+$0x0];
	_ =	sdelay $0x4  }
0x33: {  	[tilespmem:v2+s21+$0x0] =	vst.idx.msk $0xffff, v1  }
0x34: {  	v2 =	vor.u32 $0x3, v3;
	v1 =	vld [tilespmem:s30+$0x1000];
	_ =	sdelay $0x2  }
0x35: {  	s3 =	simm.s32 $0x10  }
0x36: {  	s31 =	simm.s32 $0x20;
	v3 =	vmov s3  }
.LBB2_3:
0x37: {  	p0 =	sne.s32 s31, $0x7F0;
	v3 =	vshll.u32 v3, $0x3;
	[tilespmem:v2+s21+$0x0] =	vst.idx.msk $0xffff, v1;
	s30 =	sadd.s32 $0x10, s30  }
0x38: {  	v1 =	vld [tilespmem:s30+$0xFFFFE000];
	v2 =	vor.u32 v0, v3;
	_ =	sdelay $0x4  }
0x39: {  	[tilespmem:v2+s21+$0x0] =	vst.idx.msk $0xffff, v1  }
0x3a: {  	v3 =	vor.u32 $0x1, v2;
	v1 =	vld [tilespmem:s30+$0xFFFFF000];
	_ =	sdelay $0x4  }
0x3b: {  	[tilespmem:v3+s21+$0x0] =	vst.idx.msk $0xffff, v1  }
0x3c: {  	v3 =	vor.u32 $0x2, v2;
	v1 =	vld [tilespmem:s30+$0x0];
	_ =	sdelay $0x4  }
0x3d: {  	[tilespmem:v3+s21+$0x0] =	vst.idx.msk $0xffff, v1  }
.Ltmp0:
0x3e: {  	v2 =	vor.u32 $0x3, v2;
	v1 =	vld [tilespmem:s30+$0x1000];
	(pc) =	sbr.rel @p0 .LBB2_3-.Ltmp0, $2  }
0x3f: {  	_ =	sdelay $0x2  }
0x40: {  	v3 =	vmov s31;
	s31 =	sadd.s32 $0x10, s31  }
0x41: {  	_ =	sdelay $0x3  }
0x42: {  	v3 =	vshll.u32 v3, $0x3;
	[tilespmem:v2+s21+$0x0] =	vst.idx.msk $0xffff, v1;
	s0 =	sadd.s32 $0x10, s30  }
0x43: {  	v1 =	vld [tilespmem:s0+$0xFFFFE000];
	v2 =	vor.u32 v0, v3;
	_ =	sdelay $0x4  }
0x44: {  	[tilespmem:v2+s21+$0x0] =	vst.idx.msk $0xffff, v1  }
0x45: {  	v3 =	vor.u32 $0x1, v2;
	v1 =	vld [tilespmem:s0+$0xFFFFF000];
	_ =	sdelay $0x4  }
0x46: {  	[tilespmem:v3+s21+$0x0] =	vst.idx.msk $0xffff, v1  }
0x47: {  	v3 =	vor.u32 $0x2, v2;
	v1 =	vld [tilespmem:s0+$0x0];
	_ =	sdelay $0x4  }
0x48: {  	[tilespmem:v3+s21+$0x0] =	vst.idx.msk $0xffff, v1  }
0x49: {  	v2 =	vor.u32 $0x3, v2;
	v1 =	vld [tilespmem:s0+$0x1000];
	_ =	sdelay $0x4  }
0x4a: {  	[tilespmem:v2+s21+$0x0] =	vst.idx.msk $0xffff, v1  }
0x4b: {  	_ =	swait.ge [sflag:s22], $0x800  }
0x4c: {  	[sflag:s22] =	ssyncset.done $0x0  }
0x4d: {  	[sflag:s22] =	ssyncadd.s32 $0xFFFFF800  }
0x4e: {  	_ =	swait.ge [sflag:s22], $0x800  }
0x4f: {  	[sflag:s22] =	ssyncset.done $0x0  }
0x50: {  	[sflag:s22] =	ssyncadd.s32 $0xFFFFF800  }
0x51: {  	_ =	swait.ge [sflag:s22], $0x800  }
0x52: {  	[sflag:s22] =	ssyncset.done $0x0  }
0x53: {  	[sflag:s22] =	ssyncadd.s32 $0xFFFFF800  }
0x54: {  	s3 =	simm.s32 $0x800;
	_ =	swait.ge [sflag:s22], $0x800  }
0x55: {  	v1 =	vmov s3;
	[sflag:s22] =	ssyncset.done $0x0  }
0x56: {  	s30 =	simm.s32 $0x2800;
	v1 =	vshll.u32 v1, $0x3;
	[sflag:s22] =	ssyncadd.s32 $0xFFFFF800  }
0x57: {  	v3 =	vor.u32 v0, v1;
	v2 =	vld [tilespmem:s30+$0xFFFFE000];
	_ =	sdelay $0x4  }
0x58: {  	[tilespmem:v3+s21+$0x0] =	vst.idx.msk $0xffff, v2  }
0x59: {  	v2 =	vor.u32 $0x1, v3;
	v1 =	vld [tilespmem:s30+$0xFFFFF000];
	_ =	sdelay $0x4  }
0x5a: {  	[tilespmem:v2+s21+$0x0] =	vst.idx.msk $0xffff, v1  }
0x5b: {  	v2 =	vor.u32 $0x2, v3;
	v1 =	vld [tilespmem:s30+$0x0];
	_ =	sdelay $0x4  }
0x5c: {  	[tilespmem:v2+s21+$0x0] =	vst.idx.msk $0xffff, v1  }
0x5d: {  	v2 =	vor.u32 $0x3, v3;
	v1 =	vld [tilespmem:s30+$0x1000];
	_ =	sdelay $0x2  }
0x5e: {  	s3 =	simm.s32 $0x810  }
0x5f: {  	s31 =	simm.s32 $0x820;
	v3 =	vmov s3  }
.LBB2_5:
0x60: {  	p0 =	sne.s32 s31, $0xFF0;
	v3 =	vshll.u32 v3, $0x3;
	[tilespmem:v2+s21+$0x0] =	vst.idx.msk $0xffff, v1;
	s30 =	sadd.s32 $0x10, s30  }
0x61: {  	v1 =	vld [tilespmem:s30+$0xFFFFE000];
	v2 =	vor.u32 v0, v3;
	_ =	sdelay $0x4  }
0x62: {  	[tilespmem:v2+s21+$0x0] =	vst.idx.msk $0xffff, v1  }
0x63: {  	v3 =	vor.u32 $0x1, v2;
	v1 =	vld [tilespmem:s30+$0xFFFFF000];
	_ =	sdelay $0x4  }
0x64: {  	[tilespmem:v3+s21+$0x0] =	vst.idx.msk $0xffff, v1  }
0x65: {  	v3 =	vor.u32 $0x2, v2;
	v1 =	vld [tilespmem:s30+$0x0];
	_ =	sdelay $0x4  }
0x66: {  	[tilespmem:v3+s21+$0x0] =	vst.idx.msk $0xffff, v1  }
.Ltmp1:
0x67: {  	v2 =	vor.u32 $0x3, v2;
	v1 =	vld [tilespmem:s30+$0x1000];
	(pc) =	sbr.rel @p0 .LBB2_5-.Ltmp1, $2  }
0x68: {  	_ =	sdelay $0x2  }
0x69: {  	v3 =	vmov s31;
	s31 =	sadd.s32 $0x10, s31  }
0x6a: {  	_ =	sdelay $0x3  }
0x6b: {  	v3 =	vshll.u32 v3, $0x3;
	[tilespmem:v2+s21+$0x0] =	vst.idx.msk $0xffff, v1;
	s0 =	sadd.s32 $0x10, s30  }
0x6c: {  	v1 =	vld [tilespmem:s0+$0xFFFFE000];
	v2 =	vor.u32 v0, v3;
	_ =	sdelay $0x4  }
0x6d: {  	[tilespmem:v2+s21+$0x0] =	vst.idx.msk $0xffff, v1  }
0x6e: {  	v3 =	vor.u32 $0x1, v2;
	v1 =	vld [tilespmem:s0+$0xFFFFF000];
	_ =	sdelay $0x4  }
0x6f: {  	[tilespmem:v3+s21+$0x0] =	vst.idx.msk $0xffff, v1  }
0x70: {  	v3 =	vor.u32 $0x2, v2;
	v1 =	vld [tilespmem:s0+$0x0];
	_ =	sdelay $0x4  }
0x71: {  	[tilespmem:v3+s21+$0x0] =	vst.idx.msk $0xffff, v1  }
0x72: {  	v2 =	vor.u32 $0x3, v2;
	v1 =	vld [tilespmem:s0+$0x1000];
	_ =	sdelay $0x4  }
0x73: {  	s31 =	sadd.s32 s4, s29;
	[tilespmem:v2+s21+$0x0] =	vst.idx.msk $0xffff, v1  }
0x74: {  	[hbm4b:s31+s2] =	stream.linear.scatter [tilespmem:s21], [sflag:$0x3], $0x8000, $0x38;
	[tilespmem:$0xC000] =	vst v63  }
0x75: {  	_ =	swait.ge [sflag:s23], $0x8000  }
0x76: {  	[sflag:s23] =	ssyncset.done $0x0  }
0x77: {  	s3 =	sadd.s32 s5, s28;
	[sflag:s23] =	ssyncadd.s32 $0xFFFF8000  }
0x78: {  	[hbm4b:s3+s2] =	stream.linear.scatter [tilespmem:s2], [sflag:$0x3], $0x1000, $0x38;
	[tilespmem:$0xC000] =	vst v63  }
0x79: {  	_ =	swait.ge [sflag:s23], $0x1000  }
0x7a: {  	[sflag:s23] =	ssyncset.done $0x0  }
0x7b: {  	s29 =	sadd.s32 s28, s10;
	[sflag:s23] =	ssyncadd.s32 $0xFFFFF000  }
0x7c: {  	[hbm4b:s29+s2] =	stream.linear.scatter [tilespmem:s14], [sflag:$0x3], $0x1000, $0x38;
	[tilespmem:$0xC000] =	vst v63  }
0x7d: {  	_ =	swait.ge [sflag:s23], $0x1000  }
0x7e: {  	[sflag:s23] =	ssyncset.done $0x0  }
0x7f: {  	s30 =	sadd.s32 s28, s11;
	[sflag:s23] =	ssyncadd.s32 $0xFFFFF000  }
0x80: {  	[hbm4b:s30+s2] =	stream.linear.scatter [tilespmem:s24], [sflag:$0x3], $0x1000, $0x38;
	[tilespmem:$0xC000] =	vst v63  }
0x81: {  	s26 =	sadd.s32 $0x1, s26;
	_ =	swait.ge [sflag:s23], $0x1000  }
0x82: {  	p0 =	sne.s32 s26, $0x10;
	[sflag:s23] =	ssyncset.done $0x0  }
.Ltmp2:
0x83: {  	s31 =	sadd.s32 s28, s12;
	[sflag:s23] =	ssyncadd.s32 $0xFFFFF000;
	(pc) =	sbr.rel @p0 .LBB2_2-.Ltmp2, $4  }
0x84: {  	[hbm4b:s31+s2] =	stream.linear.scatter [tilespmem:s15], [sflag:$0x3], $0x1000, $0x38;
	[tilespmem:$0xC000] =	vst v63  }
0x85: {  	_ =	swait.ge [sflag:s23], $0x1000  }
0x86: {  	[sflag:s23] =	ssyncset.done $0x0  }
0x87: {  	[sflag:s23] =	ssyncadd.s32 $0xFFFFF000  }
0x88: {  	s25 =	sadd.s32 $0x1, s25  }
0x89: {  	p0 =	sne.s32 s25, s13  }
.Ltmp3:
0x8a: {  	_ = 	snop;
	(pc) =	sbr.rel @p0 .LBB2_1-.Ltmp3, $1  }
0x8b: {  	_ =	sdelay $0x3  }
0x8c: {  	_ =	sfence.sel $0x180000  }
0x8d: {  	[bflag:$0x0] =	sbarrier.arrive $0xFFFF  }
0x8e: {  	_ =	strace $0x9000004A  }
0x8f: {  	s0 =	stileid.u32;
	[bflag:$0x2] =	sbarrier.arrive $0xFFFF  }
0x90: {  	p0 =	sne.s32 s0, $0x0;
	s0 =	rddreg [dreg:$0x2]  }
0x91: {  	s0 =	sadd.s32 @!p0 $0x100000, s0  }
0x92: {  	[sflag:s0] =	ssyncadd.tile.s32 @!p0 $0x1;
	_ =	shalt  }
.Lfunc_end2:
_tile_overlayer_lowered:
.L_overlay_start_2:
0x93: {  	(tag) =	ssettag $0x2  }
0x94: {  	s0 =	rddreg [dreg:$0x0];
	s2 =	stileid.u32  }
0x95: {  	s1 =	rddreg [dreg:$0x1];
	p0 =	sne.s32 s2, $0x0  }
0x96: {  	s3 =	rddreg [dreg:$0x2];
	[bflag:$0x3] =	sbarrier.arrive $0xFFFF;
	s2 =	simm.s32 @!p0 $0x1C03  }
0x97: {  	[timem:s3], [sflag:s2] =	dma.local @!p0 [hbm:s0], s1  }
0x98: {  	s0 =	simm.s32 @!p0 $0x3  }
0x99: {  	_ =	swait.ge @!p0 [sflag:s0], s1  }
0x9a: {  	s1 =	ssub.s32 @!p0 $0x0, s1;
	[sflag:s0] =	ssyncset.done @!p0 $0x0  }
0x9b: {  	[sflag:s0] =	ssyncadd.s32 @!p0 s1  }
0x9c: {  	[bflag:$0x3] =	sbarrier.arrive $0xFFFF  }
0x9d: {  	_ =	shalt  }

// kernel: _interleave.7.cloned.1.call-start
scs
__scs_entry_jumppad:
0x0: {  	(pc) =	sbr.rel $0x88, $3  }
0x1: {  	(tag) =	ssettag $0x0;
	lr =	simm.s32 $0x1  }
0x2: {  	[smem:$0x3F9F] =	sst lr;
	_ =	strace $0xD0000000  }
0x3: {  	_ = 	snop  }
0x4: {  	_ = 	snop  }
0x5: {  	_ = 	snop  }
0x6: {  	_ = 	snop  }
0x7: {  	_ = 	snop  }
__scs_overlays_trampoline_lowered:
0x8: {  	[smem:$0x3FAE] =	sst s0  }
0x9: {  	[smem:$0x3FAF] =	sst s1  }
0xa: {  	[smem:$0x3FB0] =	sst s2  }
0xb: {  	[smem:$0x3FB1] =	sst s3  }
0xc: {  	[smem:$0x3FB2] =	sst s4  }
0xd: {  	[smem:$0x3FB3] =	sst s5  }
0xe: {  	[smem:$0x3FB4] =	sst s6  }
0xf: {  	[smem:$0x3FB5] =	sst s7  }
0x10: {  	[smem:$0x3FB6] =	sst s8  }
0x11: {  	[smem:$0x3FB7] =	sst s9;
	s0 =	simm.s32 @!p0 $0x0  }
0x12: {  	s1 =	sld [smem:$0x3F9D];
	s0 =	simm.s32 @p0 $0x1  }
0x13: {  	[smem:$0x3FB8] =	sst s0;
	s0 =	simm.s32 @!p1 $0x0  }
0x14: {  	s2 =	sld [smem:$0x3F9C];
	s0 =	simm.s32 @p1 $0x1  }
0x15: {  	[smem:$0x3FB9] =	sst s0;
	s0 =	simm.s32 @!p2 $0x0  }
0x16: {  	s3 =	sld [smem:$0x3FDB];
	s0 =	simm.s32 @p2 $0x1  }
0x17: {  	s4 =	simm.s32 $0x1BF5;
	[smem:$0x3FBB] =	sst s0  }
0x18: {  	s0 =	sld [smem:$0x3F9E];
	_ =	swait.ge [sflag:s4], $0x0  }
0x19: {  	s7 =	sld [smem:$0x3F9F]  }
0x1a: {  	s8 =	sadd.s32 $0xFFFFE003, lr  }
0x1b: {  	s9 =	sadd.s32 $0xFFFFFEF7, lr;
	s5 =	simm.s32 $0xFFFFFFFF;
	p2 =	slt.u32 s8, $0xFFFFF086  }
0x1c: {  	p1 =	slt.u32 s9, $0xF7A;
	s5 =	simm.s32 @!p2 $0x0  }
0x1d: {  	s5 =	simm.s32 @p1 $0x1;
	p0 =	seq.s32 s7, s2  }
0x1e: {  	s7 =	smul.u32 @!p0 $0xF7A, s2;
	p2 =	seq.s32 @!p0 s5, $0x0  }
0x1f: {  	s9 =	smul.u32 $0xF7A, s1;
	s8 =	simm.s32 @!p0 $0x1BF5;
	p2 =	por !p2, p0  }
0x20: {  	[sflag:s8] =	ssyncset.s32 @!p0 $0xFFFFF086;
	s6 =	sadd.s32 @!p0 s3, s7;
	s7 =	simm.s32 @!p0 $0x108  }
0x21: {  	s3 =	sadd.s32 s3, s9;
	s6 =	sadd.s32 @!p0 $0x88, s6;
	s7 =	simm.s32 @p2 $0x1082  }
0x22: {  	[simem:s7], [sflag:s8] =	dma.local @!p0 [hbm:s6], $0xF7A  }
0x23: {  	s9 =	sor.u32 $0xD0000000, s2;
	s6 =	simm.s32 $0x108;
	_ =	swait.ge @!p0 [sflag:s8], $0x0  }
0x24: {  	s3 =	sadd.s32 $0x88, s3;
	s6 =	simm.s32 @!p1 $0x1082;
	[sflag:s4] =	ssyncset.s32 $0xFFFFF086  }
0x25: {  	[simem:s6], [sflag:s4] =	dma.local [hbm:s3], $0xF7A  }
0x26: {  	[smem:$0x3F9F] =	sst s1;
	(tag) =	ssettag s2;
	_ =	strace s9  }
0x27: {  	s1 =	sld [smem:$0x3FAF]  }
0x28: {  	s2 =	sld [smem:$0x3FB0]  }
0x29: {  	s4 =	sld [smem:$0x3FB2]  }
0x2a: {  	p0 =	seq.s32 s5, $0x0;
	s5 =	sld [smem:$0x3FB3]  }
0x2b: {  	s6 =	sld [smem:$0x3FB4]  }
0x2c: {  	s7 =	sld [smem:$0x3FB5]  }
0x2d: {  	s3 =	simm.s32 $0x108;
	s8 =	sld [smem:$0x3FB6]  }
0x2e: {  	s3 =	simm.s32 @!p0 $0x1082;
	s9 =	sld [smem:$0x3FB7]  }
0x2f: {  	lr =	sadd.s32 s0, s3;
	s0 =	sld [smem:$0x3FAE]  }
0x30: {  	s3 =	sld [smem:$0x3FB1]  }
0x31: {  	[smem:$0x3FBA] =	sst s10  }
0x32: {  	s10 =	sld [smem:$0x3FB8];
	_ =	sdelay $0x3  }
0x33: {  	p0 =	seq.s32 s10, $0x1;
	s10 =	sld [smem:$0x3FBA];
	_ =	sdelay $0x3  }
0x34: {  	[smem:$0x3FBA] =	sst s10  }
0x35: {  	s10 =	sld [smem:$0x3FB9];
	_ =	sdelay $0x3  }
0x36: {  	p1 =	seq.s32 s10, $0x1;
	s10 =	sld [smem:$0x3FBA];
	_ =	sdelay $0x3  }
0x37: {  	[smem:$0x3FBA] =	sst s10  }
0x38: {  	s10 =	sld [smem:$0x3FBB]  }
0x39: {  	_ = 	snop;
	(pc) =	sbr.ind lr, $3  }
0x3a: {  	_ = 	snop  }
0x3b: {  	_ = 	snop  }
0x3c: {  	p2 =	seq.s32 s10, $0x1;
	s10 =	sld [smem:$0x3FBA]  }
0x3d: {  	_ =	shalt  }
0x3e: {  	_ =	shalt  }
0x3f: {  	_ =	shalt  }
0x40: {  	_ =	shalt  }
0x41: {  	_ =	shalt  }
0x42: {  	_ =	shalt  }
0x43: {  	_ =	shalt  }
0x44: {  	_ =	shalt  }
0x45: {  	_ =	shalt  }
0x46: {  	_ =	shalt  }
0x47: {  	_ =	shalt  }
0x48: {  	_ =	shalt  }
0x49: {  	_ =	shalt  }
0x4a: {  	_ =	shalt  }
0x4b: {  	_ =	shalt  }
0x4c: {  	_ =	shalt  }
0x4d: {  	_ =	shalt  }
0x4e: {  	_ =	shalt  }
0x4f: {  	_ =	shalt  }
0x50: {  	_ =	shalt  }
0x51: {  	_ =	shalt  }
0x52: {  	_ =	shalt  }
0x53: {  	_ =	shalt  }
0x54: {  	_ =	shalt  }
0x55: {  	_ =	shalt  }
0x56: {  	_ =	shalt  }
0x57: {  	_ =	shalt  }
0x58: {  	_ =	shalt  }
0x59: {  	_ =	shalt  }
0x5a: {  	_ =	shalt  }
0x5b: {  	_ =	shalt  }
0x5c: {  	_ =	shalt  }
0x5d: {  	_ =	shalt  }
0x5e: {  	_ =	shalt  }
0x5f: {  	_ =	shalt  }
0x60: {  	_ =	shalt  }
0x61: {  	_ =	shalt  }
0x62: {  	_ =	shalt  }
0x63: {  	_ =	shalt  }
0x64: {  	_ =	shalt  }
0x65: {  	_ =	shalt  }
0x66: {  	_ =	shalt  }
0x67: {  	_ =	shalt  }
0x68: {  	_ =	shalt  }
0x69: {  	_ =	shalt  }
0x6a: {  	_ =	shalt  }
0x6b: {  	_ =	shalt  }
0x6c: {  	_ =	shalt  }
0x6d: {  	_ =	shalt  }
0x6e: {  	_ =	shalt  }
0x6f: {  	_ =	shalt  }
0x70: {  	_ =	shalt  }
0x71: {  	_ =	shalt  }
0x72: {  	_ =	shalt  }
0x73: {  	_ =	shalt  }
0x74: {  	_ =	shalt  }
0x75: {  	_ =	shalt  }
0x76: {  	_ =	shalt  }
0x77: {  	_ =	shalt  }
0x78: {  	_ =	shalt  }
0x79: {  	_ =	shalt  }
0x7a: {  	_ =	shalt  }
0x7b: {  	_ =	shalt  }
0x7c: {  	_ =	shalt  }
0x7d: {  	_ =	shalt  }
0x7e: {  	_ =	shalt  }
0x7f: {  	_ =	shalt  }
0x80: {  	_ =	shalt  }
0x81: {  	_ =	shalt  }
0x82: {  	_ =	shalt  }
0x83: {  	_ =	shalt  }
0x84: {  	_ =	shalt  }
0x85: {  	_ =	shalt  }
0x86: {  	_ =	shalt  }
0x87: {  	_ =	shalt  }
.Lfunc_end0:
.L_simem_size_0:
called_computation.2_lowered:
.L_overlay_start_0:
0x88: {  	s2 =	sld [smem:$0x3FD9]  }
0x89: {  	s3 =	sld [smem:$0x3FFE];
	_ =	sdelay $0x1  }
0x8a: {  	s1 =	srdreg.scid  }
0x8b: {  	s0 =	sand.u32 $0x1, s1  }
0x8c: {  	s17 =	sshll.u32 s0, $0xA;
	s2 =	sadd.s32 s3, s2  }
0x8d: {  	s2 =	sadd.s32 s2, s17  }
0x8e: {  	[smem:$0x3FC6] =	sst s2  }
0x8f: {  	_ = 	snop  }
0x90: {  	s2 =	sld [smem:$0x3FC8];
	(tm) =	ssettm $0x1  }
0x91: {  	s18 =	sld [smem:$0x3FFB];
	_ =	sdelay $0x3  }
0x92: {  	_ =	strace s18  }
0x93: {  	s3 =	sld [smem:$0x3FFC];
	_ =	sdelay $0x3  }
0x94: {  	_ =	strace s3  }
0x95: {  	s3 =	sld [smem:$0x3FFD];
	_ =	sdelay $0x3  }
0x96: {  	_ =	strace s3  }
0x97: {  	_ =	strace $0x8FFFFFFF  }
0x98: {  	s19 =	sld [smem:$0x3FDB];
	_ =	sdelay $0x1  }
0x99: {  	s4 =	simm.s32 $_scs_section_size  }
0x9a: {  	s5 =	simm.s32 $_size__tile_overlayer_lowered;
	s6 =	simm.s32 $_tile_overlayer_lowered  }
0x9b: {  	s22 =	simm.s32 $0x1BFF;
	s21 =	sshll.u32 s6, $0x1;
	s3 =	sadd.s32 s4, s19  }
0x9c: {  	s7 =	simm.s32 $0x0;
	s20 =	sshll.u32 s5, $0x1;
	s5 =	sadd.s32 s21, s3  }
0x9d: {  	[timem:s7], [sflag:s22] =	dma.local [hbm:s5], s20  }
0x9e: {  	_ =	swait.ge [sflag:s22], s20  }
0x9f: {  	s4 =	ssub.s32 $0x0, s20;
	[sflag:s22] =	ssyncset.done $0x0  }
0xa0: {  	[sflag:s22] =	ssyncadd.s32 s4;
	_ =	sdelay $0x1  }
0xa1: {  	s23 =	simm.s32 $0x1B8B  }
0xa2: {  	_ =	swait.ge [sflag:s23], $0x1  }
0xa3: {  	[sflag:s23] =	ssyncset.done $0x0  }
0xa4: {  	s25 =	simm.s32 $0x1B8E;
	s24 =	sld [smem:$0x3FFE];
	[sflag:s23] =	ssyncadd.s32 $0xFFFFFFFF  }
0xa5: {  	s26 =	simm.s32 $execute0_lowered;
	[smem:$0x3FD2] =	sst s25  }
0xa6: {  	s5 =	sshll.u32 s26, $0x1;
	_ =	strace $0x8000004C;
	[dreg:$0x1] =	wrdreg $0xFFFFFFFF  }
0xa7: {  	s28 =	simm.s32 $_size_execute0_lowered;
	s3 =	sadd.s32 s3, s5;
	[dreg:$0x0] =	wrdreg $0x0  }
0xa8: {  	s5 =	sshll.u32 s28, $0x1;
	[dreg:$0x2] =	wrdreg s3  }
0xa9: {  	[dreg:$0x3] =	wrdreg s5  }
0xaa: {  	[dreg:$0x4] =	wrdreg $0xC0  }
0xab: {  	_ =	task [dreg:s7], $0x5FFFF  }
0xac: {  	[dreg:$0x1] =	wrdreg $0xFFFFFFFF  }
0xad: {  	[dreg:$0x0] =	wrdreg $0x60  }
0xae: {  	[dreg:$0x2] =	wrdreg s24  }
0xaf: {  	[dreg:$0x3] =	wrdreg s2  }
0xb0: {  	[dreg:$0x4] =	wrdreg $0x9  }
0xb1: {  	_ =	task.clear_ibuf [dreg:s7], $0x5FFFF;
	_ =	strace $0x9000004C  }
0xb2: {  	s29 =	simm.s32 $0x9;
	_ =	strace $0x8000004E  }
0xb3: {  	_ =	swait.ge [sflag:s29], $0x1  }
0xb4: {  	[sflag:s29] =	ssyncadd.s32 $0xFFFFFFFF  }
0xb5: {  	_ =	strace $0x9000004E  }
0xb6: {  	_ =	sfence  }
0xb7: {  	s30 =	sld [smem:$0x0];
	_ =	sdelay $0x2  }
0xb8: {  	s31 =	sshll.u32 s1, $0xD;
	s1 =	sshrl.u32 s1, $0x2  }
0xb9: {  	s3 =	sand.u32 $0x4000, s31;
	s1 =	sadd.s32 s1, s30  }
0xba: {  	s0 =	sor.u32 s3, s0;
	s1 =	sshll.u32 s1, $0x11  }
0xbb: {  	s0 =	sor.u32 s1, s0  }
0xbc: {  	s0 =	sadd.s32 $0x8F2B, s0  }
0xbd: {  	[sflag:s0] =	ssyncadd.remote.s32 $0x1  }
0xbe: {  	_ =	sfence.sel $0xFFFF  }
0xbf: {  	[dreg:$0x0] =	wrdreg $0xFFFFFFFF;
	(pc) =	sbr.abs _section_cstart, $3  }
0xc0: {  	[dreg:$0x1] =	wrdreg $0xFFFFFFFF  }
0xc1: {  	_ =	task.clear_ibuf [dreg:s7], $0x2FFFF;
	_ =	strace $0x9FFFFFFF  }
0xc2: {  	(tm) =	ssettm $0x7FFFFFFF  }
0xc3: {  	_ =	shalt  }
tec
execute0_lowered:
.L_overlay_start_1:
0x0: {  	(tag) =	ssettag $0x1  }
0x1: {  	s0 =	rddreg [dreg:$0x0]  }
0x2: {  	s1 =	srdreg.scid;
	s2 =	simm.s32 $0x0;
	s7 =	stileid.u32  }
0x3: {  	s11 =	simm.s32 $0x3;
	s12 =	simm.s32 $0x80;
	s13 =	simm.s32 $0x1000  }
0x4: {  	s23 =	simm.s32 $0xD80;
	s24 =	simm.s32 $0x7C00;
	s25 =	simm.s32 $0xE00  }
0x5: {  	s28 =	simm.s32 $0xE80;
	s29 =	simm.s32 $0x8400;
	s30 =	simm.s32 $0xF00  }
0x6: {  	s31 =	simm.s32 $0x8800;
	s10 =	simm.s32 $0x1;
	s14 =	simm.s32 $0x9000  }
0x7: {  	s15 =	simm.s32 $0xA000;
	s16 =	simm.s32 $0xB000;
	s17 =	simm.s32 $0xC000  }
0x8: {  	s19 =	simm.s32 $0x0;
	s1 =	sand.u32 $0x1, s1;
	s4 =	sadd.s32 $0x101400, s0  }
0x9: {  	[smem:$0x7FF] =	sst s2;
	s5 =	sadd.s32 $0x301400, s0;
	s7 =	sshll.u32 s7, $0xE  }
0xa: {  	s8 =	sadd.s32 $0x381400, s0;
	s9 =	sadd.s32 $0x3C1400, s0;
	s3 =	ssub.s32 $0x2, s1  }
0xb: {  	_ =	strace $0x8000004D;
	s1 =	sshll.u32 s1, $0xD;
	s6 =	sshrl.u32 s3, $0x1  }
0xc: {  	s7 =	sor.u32 s1, s7;
	s1 =	simm.s32 $0x2;
	s3 =	ssub.s32 s3, s6  }
0xd: {  	v0 =	vlaneseq.u32;
	s6 =	sadd.s32 $0x341400, s0;
	s0 =	simm.s32 $0xF80;
	s26 =	smax.u32 s3, $0x1  }
0xe: {  	v0 =	vmul.u32 $0x8, v0;
	s3 =	simm.s32 $0x8C00;
	[dreg:$0x3] =	wrdreg s26;
	s26 =	simm.s32 $0x8000  }
.LBB2_1:
0xf: {  	[dreg:$0x4] =	wrdreg s19;
	s18 =	simm.s32 $0x0  }
.LBB2_2:
0x10: {  	s19 =	sshll.u32 s18, $0x9  }
0x11: {  	s20 =	rddreg [dreg:$0x1];
	s19 =	sadd.s32 s7, s19  }
0x12: {  	s21 =	sadd.s32 s20, s19;
	s20 =	simm.s32 $0x0  }
0x13: {  	[tilespmem:s20], [sflag:$0x3] =	stream.linear.gather [hbm4b:s21+s20], $0x1000, $0x38;
	[tilespmem:$0xD000] =	vst v63  }
0x14: {  	_ =	swait.ge [sflag:s11], $0x1000  }
0x15: {  	[sflag:s11] =	ssyncset.done $0x0  }
0x16: {  	[sflag:s11] =	ssyncadd.s32 $0xFFFFF000  }
0x17: {  	[tilespmem:s13], [sflag:$0x1] =	stream.indirect.gather [hbm4b:s4+s12], $0x8, s20, s12, $0xb8;
	[tilespmem:$0xD000] =	vst v63  }
0x18: {  	s22 =	simm.s32 $0x1400  }
0x19: {  	[tilespmem:s22], [sflag:$0x1] =	stream.indirect.gather [hbm4b:s4+s12], $0x8, s12, s12, $0xb8;
	[tilespmem:$0xD000] =	vst v63  }
0x1a: {  	s21 =	simm.s32 $0x100;
	s22 =	simm.s32 $0x1800  }
0x1b: {  	[tilespmem:s22], [sflag:$0x1] =	stream.indirect.gather [hbm4b:s4+s12], $0x8, s21, s12, $0xb8;
	[tilespmem:$0xD000] =	vst v63  }
0x1c: {  	s21 =	simm.s32 $0x180;
	s22 =	simm.s32 $0x1C00  }
0x1d: {  	[tilespmem:s22], [sflag:$0x1] =	stream.indirect.gather [hbm4b:s4+s12], $0x8, s21, s12, $0xb8;
	[tilespmem:$0xD000] =	vst v63  }
0x1e: {  	s21 =	simm.s32 $0x200;
	s22 =	simm.s32 $0x2000  }
0x1f: {  	[tilespmem:s22], [sflag:$0x1] =	stream.indirect.gather [hbm4b:s4+s12], $0x8, s21, s12, $0xb8;
	[tilespmem:$0xD000] =	vst v63  }
0x20: {  	s21 =	simm.s32 $0x280;
	s22 =	simm.s32 $0x2400  }
0x21: {  	[tilespmem:s22], [sflag:$0x1] =	stream.indirect.gather [hbm4b:s4+s12], $0x8, s21, s12, $0xb8;
	[tilespmem:$0xD000] =	vst v63  }
0x22: {  	s21 =	simm.s32 $0x300;
	s22 =	simm.s32 $0x2800  }
0x23: {  	[tilespmem:s22], [sflag:$0x1] =	stream.indirect.gather [hbm4b:s4+s12], $0x8, s21, s12, $0xb8;
	[tilespmem:$0xD000] =	vst v63  }
0x24: {  	s21 =	simm.s32 $0x380;
	s22 =	simm.s32 $0x2C00  }
0x25: {  	[tilespmem:s22], [sflag:$0x1] =	stream.indirect.gather [hbm4b:s4+s12], $0x8, s21, s12, $0xb8;
	[tilespmem:$0xD000] =	vst v63  }
0x26: {  	s21 =	simm.s32 $0x400;
	s22 =	simm.s32 $0x3000  }
0x27: {  	[tilespmem:s22], [sflag:$0x1] =	stream.indirect.gather [hbm4b:s4+s12], $0x8, s21, s12, $0xb8;
	[tilespmem:$0xD000] =	vst v63  }
0x28: {  	s21 =	simm.s32 $0x480;
	s22 =	simm.s32 $0x3400  }
0x29: {  	[tilespmem:s22], [sflag:$0x1] =	stream.indirect.gather [hbm4b:s4+s12], $0x8, s21, s12, $0xb8;
	[tilespmem:$0xD000] =	vst v63  }
0x2a: {  	s21 =	simm.s32 $0x500;
	s22 =	simm.s32 $0x3800  }
0x2b: {  	[tilespmem:s22], [sflag:$0x1] =	stream.indirect.gather [hbm4b:s4+s12], $0x8, s21, s12, $0xb8;
	[tilespmem:$0xD000] =	vst v63  }
0x2c: {  	s21 =	simm.s32 $0x580;
	s22 =	simm.s32 $0x3C00  }
0x2d: {  	[tilespmem:s22], [sflag:$0x1] =	stream.indirect.gather [hbm4b:s4+s12], $0x8, s21, s12, $0xb8;
	[tilespmem:$0xD000] =	vst v63  }
0x2e: {  	s21 =	simm.s32 $0x600;
	s22 =	simm.s32 $0x4000  }
0x2f: {  	[tilespmem:s22], [sflag:$0x1] =	stream.indirect.gather [hbm4b:s4+s12], $0x8, s21, s12, $0xb8;
	[tilespmem:$0xD000] =	vst v63  }
0x30: {  	s21 =	simm.s32 $0x680;
	s22 =	simm.s32 $0x4400  }
0x31: {  	[tilespmem:s22], [sflag:$0x1] =	stream.indirect.gather [hbm4b:s4+s12], $0x8, s21, s12, $0xb8;
	[tilespmem:$0xD000] =	vst v63  }
0x32: {  	s21 =	simm.s32 $0x700;
	s22 =	simm.s32 $0x4800  }
0x33: {  	[tilespmem:s22], [sflag:$0x1] =	stream.indirect.gather [hbm4b:s4+s12], $0x8, s21, s12, $0xb8;
	[tilespmem:$0xD000] =	vst v63  }
0x34: {  	s21 =	simm.s32 $0x780;
	s22 =	simm.s32 $0x4C00  }
0x35: {  	[tilespmem:s22], [sflag:$0x1] =	stream.indirect.gather [hbm4b:s4+s12], $0x8, s21, s12, $0xb8;
	[tilespmem:$0xD000] =	vst v63  }
0x36: {  	s21 =	simm.s32 $0x800;
	s22 =	simm.s32 $0x5000  }
0x37: {  	[tilespmem:s22], [sflag:$0x2] =	stream.indirect.gather [hbm4b:s4+s12], $0x8, s21, s12, $0xb8;
	[tilespmem:$0xD000] =	vst v63  }
0x38: {  	s21 =	simm.s32 $0x880;
	s22 =	simm.s32 $0x5400  }
0x39: {  	[tilespmem:s22], [sflag:$0x2] =	stream.indirect.gather [hbm4b:s4+s12], $0x8, s21, s12, $0xb8;
	[tilespmem:$0xD000] =	vst v63  }
0x3a: {  	s21 =	simm.s32 $0x900;
	s22 =	simm.s32 $0x5800  }
0x3b: {  	[tilespmem:s22], [sflag:$0x2] =	stream.indirect.gather [hbm4b:s4+s12], $0x8, s21, s12, $0xb8;
	[tilespmem:$0xD000] =	vst v63  }
0x3c: {  	s21 =	simm.s32 $0x980;
	s22 =	simm.s32 $0x5C00  }
0x3d: {  	[tilespmem:s22], [sflag:$0x2] =	stream.indirect.gather [hbm4b:s4+s12], $0x8, s21, s12, $0xb8;
	[tilespmem:$0xD000] =	vst v63  }
0x3e: {  	s21 =	simm.s32 $0xA00;
	s22 =	simm.s32 $0x6000  }
0x3f: {  	[tilespmem:s22], [sflag:$0x2] =	stream.indirect.gather [hbm4b:s4+s12], $0x8, s21, s12, $0xb8;
	[tilespmem:$0xD000] =	vst v63  }
0x40: {  	s21 =	simm.s32 $0xA80;
	s22 =	simm.s32 $0x6400  }
0x41: {  	[tilespmem:s22], [sflag:$0x2] =	stream.indirect.gather [hbm4b:s4+s12], $0x8, s21, s12, $0xb8;
	[tilespmem:$0xD000] =	vst v63  }
0x42: {  	s21 =	simm.s32 $0xB00;
	s22 =	simm.s32 $0x6800  }
0x43: {  	[tilespmem:s22], [sflag:$0x2] =	stream.indirect.gather [hbm4b:s4+s12], $0x8, s21, s12, $0xb8;
	[tilespmem:$0xD000] =	vst v63  }
0x44: {  	s21 =	simm.s32 $0xB80;
	s22 =	simm.s32 $0x6C00  }
0x45: {  	[tilespmem:s22], [sflag:$0x2] =	stream.indirect.gather [hbm4b:s4+s12], $0x8, s21, s12, $0xb8;
	[tilespmem:$0xD000] =	vst v63  }
0x46: {  	s21 =	simm.s32 $0xC00;
	s22 =	simm.s32 $0x7000  }
0x47: {  	[tilespmem:s22], [sflag:$0x2] =	stream.indirect.gather [hbm4b:s4+s12], $0x8, s21, s12, $0xb8;
	[tilespmem:$0xD000] =	vst v63  }
0x48: {  	s21 =	simm.s32 $0xC80;
	s22 =	simm.s32 $0x7400  }
0x49: {  	[tilespmem:s22], [sflag:$0x2] =	stream.indirect.gather [hbm4b:s4+s12], $0x8, s21, s12, $0xb8;
	[tilespmem:$0xD000] =	vst v63  }
0x4a: {  	s21 =	simm.s32 $0xD00;
	s22 =	simm.s32 $0x7800  }
0x4b: {  	[tilespmem:s22], [sflag:$0x2] =	stream.indirect.gather [hbm4b:s4+s12], $0x8, s21, s12, $0xb8;
	[tilespmem:$0xD000] =	vst v63  }
0x4c: {  	_ = 	snop  }
0x4d: {  	[tilespmem:s24], [sflag:$0x2] =	stream.indirect.gather [hbm4b:s4+s12], $0x8, s23, s12, $0xb8;
	[tilespmem:$0xD000] =	vst v63  }
0x4e: {  	_ = 	snop  }
0x4f: {  	[tilespmem:s26], [sflag:$0x2] =	stream.indirect.gather [hbm4b:s4+s12], $0x8, s25, s12, $0xb8;
	[tilespmem:$0xD000] =	vst v63  }
0x50: {  	_ = 	snop  }
0x51: {  	[tilespmem:s29], [sflag:$0x2] =	stream.indirect.gather [hbm4b:s4+s12], $0x8, s28, s12, $0xb8;
	[tilespmem:$0xD000] =	vst v63  }
0x52: {  	_ = 	snop  }
0x53: {  	[tilespmem:s31], [sflag:$0x2] =	stream.indirect.gather [hbm4b:s4+s12], $0x8, s30, s12, $0xb8;
	[tilespmem:$0xD000] =	vst v63  }
0x54: {  	_ = 	snop  }
0x55: {  	[tilespmem:s3], [sflag:$0x2] =	stream.indirect.gather [hbm4b:s4+s12], $0x8, s0, s12, $0xb8;
	[tilespmem:$0xD000] =	vst v63  }
0x56: {  	_ =	swait.ge [sflag:s10], $0x400  }
0x57: {  	[sflag:s10] =	ssyncset.done $0x0  }
0x58: {  	[sflag:s10] =	ssyncadd.s32 $0xFFFFFC00  }
0x59: {  	_ =	swait.ge [sflag:s10], $0x400  }
0x5a: {  	[sflag:s10] =	ssyncset.done $0x0  }
0x5b: {  	[sflag:s10] =	ssyncadd.s32 $0xFFFFFC00  }
0x5c: {  	_ =	swait.ge [sflag:s10], $0x400  }
0x5d: {  	[sflag:s10] =	ssyncset.done $0x0  }
0x5e: {  	[sflag:s10] =	ssyncadd.s32 $0xFFFFFC00  }
0x5f: {  	_ =	swait.ge [sflag:s10], $0x400  }
0x60: {  	[sflag:s10] =	ssyncset.done $0x0  }
0x61: {  	[sflag:s10] =	ssyncadd.s32 $0xFFFFFC00  }
0x62: {  	_ =	swait.ge [sflag:s10], $0x400  }
0x63: {  	[sflag:s10] =	ssyncset.done $0x0  }
0x64: {  	[sflag:s10] =	ssyncadd.s32 $0xFFFFFC00  }
0x65: {  	_ =	swait.ge [sflag:s10], $0x400  }
0x66: {  	[sflag:s10] =	ssyncset.done $0x0  }
0x67: {  	[sflag:s10] =	ssyncadd.s32 $0xFFFFFC00  }
0x68: {  	_ =	swait.ge [sflag:s10], $0x400  }
0x69: {  	[sflag:s10] =	ssyncset.done $0x0  }
0x6a: {  	[sflag:s10] =	ssyncadd.s32 $0xFFFFFC00  }
0x6b: {  	_ =	swait.ge [sflag:s10], $0x400  }
0x6c: {  	[sflag:s10] =	ssyncset.done $0x0  }
0x6d: {  	[sflag:s10] =	ssyncadd.s32 $0xFFFFFC00  }
0x6e: {  	_ =	swait.ge [sflag:s10], $0x400  }
0x6f: {  	[sflag:s10] =	ssyncset.done $0x0  }
0x70: {  	[sflag:s10] =	ssyncadd.s32 $0xFFFFFC00  }
0x71: {  	_ =	swait.ge [sflag:s10], $0x400  }
0x72: {  	[sflag:s10] =	ssyncset.done $0x0  }
0x73: {  	[sflag:s10] =	ssyncadd.s32 $0xFFFFFC00  }
0x74: {  	_ =	swait.ge [sflag:s10], $0x400  }
0x75: {  	[sflag:s10] =	ssyncset.done $0x0  }
0x76: {  	[sflag:s10] =	ssyncadd.s32 $0xFFFFFC00  }
0x77: {  	_ =	swait.ge [sflag:s10], $0x400  }
0x78: {  	[sflag:s10] =	ssyncset.done $0x0  }
0x79: {  	[sflag:s10] =	ssyncadd.s32 $0xFFFFFC00  }
0x7a: {  	_ =	swait.ge [sflag:s10], $0x400  }
0x7b: {  	[sflag:s10] =	ssyncset.done $0x0  }
0x7c: {  	[sflag:s10] =	ssyncadd.s32 $0xFFFFFC00  }
0x7d: {  	_ =	swait.ge [sflag:s10], $0x400  }
0x7e: {  	[sflag:s10] =	ssyncset.done $0x0  }
0x7f: {  	v1 =	vmov s20;
	[sflag:s10] =	ssyncadd.s32 $0xFFFFFC00  }
0x80: {  	v1 =	vshll.u32 v1, $0x3;
	_ =	swait.ge [sflag:s10], $0x400  }
0x81: {  	v1 =	vor.u32 v0, v1;
	[sflag:s10] =	ssyncset.done $0x0  }
0x82: {  	[sflag:s10] =	ssyncadd.s32 $0xFFFFFC00  }
0x83: {  	_ =	swait.ge [sflag:s10], $0x400  }
0x84: {  	[sflag:s10] =	ssyncset.done $0x0  }
0x85: {  	[sflag:s10] =	ssyncadd.s32 $0xFFFFFC00  }
0x86: {  	v2 =	vld.idx.msk [tilespmem:v1+s13+$0x0], $0xffff  }
0x87: {  	v3 =	vor.u32 $0x1, v1;
	_ =	sdelay $0x2  }
0x88: {  	s20 =	simm.s32 $0xB000  }
0x89: {  	[tilespmem:s20+$0xFFFFE000] =	vst v2  }
0x8a: {  	v2 =	vld.idx.msk [tilespmem:v3+s13+$0x0], $0xffff  }
0x8b: {  	v3 =	vor.u32 $0x2, v1;
	_ =	sdelay $0x3  }
0x8c: {  	[tilespmem:s20+$0xFFFFF000] =	vst v2  }
0x8d: {  	v2 =	vld.idx.msk [tilespmem:v3+s13+$0x0], $0xffff  }
0x8e: {  	v1 =	vor.u32 $0x3, v1;
	_ =	sdelay $0x3  }
0x8f: {  	s22 =	simm.s32 $0x10;
	[tilespmem:s20+$0x0] =	vst v2  }
0x90: {  	s21 =	simm.s32 $0x20;
	v2 =	vmov s22;
	v1 =	vld.idx.msk [tilespmem:v1+s13+$0x0], $0xffff  }
.LBB2_3:
0x91: {  	p0 =	sne.s32 s21, $0x7F0;
	v2 =	vshll.u32 v2, $0x3  }
0x92: {  	v2 =	vor.u32 v0, v2;
	_ =	sdelay $0x3  }
0x93: {  	[tilespmem:s20+$0x1000] =	vst v1  }
0x94: {  	v1 =	vld.idx.msk [tilespmem:v2+s13+$0x0], $0xffff;
	_ =	sdelay $0x1  }
0x95: {  	v3 =	vor.u32 $0x1, v2;
	_ =	sdelay $0x2  }
0x96: {  	s20 =	sadd.s32 $0x10, s20  }
0x97: {  	[tilespmem:s20+$0xFFFFE000] =	vst v1  }
0x98: {  	v1 =	vld.idx.msk [tilespmem:v3+s13+$0x0], $0xffff;
	_ =	sdelay $0x1  }
0x99: {  	v3 =	vor.u32 $0x2, v2;
	_ =	sdelay $0x3  }
0x9a: {  	[tilespmem:s20+$0xFFFFF000] =	vst v1  }
0x9b: {  	v1 =	vld.idx.msk [tilespmem:v3+s13+$0x0], $0xffff;
	_ =	sdelay $0x1  }
0x9c: {  	v3 =	vor.u32 $0x3, v2  }
.Ltmp0:
0x9d: {  	(pc) =	sbr.rel @p0 .LBB2_3-.Ltmp0, $3  }
0x9e: {  	_ =	sdelay $0x1  }
0x9f: {  	[tilespmem:s20+$0x0] =	vst v1  }
0xa0: {  	v2 =	vmov s21;
	s21 =	sadd.s32 $0x10, s21;
	v1 =	vld.idx.msk [tilespmem:v3+s13+$0x0], $0xffff  }
0xa1: {  	v2 =	vshll.u32 v2, $0x3  }
0xa2: {  	v2 =	vor.u32 v0, v2;
	_ =	sdelay $0x3  }
0xa3: {  	[tilespmem:s20+$0x1000] =	vst v1  }
0xa4: {  	v1 =	vld.idx.msk [tilespmem:v2+s13+$0x0], $0xffff  }
0xa5: {  	v3 =	vor.u32 $0x1, v2;
	_ =	sdelay $0x2  }
0xa6: {  	s21 =	sadd.s32 $0x10, s20  }
0xa7: {  	[tilespmem:s21+$0xFFFFE000] =	vst v1  }
0xa8: {  	v1 =	vld.idx.msk [tilespmem:v3+s13+$0x0], $0xffff  }
0xa9: {  	v3 =	vor.u32 $0x2, v2;
	_ =	sdelay $0x3  }
0xaa: {  	[tilespmem:s21+$0xFFFFF000] =	vst v1  }
0xab: {  	v1 =	vld.idx.msk [tilespmem:v3+s13+$0x0], $0xffff  }
0xac: {  	v2 =	vor.u32 $0x3, v2;
	_ =	sdelay $0x3  }
0xad: {  	[tilespmem:s21+$0x0] =	vst v1  }
0xae: {  	v1 =	vld.idx.msk [tilespmem:v2+s13+$0x0], $0xffff;
	_ =	sdelay $0x4  }
0xaf: {  	[tilespmem:s21+$0x1000] =	vst v1  }
0xb0: {  	_ =	swait.ge [sflag:s1], $0x400  }
0xb1: {  	[sflag:s1] =	ssyncset.done $0x0  }
0xb2: {  	[sflag:s1] =	ssyncadd.s32 $0xFFFFFC00  }
0xb3: {  	_ =	swait.ge [sflag:s1], $0x400  }
0xb4: {  	[sflag:s1] =	ssyncset.done $0x0  }
0xb5: {  	[sflag:s1] =	ssyncadd.s32 $0xFFFFFC00  }
0xb6: {  	_ =	swait.ge [sflag:s1], $0x400  }
0xb7: {  	[sflag:s1] =	ssyncset.done $0x0  }
0xb8: {  	[sflag:s1] =	ssyncadd.s32 $0xFFFFFC00  }
0xb9: {  	_ =	swait.ge [sflag:s1], $0x400  }
0xba: {  	[sflag:s1] =	ssyncset.done $0x0  }
0xbb: {  	[sflag:s1] =	ssyncadd.s32 $0xFFFFFC00  }
0xbc: {  	_ =	swait.ge [sflag:s1], $0x400  }
0xbd: {  	[sflag:s1] =	ssyncset.done $0x0  }
0xbe: {  	[sflag:s1] =	ssyncadd.s32 $0xFFFFFC00  }
0xbf: {  	_ =	swait.ge [sflag:s1], $0x400  }
0xc0: {  	[sflag:s1] =	ssyncset.done $0x0  }
0xc1: {  	[sflag:s1] =	ssyncadd.s32 $0xFFFFFC00  }
0xc2: {  	_ =	swait.ge [sflag:s1], $0x400  }
0xc3: {  	[sflag:s1] =	ssyncset.done $0x0  }
0xc4: {  	[sflag:s1] =	ssyncadd.s32 $0xFFFFFC00  }
0xc5: {  	_ =	swait.ge [sflag:s1], $0x400  }
0xc6: {  	[sflag:s1] =	ssyncset.done $0x0  }
0xc7: {  	[sflag:s1] =	ssyncadd.s32 $0xFFFFFC00  }
0xc8: {  	_ =	swait.ge [sflag:s1], $0x400  }
0xc9: {  	[sflag:s1] =	ssyncset.done $0x0  }
0xca: {  	[sflag:s1] =	ssyncadd.s32 $0xFFFFFC00  }
0xcb: {  	_ =	swait.ge [sflag:s1], $0x400  }
0xcc: {  	[sflag:s1] =	ssyncset.done $0x0  }
0xcd: {  	[sflag:s1] =	ssyncadd.s32 $0xFFFFFC00  }
0xce: {  	_ =	swait.ge [sflag:s1], $0x400  }
0xcf: {  	[sflag:s1] =	ssyncset.done $0x0  }
0xd0: {  	[sflag:s1] =	ssyncadd.s32 $0xFFFFFC00  }
0xd1: {  	_ =	swait.ge [sflag:s1], $0x400  }
0xd2: {  	[sflag:s1] =	ssyncset.done $0x0  }
0xd3: {  	[sflag:s1] =	ssyncadd.s32 $0xFFFFFC00  }
0xd4: {  	_ =	swait.ge [sflag:s1], $0x400  }
0xd5: {  	[sflag:s1] =	ssyncset.done $0x0  }
0xd6: {  	[sflag:s1] =	ssyncadd.s32 $0xFFFFFC00  }
0xd7: {  	_ =	swait.ge [sflag:s1], $0x400  }
0xd8: {  	s22 =	simm.s32 $0x800;
	[sflag:s1] =	ssyncset.done $0x0  }
0xd9: {  	v1 =	vmov s22;
	[sflag:s1] =	ssyncadd.s32 $0xFFFFFC00  }
0xda: {  	v1 =	vshll.u32 v1, $0x3;
	_ =	swait.ge [sflag:s1], $0x400  }
0xdb: {  	v1 =	vor.u32 v0, v1;
	[sflag:s1] =	ssyncset.done $0x0  }
0xdc: {  	[sflag:s1] =	ssyncadd.s32 $0xFFFFFC00  }
0xdd: {  	_ =	swait.ge [sflag:s1], $0x400  }
0xde: {  	[sflag:s1] =	ssyncset.done $0x0  }
0xdf: {  	[sflag:s1] =	ssyncadd.s32 $0xFFFFFC00  }
0xe0: {  	v2 =	vld.idx.msk [tilespmem:v1+s13+$0x0], $0xffff  }
0xe1: {  	v3 =	vor.u32 $0x1, v1;
	_ =	sdelay $0x2  }
0xe2: {  	s20 =	simm.s32 $0xB800  }
0xe3: {  	[tilespmem:s20+$0xFFFFE000] =	vst v2  }
0xe4: {  	v2 =	vld.idx.msk [tilespmem:v3+s13+$0x0], $0xffff  }
0xe5: {  	v3 =	vor.u32 $0x2, v1;
	_ =	sdelay $0x3  }
0xe6: {  	[tilespmem:s20+$0xFFFFF000] =	vst v2  }
0xe7: {  	v2 =	vld.idx.msk [tilespmem:v3+s13+$0x0], $0xffff  }
0xe8: {  	v1 =	vor.u32 $0x3, v1;
	_ =	sdelay $0x3  }
0xe9: {  	s21 =	simm.s32 $0x810;
	[tilespmem:s20+$0x0] =	vst v2  }
0xea: {  	v2 =	vmov s21;
	s21 =	simm.s32 $0x820;
	v1 =	vld.idx.msk [tilespmem:v1+s13+$0x0], $0xffff  }
.LBB2_5:
0xeb: {  	p0 =	sne.s32 s21, $0xFF0;
	v2 =	vshll.u32 v2, $0x3  }
0xec: {  	v2 =	vor.u32 v0, v2;
	_ =	sdelay $0x3  }
0xed: {  	[tilespmem:s20+$0x1000] =	vst v1  }
0xee: {  	v1 =	vld.idx.msk [tilespmem:v2+s13+$0x0], $0xffff;
	_ =	sdelay $0x1  }
0xef: {  	v3 =	vor.u32 $0x1, v2;
	_ =	sdelay $0x2  }
0xf0: {  	s20 =	sadd.s32 $0x10, s20  }
0xf1: {  	[tilespmem:s20+$0xFFFFE000] =	vst v1  }
0xf2: {  	v1 =	vld.idx.msk [tilespmem:v3+s13+$0x0], $0xffff;
	_ =	sdelay $0x1  }
0xf3: {  	v3 =	vor.u32 $0x2, v2;
	_ =	sdelay $0x3  }
0xf4: {  	[tilespmem:s20+$0xFFFFF000] =	vst v1  }
0xf5: {  	v1 =	vld.idx.msk [tilespmem:v3+s13+$0x0], $0xffff;
	_ =	sdelay $0x1  }
0xf6: {  	v3 =	vor.u32 $0x3, v2  }
.Ltmp1:
0xf7: {  	(pc) =	sbr.rel @p0 .LBB2_5-.Ltmp1, $3  }
0xf8: {  	_ =	sdelay $0x1  }
0xf9: {  	[tilespmem:s20+$0x0] =	vst v1  }
0xfa: {  	v2 =	vmov s21;
	s21 =	sadd.s32 $0x10, s21;
	v1 =	vld.idx.msk [tilespmem:v3+s13+$0x0], $0xffff  }
0xfb: {  	v2 =	vshll.u32 v2, $0x3  }
0xfc: {  	v2 =	vor.u32 v0, v2;
	_ =	sdelay $0x3  }
0xfd: {  	[tilespmem:s20+$0x1000] =	vst v1  }
0xfe: {  	v1 =	vld.idx.msk [tilespmem:v2+s13+$0x0], $0xffff  }
0xff: {  	v3 =	vor.u32 $0x1, v2;
	_ =	sdelay $0x2  }
0x100: {  	s22 =	sadd.s32 $0x10, s20  }
0x101: {  	[tilespmem:s22+$0xFFFFE000] =	vst v1  }
0x102: {  	v1 =	vld.idx.msk [tilespmem:v3+s13+$0x0], $0xffff  }
0x103: {  	v3 =	vor.u32 $0x2, v2;
	_ =	sdelay $0x3  }
0x104: {  	[tilespmem:s22+$0xFFFFF000] =	vst v1  }
0x105: {  	v1 =	vld.idx.msk [tilespmem:v3+s13+$0x0], $0xffff  }
0x106: {  	v2 =	vor.u32 $0x3, v2;
	_ =	sdelay $0x3  }
0x107: {  	[tilespmem:s22+$0x0] =	vst v1  }
0x108: {  	v1 =	vld.idx.msk [tilespmem:v2+s13+$0x0], $0xffff;
	_ =	sdelay $0x4  }
0x109: {  	s21 =	sadd.s32 s5, s19;
	[tilespmem:s22+$0x1000] =	vst v1  }
0x10a: {  	[hbm4b:s21+s2] =	stream.linear.scatter [tilespmem:s14], [sflag:$0x3], $0x1000, $0x38;
	[tilespmem:$0xD000] =	vst v63  }
0x10b: {  	_ =	swait.ge [sflag:s11], $0x1000  }
0x10c: {  	[sflag:s11] =	ssyncset.done $0x0  }
0x10d: {  	s22 =	sadd.s32 s19, s6;
	[sflag:s11] =	ssyncadd.s32 $0xFFFFF000  }
0x10e: {  	[hbm4b:s22+s2] =	stream.linear.scatter [tilespmem:s15], [sflag:$0x3], $0x1000, $0x38;
	[tilespmem:$0xD000] =	vst v63  }
0x10f: {  	_ =	swait.ge [sflag:s11], $0x1000  }
0x110: {  	[sflag:s11] =	ssyncset.done $0x0  }
0x111: {  	s21 =	sadd.s32 s19, s8;
	[sflag:s11] =	ssyncadd.s32 $0xFFFFF000  }
0x112: {  	[hbm4b:s21+s2] =	stream.linear.scatter [tilespmem:s16], [sflag:$0x3], $0x1000, $0x38;
	[tilespmem:$0xD000] =	vst v63  }
0x113: {  	s18 =	sadd.s32 $0x1, s18;
	_ =	swait.ge [sflag:s11], $0x1000  }
0x114: {  	p0 =	sne.s32 s18, $0x10;
	[sflag:s11] =	ssyncset.done $0x0  }
.Ltmp2:
0x115: {  	s22 =	sadd.s32 s19, s9;
	[sflag:s11] =	ssyncadd.s32 $0xFFFFF000;
	(pc) =	sbr.rel @p0 .LBB2_2-.Ltmp2, $4  }
0x116: {  	[hbm4b:s22+s2] =	stream.linear.scatter [tilespmem:s17], [sflag:$0x3], $0x1000, $0x38;
	[tilespmem:$0xD000] =	vst v63  }
0x117: {  	_ =	swait.ge [sflag:s11], $0x1000  }
0x118: {  	[sflag:s11] =	ssyncset.done $0x0  }
0x119: {  	[sflag:s11] =	ssyncadd.s32 $0xFFFFF000  }
0x11a: {  	s19 =	rddreg [dreg:$0x4]  }
0x11b: {  	s18 =	rddreg [dreg:$0x3];
	s19 =	sadd.s32 $0x1, s19  }
0x11c: {  	p0 =	sne.s32 s19, s18  }
.Ltmp3:
0x11d: {  	_ = 	snop;
	(pc) =	sbr.rel @p0 .LBB2_1-.Ltmp3, $1  }
0x11e: {  	_ =	sdelay $0x3  }
0x11f: {  	_ =	sfence.sel $0x180000  }
0x120: {  	[bflag:$0x0] =	sbarrier.arrive $0xFFFF  }
0x121: {  	_ =	strace $0x9000004D  }
0x122: {  	s0 =	stileid.u32;
	[bflag:$0x2] =	sbarrier.arrive $0xFFFF  }
0x123: {  	p0 =	sne.s32 s0, $0x0;
	s0 =	rddreg [dreg:$0x2]  }
0x124: {  	s0 =	sadd.s32 @!p0 $0x100000, s0  }
0x125: {  	[sflag:s0] =	ssyncadd.tile.s32 @!p0 $0x1;
	_ =	shalt  }
.Lfunc_end2:
_tile_overlayer_lowered:
.L_overlay_start_2:
0x126: {  	(tag) =	ssettag $0x2  }
0x127: {  	s0 =	rddreg [dreg:$0x0];
	s2 =	stileid.u32  }
0x128: {  	s1 =	rddreg [dreg:$0x1];
	p0 =	sne.s32 s2, $0x0  }
0x129: {  	s3 =	rddreg [dreg:$0x2];
	[bflag:$0x3] =	sbarrier.arrive $0xFFFF;
	s2 =	simm.s32 @!p0 $0x1C03  }
0x12a: {  	[timem:s3], [sflag:s2] =	dma.local @!p0 [hbm:s0], s1  }
0x12b: {  	s0 =	simm.s32 @!p0 $0x3  }
0x12c: {  	_ =	swait.ge @!p0 [sflag:s0], s1  }
0x12d: {  	s1 =	ssub.s32 @!p0 $0x0, s1;
	[sflag:s0] =	ssyncset.done @!p0 $0x0  }
0x12e: {  	[sflag:s0] =	ssyncadd.s32 @!p0 s1  }
0x12f: {  	[bflag:$0x3] =	sbarrier.arrive $0xFFFF  }
0x130: {  	_ =	shalt  }

// kernel: sparse-core-data-format-call.cloned.1.call-start
scs
called_computation_lowered:
.L_overlay_start_0:
0x0: {  	s2 =	sld [smem:$0x3FD9]  }
0x1: {  	s3 =	sld [smem:$0x3FFE];
	_ =	sdelay $0x1  }
0x2: {  	s1 =	srdreg.scid  }
0x3: {  	s0 =	sand.u32 $0x1, s1  }
0x4: {  	s16 =	sshll.u32 s0, $0xA;
	s2 =	sadd.s32 s3, s2  }
0x5: {  	s2 =	sadd.s32 s2, s16  }
0x6: {  	[smem:$0x3FC6] =	sst s2  }
0x7: {  	_ = 	snop  }
0x8: {  	s2 =	sld [smem:$0x3FD0];
	_ =	sdelay $0x2  }
0x9: {  	s4 =	simm.s32 $0xA;
	s5 =	simm.s32 $0x10;
	s17 =	sld [smem:$0x3FC9]  }
0xa: {  	[smem:s5], [sflag:s4] =	dma.local [hbm:s2], $0x1  }
0xb: {  	_ =	swait.eq [sflag:s4], $0x1  }
0xc: {  	[sflag:s4] =	ssyncset.done $0x0  }
0xd: {  	[sflag:s4] =	ssyncadd.s32 $0xFFFFFFFF  }
0xe: {  	s18 =	sld [smem:$0x11];
	(tm) =	ssettm $0x1  }
0xf: {  	s19 =	sld [smem:$0x3FFB];
	_ =	sdelay $0x3  }
0x10: {  	_ =	strace s19  }
0x11: {  	s4 =	sld [smem:$0x3FFC];
	_ =	sdelay $0x3  }
0x12: {  	_ =	strace s4  }
0x13: {  	s4 =	sld [smem:$0x3FFD];
	_ =	sdelay $0x3  }
0x14: {  	_ =	strace s4  }
0x15: {  	_ =	strace $0x8FFFFFFF  }
0x16: {  	s20 =	sld [smem:$0x3FDB];
	_ =	sdelay $0x1  }
0x17: {  	s21 =	simm.s32 $_scs_section_size  }
0x18: {  	s6 =	simm.s32 $_size__tile_overlayer_lowered;
	s7 =	simm.s32 $_tile_overlayer_lowered  }
0x19: {  	s24 =	simm.s32 $0x1BFF;
	s23 =	sshll.u32 s7, $0x1;
	s4 =	sadd.s32 s21, s20  }
0x1a: {  	s8 =	simm.s32 $0x0;
	s22 =	sshll.u32 s6, $0x1;
	s6 =	sadd.s32 s23, s4  }
0x1b: {  	[timem:s8], [sflag:s24] =	dma.local [hbm:s6], s22  }
0x1c: {  	_ =	swait.ge [sflag:s24], s22  }
0x1d: {  	s5 =	ssub.s32 $0x0, s22;
	[sflag:s24] =	ssyncset.done $0x0  }
0x1e: {  	[sflag:s24] =	ssyncadd.s32 s5;
	_ =	sdelay $0x1  }
0x1f: {  	s25 =	simm.s32 $0x1B8B  }
0x20: {  	_ =	swait.ge [sflag:s25], $0x1  }
0x21: {  	[sflag:s25] =	ssyncset.done $0x0  }
0x22: {  	s26 =	simm.s32 $0x1B8E;
	[sflag:s25] =	ssyncadd.s32 $0xFFFFFFFF  }
0x23: {  	s27 =	simm.s32 $execute0_lowered;
	[smem:$0x3FD2] =	sst s26  }
0x24: {  	s5 =	sshll.u32 s27, $0x1;
	_ =	strace $0x80000046;
	[dreg:$0x1] =	wrdreg $0xFFFFFFFF  }
0x25: {  	s28 =	simm.s32 $_size_execute0_lowered;
	s4 =	sadd.s32 s4, s5;
	[dreg:$0x0] =	wrdreg $0x0  }
0x26: {  	s5 =	sshll.u32 s28, $0x1;
	[dreg:$0x2] =	wrdreg s4  }
0x27: {  	[dreg:$0x3] =	wrdreg s5  }
0x28: {  	[dreg:$0x4] =	wrdreg $0xC0  }
0x29: {  	_ =	task [dreg:s8], $0x5FFFF  }
0x2a: {  	[dreg:$0x1] =	wrdreg $0xFFFFFFFF  }
0x2b: {  	[dreg:$0x0] =	wrdreg $0x60  }
0x2c: {  	[dreg:$0x2] =	wrdreg s17  }
0x2d: {  	[dreg:$0x3] =	wrdreg s18  }
0x2e: {  	[dreg:$0x4] =	wrdreg $0x9  }
0x2f: {  	_ =	task.clear_ibuf [dreg:s8], $0x5FFFF;
	_ =	strace $0x90000046  }
0x30: {  	s29 =	simm.s32 $0x9;
	_ =	strace $0x80000048  }
0x31: {  	_ =	swait.ge [sflag:s29], $0x1  }
0x32: {  	[sflag:s29] =	ssyncadd.s32 $0xFFFFFFFF  }
0x33: {  	_ =	strace $0x90000048  }
0x34: {  	_ =	sfence  }
0x35: {  	s30 =	sld [smem:$0x0];
	_ =	sdelay $0x2  }
0x36: {  	s31 =	sshll.u32 s1, $0xD;
	s1 =	sshrl.u32 s1, $0x2  }
0x37: {  	s3 =	sand.u32 $0x4000, s31;
	s1 =	sadd.s32 s1, s30  }
0x38: {  	s0 =	sor.u32 s3, s0;
	s1 =	sshll.u32 s1, $0x11  }
0x39: {  	s0 =	sor.u32 s1, s0  }
0x3a: {  	s0 =	sadd.s32 $0x8F2B, s0  }
0x3b: {  	[sflag:s0] =	ssyncadd.remote.s32 $0x1  }
0x3c: {  	_ =	sfence.sel $0xFFFF  }
0x3d: {  	[dreg:$0x0] =	wrdreg $0xFFFFFFFF;
	(pc) =	sbr.abs _section_cstart, $3  }
0x3e: {  	[dreg:$0x1] =	wrdreg $0xFFFFFFFF  }
0x3f: {  	_ =	task.clear_ibuf [dreg:s8], $0x2FFFF;
	_ =	strace $0x9FFFFFFF  }
0x40: {  	(tm) =	ssettm $0x7FFFFFFF  }
0x41: {  	_ =	shalt  }
tec
execute0_lowered:
.L_overlay_start_1:
0x0: {  	(tag) =	ssettag $0x1  }
0x1: {  	s0 =	srdreg.scid  }
0x2: {  	s1 =	sshll.u32 s0, $0x4  }
0x3: {  	s2 =	rddreg [dreg:$0x0];
	s0 =	stileid.u32;
	s1 =	sand.u32 $0x10, s1  }
0x4: {  	s3 =	rddreg [dreg:$0x1];
	s5 =	simm.s32 $0x1;
	s1 =	sor.u32 s0, s1  }
0x5: {  	s8 =	simm.s32 $0x2;
	s13 =	simm.s32 $0x0;
	s4 =	sshll.u32 s1, $0x5  }
0x6: {  	s9 =	simm.s32 $0x200000;
	s10 =	simm.s32 $0x0;
	s6 =	ssub.s32 $0x4000, s4  }
.Ltmp0:
0x7: {  	s12 =	simm.s32 $0x0;
	s7 =	sand.u32 $0x3E0, s6;
	(pc) =	sbr.rel .LBB1_1-.Ltmp0, $4  }
0x8: {  	s1 =	rddreg [dreg:$0x2];
	p0 =	sne.s32 s7, $0x0;
	s7 =	simm.s32 $0x1  }
0x9: {  	_ =	strace $0x80000047;
	s6 =	sshrl.u32 s6, $0xA;
	s7 =	simm.s32 @!p0 $0x0  }
0xa: {  	[sflag:s5] =	ssyncpa.u1 $0x0;
	s11 =	smov.u32 s4;
	s6 =	sadd.s32 s7, s6  }
0xb: {  	[sflag:s8] =	ssyncpa.u1 $0x0;
	s8 =	simm.s32 $0x1000;
	s7 =	sadd.s32 $0x1, s6  }
.LBB1_7:
0xc: {  	s15 =	sadd.s32 $0x400, s11  }
0xd: {  	p1 =	sgt.s32 s15, $0x3FFF  }
0xe: {  	s15 =	smov.u32 @p1 s4;
	p1 =	sne.s32 s12, s7  }
.Ltmp1:
0xf: {  	p0 =	slt.u32 s12, $0x2;
	(pc) =	sbr.rel @!p1 .LBB1_8-.Ltmp1, $4  }
0x10: {  	s14 =	simm.s32 @!p0 $0x2  }
0x11: {  	s16 =	sadd.s32 $0x1, s12;
	_ =	swait.ge @!p0 [sflag:s14], $0x4000  }
0x12: {  	s13 =	smov.u32 s11;
	s10 =	sadd.s32 $0x4000, s10;
	[sflag:s14] =	ssyncset.done @!p0 $0x0  }
0x13: {  	s12 =	smov.u32 s16;
	s11 =	smov.u32 s15;
	[sflag:s14] =	ssyncadd.s32 @!p0 $0xFFFFC000  }
.LBB1_1:
0x14: {  	p0 =	sge.u32 s12, s6  }
0x15: {  	s14 =	sxor.u32 @!p0 $0xFFFFFFFF, s12  }
0x16: {  	s31 =	sadd.s32 $0xFFFFFFFF, s12;
	s15 =	sshll.u32 @!p0 s11, $0x6;
	s14 =	sshll.u32 @!p0 s14, $0xE  }
0x17: {  	s16 =	simm.s32 @!p0 $0x0;
	s15 =	sadd.s32 @!p0 s2, s15;
	s14 =	sand.u32 @!p0 $0x4000, s14  }
0x18: {  	[tilespmem:s14], [sflag:$0x1] =	stream.linear.gather @!p0 [hbm4b:s15+s16], $0x4000, $0x38;
	[tilespmem:$0x10000] =	vst v63  }
0x19: {  	p0 =	sge.u32 s31, s6  }
.Ltmp2:
0x1a: {  	_ = 	snop;
	(pc) =	sbr.rel @p0 .LBB1_7-.Ltmp2, $1  }
0x1b: {  	_ =	sdelay $0x3  }
0x1c: {  	s15 =	sand.u32 $0x4000, s10  }
0x1d: {  	_ =	swait.ge [sflag:s5], $0x4000;
	s17 =	sshll.u32 s12, $0xE;
	s14 =	sor.u32 $0x8040, s15  }
0x1e: {  	s16 =	sor.u32 $0x40, s15;
	[sflag:s5] =	ssyncset.done $0x0;
	s31 =	sand.u32 $0x4000, s17  }
0x1f: {  	s17 =	simm.s32 $0x0;
	[sflag:s5] =	ssyncadd.s32 $0xFFFFC000;
	s15 =	sor.u32 $0x8000, s31  }
.LBB1_3:
0x20: {  	v0 =	vmov s16;
	_ =	sdelay $0x3  }
0x21: {  	s19 =	simm.s32 $0x0  }
0x22: {  	v6 =	vld.idx.msk [tilespmem:v0+s19+$0x30 ss:$0x1], $0xffff  }
0x23: {  	v7 =	vld.idx.msk [tilespmem:v0+s19+$0xFFFFFFC0 ss:$0x1], $0xffff  }
0x24: {  	v5 =	vld.idx.msk [tilespmem:v0+s19+$0xFFFFFFD0 ss:$0x1], $0xffff  }
0x25: {  	v4 =	vld.idx.msk [tilespmem:v0+s19+$0xFFFFFFE0 ss:$0x1], $0xffff  }
0x26: {  	v3 =	vld.idx.msk [tilespmem:v0+s19+$0xFFFFFFF0 ss:$0x1], $0xffff  }
0x27: {  	v1 =	vld.idx.msk [tilespmem:v0+s19+$0x0 ss:$0x1], $0xffff  }
0x28: {  	v2 =	vld.idx.msk [tilespmem:v0+s19+$0x10 ss:$0x1], $0xffff;
	[tilespmem:s14+$0x30] =	vst v6  }
0x29: {  	s18 =	simm.s32 $0x80;
	s20 =	simm.s32 $0x400;
	[tilespmem:s14+$0xFFFFFFC0] =	vst v7;
	v6 =	vld.idx.msk [tilespmem:v0+s19+$0x20 ss:$0x1], $0xffff;
	s19 =	smov.u32 s14  }
.LBB1_4:
0x2a: {  	p0 =	sne.s32 s20, $0x600;
	v7 =	vld.idx.msk [tilespmem:v0+s18+$0x30 ss:$0x1], $0xffff;
	[tilespmem:s19+$0xFFFFFFD0] =	vst v5  }
0x2b: {  	v8 =	vld.idx.msk [tilespmem:v0+s18+$0xFFFFFFC0 ss:$0x1], $0xffff;
	[tilespmem:s19+$0xFFFFFFE0] =	vst v4  }
0x2c: {  	v5 =	vld.idx.msk [tilespmem:v0+s18+$0xFFFFFFD0 ss:$0x1], $0xffff;
	[tilespmem:s19+$0xFFFFFFF0] =	vst v3  }
.Ltmp3:
0x2d: {  	v4 =	vld.idx.msk [tilespmem:v0+s18+$0xFFFFFFE0 ss:$0x1], $0xffff;
	[tilespmem:s19+$0x0] =	vst v1;
	(pc) =	sbr.rel @p0 .LBB1_4-.Ltmp3, $4  }
0x2e: {  	v3 =	vld.idx.msk [tilespmem:v0+s18+$0xFFFFFFF0 ss:$0x1], $0xffff;
	[tilespmem:s19+$0x10] =	vst v2  }
0x2f: {  	v1 =	vld.idx.msk [tilespmem:v0+s18+$0x0 ss:$0x1], $0xffff;
	[tilespmem:s19+$0x20] =	vst v6;
	s19 =	sadd.s32 $0x1000, s19  }
0x30: {  	v2 =	vld.idx.msk [tilespmem:v0+s18+$0x10 ss:$0x1], $0xffff;
	[tilespmem:s19+$0x30] =	vst v7  }
0x31: {  	[tilespmem:s19+$0xFFFFFFC0] =	vst v8;
	v6 =	vld.idx.msk [tilespmem:v0+s18+$0x20 ss:$0x1], $0xffff;
	s18 =	sshra.s32 s20, $0x2;
	s20 =	sadd.s32 $0x200, s20  }
0x32: {  	_ =	sdelay $0x2  }
0x33: {  	[tilespmem:s19+$0xFFFFFFD0] =	vst v5  }
0x34: {  	v56 =	vld.idx.msk [tilespmem:v0+s18+$0x30 ss:$0x1], $0xffff;
	[tilespmem:s19+$0xFFFFFFE0] =	vst v4  }
0x35: {  	v57 =	vld.idx.msk [tilespmem:v0+s18+$0xFFFFFFC0 ss:$0x1], $0xffff;
	[tilespmem:s19+$0xFFFFFFF0] =	vst v3  }
0x36: {  	v58 =	vld.idx.msk [tilespmem:v0+s18+$0xFFFFFFD0 ss:$0x1], $0xffff;
	[tilespmem:s19+$0x0] =	vst v1  }
0x37: {  	v59 =	vld.idx.msk [tilespmem:v0+s18+$0xFFFFFFE0 ss:$0x1], $0xffff;
	[tilespmem:s19+$0x10] =	vst v2  }
0x38: {  	v60 =	vld.idx.msk [tilespmem:v0+s18+$0xFFFFFFF0 ss:$0x1], $0xffff;
	s31 =	sadd.s32 $0x1000, s19;
	[tilespmem:s19+$0x20] =	vst v6  }
0x39: {  	v61 =	vld.idx.msk [tilespmem:v0+s18+$0x0 ss:$0x1], $0xffff;
	[tilespmem:s31+$0x30] =	vst v56  }
0x3a: {  	v62 =	vld.idx.msk [tilespmem:v0+s18+$0x10 ss:$0x1], $0xffff;
	s17 =	sadd.s32 $0x1, s17;
	[tilespmem:s31+$0xFFFFFFC0] =	vst v57  }
0x3b: {  	v63 =	vld.idx.msk [tilespmem:v0+s18+$0x20 ss:$0x1], $0xffff;
	p0 =	sne.s32 s17, $0x20;
	[tilespmem:s31+$0xFFFFFFD0] =	vst v58  }
.Ltmp4:
0x3c: {  	[tilespmem:s31+$0xFFFFFFE0] =	vst v59;
	(pc) =	sbr.rel @p0 .LBB1_3-.Ltmp4, $4  }
0x3d: {  	[tilespmem:s31+$0xFFFFFFF0] =	vst v60  }
0x3e: {  	[tilespmem:s31+$0x0] =	vst v61  }
0x3f: {  	[tilespmem:s31+$0x10] =	vst v62  }
0x40: {  	s14 =	sadd.s32 $0x80, s14;
	s16 =	sadd.s32 $0x200, s16;
	[tilespmem:s31+$0x20] =	vst v63  }
.Ltmp5:
0x41: {  	(pc) =	sbr.rel .LBB1_7-.Ltmp5, $4  }
0x42: {  	s13 =	sshll.u32 s13, $0x4  }
0x43: {  	s13 =	sand.u32 $0x3FFF0, s13  }
0x44: {  	s13 =	sadd.s32 s3, s13  }
0x45: {  	[hbm4b:s13+s8] =	stream.strided.scatter [tilespmem:s15], [sflag:$0x2], $0x4000, s9, s8, $0x38;
	[tilespmem:$0x10000] =	vst v63  }
.LBB1_8:
0x46: {  	_ =	sfence.sel $0x180000  }
0x47: {  	s2 =	simm.s32 $0x1;
	[bflag:$0x0] =	sbarrier.arrive $0xFFFF  }
0x48: {  	s31 =	simm.s32 $0x2;
	[sflag:s2] =	ssyncpa.u1 $0x1  }
0x49: {  	[sflag:s31] =	ssyncpa.u1 $0x1  }
0x4a: {  	p0 =	sne.s32 s0, $0x0;
	_ =	strace $0x90000047  }
0x4b: {  	s0 =	sadd.s32 @!p0 $0x100000, s1;
	[bflag:$0x2] =	sbarrier.arrive $0xFFFF  }
0x4c: {  	[sflag:s0] =	ssyncadd.tile.s32 @!p0 $0x1;
	_ =	shalt  }
.Lfunc_end1:
_tile_overlayer_lowered:
.L_overlay_start_2:
0x4d: {  	(tag) =	ssettag $0x2  }
0x4e: {  	s0 =	rddreg [dreg:$0x0];
	s2 =	stileid.u32  }
0x4f: {  	s1 =	rddreg [dreg:$0x1];
	p0 =	sne.s32 s2, $0x0  }
0x50: {  	s3 =	rddreg [dreg:$0x2];
	[bflag:$0x3] =	sbarrier.arrive $0xFFFF;
	s2 =	simm.s32 @!p0 $0x1C01  }
0x51: {  	[timem:s3], [sflag:s2] =	dma.local @!p0 [hbm:s0], s1  }
0x52: {  	s0 =	simm.s32 @!p0 $0x1  }
0x53: {  	_ =	swait.ge @!p0 [sflag:s0], s1  }
0x54: {  	s1 =	ssub.s32 @!p0 $0x0, s1;
	[sflag:s0] =	ssyncset.done @!p0 $0x0  }
0x55: {  	[sflag:s0] =	ssyncadd.s32 @!p0 s1  }
0x56: {  	[bflag:$0x3] =	sbarrier.arrive $0xFFFF  }
0x57: {  	_ =	shalt  }

</sc_bundles>
